<compile_context>
chip_gen: v7x
topology: tpu7x:2x2x1
jax: 0.10.2.dev20260603
libtpu: 0.0.44.dev20260713+nightly
codegen_flags: <defaults>
</compile_context>

<pallas_src>
import functools

import jax
import jax.numpy as jnp
from jax import lax
from jax.experimental import pallas as pl
from jax.experimental.pallas import tpu as pltpu
from jax.experimental.pallas import tpu_sc as plsc

_PATCH = 16
_LANES = 16
_NC = 2
_NS = 16
_NW = _NC * _NS
_CHUNK = 128


def _src_rows(C, H, W):
    p = _PATCH
    h, w = H // p, W // p
    perm = jax.random.permutation(jax.random.key(42), h * w)
    sh = (perm // w).reshape(h, w)
    sw = (perm % w).reshape(h, w)
    c_b = jnp.arange(C, dtype=jnp.int32)[:, None, None, None]
    r_b = jnp.arange(p, dtype=jnp.int32)[None, None, :, None]
    src = ((c_b * h + sh[None, :, None, :]) * p + r_b) * w + sw[None, :, None, :]
    return src.reshape(-1).astype(jnp.int32)


_K = 16


def _make_gather(num_rows):
    rows_per_w = num_rows // _NW
    n_chunks = rows_per_w // _CHUNK
    n_groups = n_chunks // _K
    bank_rows = _K * _CHUNK
    mesh = plsc.VectorSubcoreMesh(core_axis_name="c", subcore_axis_name="s")

    @functools.partial(
        pl.kernel,
        mesh=mesh,
        out_type=jax.ShapeDtypeStruct((num_rows, _LANES), jnp.float32),
        scratch_types=[
            pltpu.VMEM((n_chunks, _CHUNK), jnp.int32),
            pltpu.VMEM((2, bank_rows, _LANES), jnp.float32),
            pltpu.SemaphoreType.DMA,
            pltpu.SemaphoreType.DMA,
        ],
        compiler_params=pltpu.CompilerParams(use_tc_tiling_on_sc=False),
    )
    def gather(table_hbm, idx_hbm, out_hbm, idx_v, rows_v, sem_g, sem_s):
        wid = lax.axis_index("s") * _NC + lax.axis_index("c")
        base = wid * rows_per_w
        pltpu.sync_copy(idx_hbm.at[wid], idx_v)

        def fire_gathers(g, bank):
            g = jnp.minimum(g, n_groups - 1)
            for k in range(_K):
                pltpu.async_copy(
                    table_hbm.at[idx_v.at[g * _K + k]],
                    rows_v.at[bank, pl.ds(k * _CHUNK, _CHUNK)], sem_g)

        def drain_gathers(bank):
            for k in range(_K):
                pltpu.make_async_copy(
                    table_hbm.at[idx_v.at[0]],
                    rows_v.at[bank, pl.ds(k * _CHUNK, _CHUNK)], sem_g).wait()

        def store(g, bank):
            return pltpu.async_copy(
                rows_v.at[bank],
                out_hbm.at[pl.ds(base + g * bank_rows, bank_rows)], sem_s)

        def drain_store(bank):
            pltpu.make_async_copy(
                rows_v.at[bank], out_hbm.at[pl.ds(base, bank_rows)], sem_s).wait()

        fire_gathers(0, 0)

        def body(i, carry):
            @pl.when(i > 0)
            def _():
                drain_store(1)
            fire_gathers(2 * i + 1, 1)
            drain_gathers(0)
            store(2 * i, 0)
            drain_store(0)
            fire_gathers(2 * i + 2, 0)
            drain_gathers(1)
            store(2 * i + 1, 1)
            return carry

        lax.fori_loop(0, n_groups // 2, body, 0)
        drain_gathers(0)
        drain_store(1)

    return gather


def kernel(image):
    C, H, W = image.shape
    num_rows = C * H * (W // _PATCH)
    table = image.reshape(num_rows, _LANES)
    idx = _src_rows(C, H, W).reshape(_NW, num_rows // (_NW * _CHUNK), _CHUNK)
    out = _make_gather(num_rows)(table, idx)
    return out.reshape(C, H, W)

# --- scband reference (transcript-rebuilt; emitter-appended) ---
"""Pipeline reference for scband-patch-shuffler-3659312136614 (READ-ONLY COPY).

The authoritative reference and input builder live on the scoring server;
editing this copy changes nothing except your own understanding.
"""

import jax, jax.numpy as jnp
import numpy as np

PATCH_SIZE = 16


def setup_inputs(seed: int = 0) -> dict:
    key = jax.random.key(seed)
    image = jax.random.normal(key, (96, 512, 512), dtype=jnp.float32)
    return {"image": image}


def reference(image):
    # Faithful translation of PatchShuffler.forward for a single (C, H, W) image.
    C, H, W = image.shape
    p = PATCH_SIZE
    h = H // p
    w = W // p
    # rearrange 'c (h p1) (w p2) -> (h w) c p1 p2'
    patches = image.reshape(C, h, p, w, p)
    patches = jnp.transpose(patches, (1, 3, 0, 2, 4))  # (h, w, C, p, p)
    patches = patches.reshape(h * w, C, p, p)
    num_patches = patches.shape[0]
    # torch.randperm -> deterministic jax permutation (fixed key for reproducibility)
    rand_indices = jax.random.permutation(jax.random.key(42), num_patches)
    shuffled_patches = jnp.take(patches, rand_indices, axis=0)
    # rearrange '(h w) c p1 p2 -> c (h p1) (w p2)'
    shuffled_image = shuffled_patches.reshape(h, w, C, p, p)
    shuffled_image = jnp.transpose(shuffled_image, (2, 0, 3, 1, 4))  # (C, h, p, w, p)
    shuffled_image = shuffled_image.reshape(C, H, W)
    return shuffled_image

if __name__ == "__main__":
    import jax
    _d = setup_inputs()
    print(jax.jit(kernel)(*tuple(_d.values())))

</pallas_src>

<mosaic_0001>
#map = affine_map<(d0, d1) -> (0, 0)>
#map1 = affine_map<(d0, d1) -> (0, 0, 0)>
module attributes {stable_mosaic.version = 14 : i64} {
  func.func @gather(%arg0: i32, %arg1: i32, %arg2: memref<1572864x16xf32, #tpu.memory_space<hbm>>, %arg3: memref<32x384x128xi32, #tpu.memory_space<hbm>>, %arg4: memref<1572864x16xf32, #tpu.memory_space<hbm>>, %arg5: memref<384x128xi32, #tpu.memory_space<vmem>>, %arg6: memref<2x2048x16xf32, #tpu.memory_space<vmem>>, %arg7: memref<!tpu.dma_semaphore, #tpu.memory_space<semaphore_mem>>, %arg8: memref<!tpu.dma_semaphore, #tpu.memory_space<semaphore_mem>>) attributes {dimension_semantics = [#tpu.dimension_semantics<core_parallel>, #tpu.dimension_semantics<subcore_parallel>], iteration_bounds = array<i64: 2, 16>, scalar_prefetch = 0 : i64, scratch_operands = 4 : i64, tpu.core_type = #tpu.core_type<sc_vector_subcore>, window_params = [{transform_indices = #map}, {transform_indices = #map1}, {transform_indices = #map}]} {
    %mul3A = arith.constant 2 : i32
    %mul3A_0 = arith.muli %arg1, %mul3A : i32
    %add3A = arith.addi %mul3A_0, %arg0 : i32
    %mul3A_1 = arith.constant 49152 : i32
    %mul3A_2 = arith.muli %add3A, %mul3A_1 : i32
    "tpu.region"() ({
      %run_scoped3A = tpu.sem_alloc : memref<!tpu.dma_semaphore, #tpu.memory_space<semaphore_mem>>
      %dma_start3A_453 = arith.constant 0 : i32
      %dma_start3A_454 = arith.constant 0 : i32
      %dma_start3A_455 = tpu.memref_slice %arg3[%add3A, %dma_start3A_453, %dma_start3A_454] : memref<32x384x128xi32, #tpu.memory_space<hbm>> -> memref<1x384x128xi32, #tpu.memory_space<hbm>>
      %dma_start3A_456 = tpu.memref_squeeze %dma_start3A_455 : memref<1x384x128xi32, #tpu.memory_space<hbm>> -> memref<384x128xi32, #tpu.memory_space<hbm>>
      %dma_start3A_457 = arith.constant 0 : i32
      %dma_start3A_458 = arith.constant 0 : i32
      %dma_start3A_459 = tpu.memref_slice %arg3[%add3A, %dma_start3A_457, %dma_start3A_458] : memref<32x384x128xi32, #tpu.memory_space<hbm>> -> memref<1x384x128xi32, #tpu.memory_space<hbm>>
      %dma_start3A_460 = tpu.memref_squeeze %dma_start3A_459 : memref<1x384x128xi32, #tpu.memory_space<hbm>> -> memref<384x128xi32, #tpu.memory_space<hbm>>
      tpu.enqueue_dma source(%dma_start3A_460 : memref<384x128xi32, #tpu.memory_space<hbm>>) target(%arg5 : memref<384x128xi32, #tpu.memory_space<vmem>>) target_semaphore(%run_scoped3A : memref<!tpu.dma_semaphore, #tpu.memory_space<semaphore_mem>>)
      %dma_wait3A_461 = arith.constant 0 : i32
      %dma_wait3A_462 = arith.constant 0 : i32
      %dma_wait3A_463 = tpu.memref_slice %arg3[%add3A, %dma_wait3A_461, %dma_wait3A_462] : memref<32x384x128xi32, #tpu.memory_space<hbm>> -> memref<1x384x128xi32, #tpu.memory_space<hbm>>
      %dma_wait3A_464 = tpu.memref_squeeze %dma_wait3A_463 : memref<1x384x128xi32, #tpu.memory_space<hbm>> -> memref<384x128xi32, #tpu.memory_space<hbm>>
      %dma_wait3A_465 = arith.constant 0 : i32
      %dma_wait3A_466 = arith.constant 0 : i32
      %dma_wait3A_467 = tpu.memref_slice %arg3[%add3A, %dma_wait3A_465, %dma_wait3A_466] : memref<32x384x128xi32, #tpu.memory_space<hbm>> -> memref<1x384x128xi32, #tpu.memory_space<hbm>>
      %dma_wait3A_468 = tpu.memref_squeeze %dma_wait3A_467 : memref<1x384x128xi32, #tpu.memory_space<hbm>> -> memref<384x128xi32, #tpu.memory_space<hbm>>
      tpu.wait_dma2 semaphore(%run_scoped3A : memref<!tpu.dma_semaphore, #tpu.memory_space<semaphore_mem>>) src(%dma_wait3A_468 : memref<384x128xi32, #tpu.memory_space<hbm>>) dst(%arg5 : memref<384x128xi32, #tpu.memory_space<vmem>>)
      tpu.yield
    }) : () -> ()
    %min3A = arith.constant 0 : i32
    %min3A_3 = arith.constant 23 : i32
    %min3A_4 = arith.minsi %min3A, %min3A_3 : i32
    %mul3A_5 = arith.constant 16 : i32
    %mul3A_6 = arith.muli %min3A_4, %mul3A_5 : i32
    %add3A_7 = arith.constant 0 : i32
    %add3A_8 = arith.addi %mul3A_6, %add3A_7 : i32
    %dma_start3A = arith.constant 0 : i32
    %dma_start3A_9 = arith.constant 0 : i32
    %dma_start3A_10 = arith.constant 0 : i32
    %dma_start3A_11 = tpu.memref_slice %arg6[%dma_start3A, %dma_start3A_9, %dma_start3A_10] : memref<2x2048x16xf32, #tpu.memory_space<vmem>> -> memref<1x128x16xf32, #tpu.memory_space<vmem>>
    %dma_start3A_12 = tpu.memref_squeeze %dma_start3A_11 : memref<1x128x16xf32, #tpu.memory_space<vmem>> -> memref<128x16xf32, #tpu.memory_space<vmem>>
    %dma_start3A_13 = arith.constant 0 : i32
    %dma_start3A_14 = tpu.memref_slice %arg5[%add3A_8, %dma_start3A_13] : memref<384x128xi32, #tpu.memory_space<vmem>> -> memref<1x128xi32, #tpu.memory_space<vmem>>
    %dma_start3A_15 = tpu.memref_squeeze %dma_start3A_14 : memref<1x128xi32, #tpu.memory_space<vmem>> -> memref<128xi32, #tpu.memory_space<vmem>>
    %dma_start3A_16 = arith.constant 0 : i32
    %dma_start3A_17 = arith.constant 0 : i32
    %dma_start3A_18 = tpu.memref_slice %arg2[%dma_start3A_16, %dma_start3A_17] : memref<1572864x16xf32, #tpu.memory_space<hbm>> -> memref<1572864x16xf32, #tpu.memory_space<hbm>>
    tpu.enqueue_indirect_dma source(%dma_start3A_18 : memref<1572864x16xf32, #tpu.memory_space<hbm>>) target(%dma_start3A_12 : memref<128x16xf32, #tpu.memory_space<vmem>>) offsets(%dma_start3A_15 : memref<128xi32, #tpu.memory_space<vmem>>) semaphore(%arg7 : memref<!tpu.dma_semaphore, #tpu.memory_space<semaphore_mem>>)
    %mul3A_19 = arith.constant 16 : i32
    %mul3A_20 = arith.muli %min3A_4, %mul3A_19 : i32
    %add3A_21 = arith.constant 1 : i32
    %add3A_22 = arith.addi %mul3A_20, %add3A_21 : i32
    %dma_start3A_23 = arith.constant 0 : i32
    %dma_start3A_24 = arith.constant 128 : i32
    %dma_start3A_25 = arith.constant 0 : i32
    %dma_start3A_26 = tpu.memref_slice %arg6[%dma_start3A_23, %dma_start3A_24, %dma_start3A_25] : memref<2x2048x16xf32, #tpu.memory_space<vmem>> -> memref<1x128x16xf32, #tpu.memory_space<vmem>>
    %dma_start3A_27 = tpu.memref_squeeze %dma_start3A_26 : memref<1x128x16xf32, #tpu.memory_space<vmem>> -> memref<128x16xf32, #tpu.memory_space<vmem>>
    %dma_start3A_28 = arith.constant 0 : i32
    %dma_start3A_29 = tpu.memref_slice %arg5[%add3A_22, %dma_start3A_28] : memref<384x128xi32, #tpu.memory_space<vmem>> -> memref<1x128xi32, #tpu.memory_space<vmem>>
    %dma_start3A_30 = tpu.memref_squeeze %dma_start3A_29 : memref<1x128xi32, #tpu.memory_space<vmem>> -> memref<128xi32, #tpu.memory_space<vmem>>
    %dma_start3A_31 = arith.constant 0 : i32
    %dma_start3A_32 = arith.constant 0 : i32
    %dma_start3A_33 = tpu.memref_slice %arg2[%dma_start3A_31, %dma_start3A_32] : memref<1572864x16xf32, #tpu.memory_space<hbm>> -> memref<1572864x16xf32, #tpu.memory_space<hbm>>
    tpu.enqueue_indirect_dma source(%dma_start3A_33 : memref<1572864x16xf32, #tpu.memory_space<hbm>>) target(%dma_start3A_27 : memref<128x16xf32, #tpu.memory_space<vmem>>) offsets(%dma_start3A_30 : memref<128xi32, #tpu.memory_space<vmem>>) semaphore(%arg7 : memref<!tpu.dma_semaphore, #tpu.memory_space<semaphore_mem>>)
    %mul3A_34 = arith.constant 16 : i32
    %mul3A_35 = arith.muli %min3A_4, %mul3A_34 : i32
    %add3A_36 = arith.constant 2 : i32
    %add3A_37 = arith.addi %mul3A_35, %add3A_36 : i32
    %dma_start3A_38 = arith.constant 0 : i32
    %dma_start3A_39 = arith.constant 256 : i32
    %dma_start3A_40 = arith.constant 0 : i32
    %dma_start3A_41 = tpu.memref_slice %arg6[%dma_start3A_38, %dma_start3A_39, %dma_start3A_40] : memref<2x2048x16xf32, #tpu.memory_space<vmem>> -> memref<1x128x16xf32, #tpu.memory_space<vmem>>
    %dma_start3A_42 = tpu.memref_squeeze %dma_start3A_41 : memref<1x128x16xf32, #tpu.memory_space<vmem>> -> memref<128x16xf32, #tpu.memory_space<vmem>>
    %dma_start3A_43 = arith.constant 0 : i32
    %dma_start3A_44 = tpu.memref_slice %arg5[%add3A_37, %dma_start3A_43] : memref<384x128xi32, #tpu.memory_space<vmem>> -> memref<1x128xi32, #tpu.memory_space<vmem>>
    %dma_start3A_45 = tpu.memref_squeeze %dma_start3A_44 : memref<1x128xi32, #tpu.memory_space<vmem>> -> memref<128xi32, #tpu.memory_space<vmem>>
    %dma_start3A_46 = arith.constant 0 : i32
    %dma_start3A_47 = arith.constant 0 : i32
    %dma_start3A_48 = tpu.memref_slice %arg2[%dma_start3A_46, %dma_start3A_47] : memref<1572864x16xf32, #tpu.memory_space<hbm>> -> memref<1572864x16xf32, #tpu.memory_space<hbm>>
    tpu.enqueue_indirect_dma source(%dma_start3A_48 : memref<1572864x16xf32, #tpu.memory_space<hbm>>) target(%dma_start3A_42 : memref<128x16xf32, #tpu.memory_space<vmem>>) offsets(%dma_start3A_45 : memref<128xi32, #tpu.memory_space<vmem>>) semaphore(%arg7 : memref<!tpu.dma_semaphore, #tpu.memory_space<semaphore_mem>>)
    %mul3A_49 = arith.constant 16 : i32
    %mul3A_50 = arith.muli %min3A_4, %mul3A_49 : i32
    %add3A_51 = arith.constant 3 : i32
    %add3A_52 = arith.addi %mul3A_50, %add3A_51 : i32
    %dma_start3A_53 = arith.constant 0 : i32
    %dma_start3A_54 = arith.constant 384 : i32
    %dma_start3A_55 = arith.constant 0 : i32
    %dma_start3A_56 = tpu.memref_slice %arg6[%dma_start3A_53, %dma_start3A_54, %dma_start3A_55] : memref<2x2048x16xf32, #tpu.memory_space<vmem>> -> memref<1x128x16xf32, #tpu.memory_space<vmem>>
    %dma_start3A_57 = tpu.memref_squeeze %dma_start3A_56 : memref<1x128x16xf32, #tpu.memory_space<vmem>> -> memref<128x16xf32, #tpu.memory_space<vmem>>
    %dma_start3A_58 = arith.constant 0 : i32
    %dma_start3A_59 = tpu.memref_slice %arg5[%add3A_52, %dma_start3A_58] : memref<384x128xi32, #tpu.memory_space<vmem>> -> memref<1x128xi32, #tpu.memory_space<vmem>>
    %dma_start3A_60 = tpu.memref_squeeze %dma_start3A_59 : memref<1x128xi32, #tpu.memory_space<vmem>> -> memref<128xi32, #tpu.memory_space<vmem>>
    %dma_start3A_61 = arith.constant 0 : i32
    %dma_start3A_62 = arith.constant 0 : i32
    %dma_start3A_63 = tpu.memref_slice %arg2[%dma_start3A_61, %dma_start3A_62] : memref<1572864x16xf32, #tpu.memory_space<hbm>> -> memref<1572864x16xf32, #tpu.memory_space<hbm>>
    tpu.enqueue_indirect_dma source(%dma_start3A_63 : memref<1572864x16xf32, #tpu.memory_space<hbm>>) target(%dma_start3A_57 : memref<128x16xf32, #tpu.memory_space<vmem>>) offsets(%dma_start3A_60 : memref<128xi32, #tpu.memory_space<vmem>>) semaphore(%arg7 : memref<!tpu.dma_semaphore, #tpu.memory_space<semaphore_mem>>)
    %mul3A_64 = arith.constant 16 : i32
    %mul3A_65 = arith.muli %min3A_4, %mul3A_64 : i32
    %add3A_66 = arith.constant 4 : i32
    %add3A_67 = arith.addi %mul3A_65, %add3A_66 : i32
    %dma_start3A_68 = arith.constant 0 : i32
    %dma_start3A_69 = arith.constant 512 : i32
    %dma_start3A_70 = arith.constant 0 : i32
    %dma_start3A_71 = tpu.memref_slice %arg6[%dma_start3A_68, %dma_start3A_69, %dma_start3A_70] : memref<2x2048x16xf32, #tpu.memory_space<vmem>> -> memref<1x128x16xf32, #tpu.memory_space<vmem>>
    %dma_start3A_72 = tpu.memref_squeeze %dma_start3A_71 : memref<1x128x16xf32, #tpu.memory_space<vmem>> -> memref<128x16xf32, #tpu.memory_space<vmem>>
    %dma_start3A_73 = arith.constant 0 : i32
    %dma_start3A_74 = tpu.memref_slice %arg5[%add3A_67, %dma_start3A_73] : memref<384x128xi32, #tpu.memory_space<vmem>> -> memref<1x128xi32, #tpu.memory_space<vmem>>
    %dma_start3A_75 = tpu.memref_squeeze %dma_start3A_74 : memref<1x128xi32, #tpu.memory_space<vmem>> -> memref<128xi32, #tpu.memory_space<vmem>>
    %dma_start3A_76 = arith.constant 0 : i32
    %dma_start3A_77 = arith.constant 0 : i32
    %dma_start3A_78 = tpu.memref_slice %arg2[%dma_start3A_76, %dma_start3A_77] : memref<1572864x16xf32, #tpu.memory_space<hbm>> -> memref<1572864x16xf32, #tpu.memory_space<hbm>>
    tpu.enqueue_indirect_dma source(%dma_start3A_78 : memref<1572864x16xf32, #tpu.memory_space<hbm>>) target(%dma_start3A_72 : memref<128x16xf32, #tpu.memory_space<vmem>>) offsets(%dma_start3A_75 : memref<128xi32, #tpu.memory_space<vmem>>) semaphore(%arg7 : memref<!tpu.dma_semaphore, #tpu.memory_space<semaphore_mem>>)
    %mul3A_79 = arith.constant 16 : i32
    %mul3A_80 = arith.muli %min3A_4, %mul3A_79 : i32
    %add3A_81 = arith.constant 5 : i32
    %add3A_82 = arith.addi %mul3A_80, %add3A_81 : i32
    %dma_start3A_83 = arith.constant 0 : i32
    %dma_start3A_84 = arith.constant 640 : i32
    %dma_start3A_85 = arith.constant 0 : i32
    %dma_start3A_86 = tpu.memref_slice %arg6[%dma_start3A_83, %dma_start3A_84, %dma_start3A_85] : memref<2x2048x16xf32, #tpu.memory_space<vmem>> -> memref<1x128x16xf32, #tpu.memory_space<vmem>>
    %dma_start3A_87 = tpu.memref_squeeze %dma_start3A_86 : memref<1x128x16xf32, #tpu.memory_space<vmem>> -> memref<128x16xf32, #tpu.memory_space<vmem>>
    %dma_start3A_88 = arith.constant 0 : i32
    %dma_start3A_89 = tpu.memref_slice %arg5[%add3A_82, %dma_start3A_88] : memref<384x128xi32, #tpu.memory_space<vmem>> -> memref<1x128xi32, #tpu.memory_space<vmem>>
    %dma_start3A_90 = tpu.memref_squeeze %dma_start3A_89 : memref<1x128xi32, #tpu.memory_space<vmem>> -> memref<128xi32, #tpu.memory_space<vmem>>
    %dma_start3A_91 = arith.constant 0 : i32
    %dma_start3A_92 = arith.constant 0 : i32
    %dma_start3A_93 = tpu.memref_slice %arg2[%dma_start3A_91, %dma_start3A_92] : memref<1572864x16xf32, #tpu.memory_space<hbm>> -> memref<1572864x16xf32, #tpu.memory_space<hbm>>
    tpu.enqueue_indirect_dma source(%dma_start3A_93 : memref<1572864x16xf32, #tpu.memory_space<hbm>>) target(%dma_start3A_87 : memref<128x16xf32, #tpu.memory_space<vmem>>) offsets(%dma_start3A_90 : memref<128xi32, #tpu.memory_space<vmem>>) semaphore(%arg7 : memref<!tpu.dma_semaphore, #tpu.memory_space<semaphore_mem>>)
    %mul3A_94 = arith.constant 16 : i32
    %mul3A_95 = arith.muli %min3A_4, %mul3A_94 : i32
    %add3A_96 = arith.constant 6 : i32
    %add3A_97 = arith.addi %mul3A_95, %add3A_96 : i32
    %dma_start3A_98 = arith.constant 0 : i32
    %dma_start3A_99 = arith.constant 768 : i32
    %dma_start3A_100 = arith.constant 0 : i32
    %dma_start3A_101 = tpu.memref_slice %arg6[%dma_start3A_98, %dma_start3A_99, %dma_start3A_100] : memref<2x2048x16xf32, #tpu.memory_space<vmem>> -> memref<1x128x16xf32, #tpu.memory_space<vmem>>
    %dma_start3A_102 = tpu.memref_squeeze %dma_start3A_101 : memref<1x128x16xf32, #tpu.memory_space<vmem>> -> memref<128x16xf32, #tpu.memory_space<vmem>>
    %dma_start3A_103 = arith.constant 0 : i32
    %dma_start3A_104 = tpu.memref_slice %arg5[%add3A_97, %dma_start3A_103] : memref<384x128xi32, #tpu.memory_space<vmem>> -> memref<1x128xi32, #tpu.memory_space<vmem>>
    %dma_start3A_105 = tpu.memref_squeeze %dma_start3A_104 : memref<1x128xi32, #tpu.memory_space<vmem>> -> memref<128xi32, #tpu.memory_space<vmem>>
    %dma_start3A_106 = arith.constant 0 : i32
    %dma_start3A_107 = arith.constant 0 : i32
    %dma_start3A_108 = tpu.memref_slice %arg2[%dma_start3A_106, %dma_start3A_107] : memref<1572864x16xf32, #tpu.memory_space<hbm>> -> memref<1572864x16xf32, #tpu.memory_space<hbm>>
    tpu.enqueue_indirect_dma source(%dma_start3A_108 : memref<1572864x16xf32, #tpu.memory_space<hbm>>) target(%dma_start3A_102 : memref<128x16xf32, #tpu.memory_space<vmem>>) offsets(%dma_start3A_105 : memref<128xi32, #tpu.memory_space<vmem>>) semaphore(%arg7 : memref<!tpu.dma_semaphore, #tpu.memory_space<semaphore_mem>>)
    %mul3A_109 = arith.constant 16 : i32
    %mul3A_110 = arith.muli %min3A_4, %mul3A_109 : i32
    %add3A_111 = arith.constant 7 : i32
    %add3A_112 = arith.addi %mul3A_110, %add3A_111 : i32
    %dma_start3A_113 = arith.constant 0 : i32
    %dma_start3A_114 = arith.constant 896 : i32
    %dma_start3A_115 = arith.constant 0 : i32
    %dma_start3A_116 = tpu.memref_slice %arg6[%dma_start3A_113, %dma_start3A_114, %dma_start3A_115] : memref<2x2048x16xf32, #tpu.memory_space<vmem>> -> memref<1x128x16xf32, #tpu.memory_space<vmem>>
    %dma_start3A_117 = tpu.memref_squeeze %dma_start3A_116 : memref<1x128x16xf32, #tpu.memory_space<vmem>> -> memref<128x16xf32, #tpu.memory_space<vmem>>
    %dma_start3A_118 = arith.constant 0 : i32
    %dma_start3A_119 = tpu.memref_slice %arg5[%add3A_112, %dma_start3A_118] : memref<384x128xi32, #tpu.memory_space<vmem>> -> memref<1x128xi32, #tpu.memory_space<vmem>>
    %dma_start3A_120 = tpu.memref_squeeze %dma_start3A_119 : memref<1x128xi32, #tpu.memory_space<vmem>> -> memref<128xi32, #tpu.memory_space<vmem>>
    %dma_start3A_121 = arith.constant 0 : i32
    %dma_start3A_122 = arith.constant 0 : i32
    %dma_start3A_123 = tpu.memref_slice %arg2[%dma_start3A_121, %dma_start3A_122] : memref<1572864x16xf32, #tpu.memory_space<hbm>> -> memref<1572864x16xf32, #tpu.memory_space<hbm>>
    tpu.enqueue_indirect_dma source(%dma_start3A_123 : memref<1572864x16xf32, #tpu.memory_space<hbm>>) target(%dma_start3A_117 : memref<128x16xf32, #tpu.memory_space<vmem>>) offsets(%dma_start3A_120 : memref<128xi32, #tpu.memory_space<vmem>>) semaphore(%arg7 : memref<!tpu.dma_semaphore, #tpu.memory_space<semaphore_mem>>)
    %mul3A_124 = arith.constant 16 : i32
    %mul3A_125 = arith.muli %min3A_4, %mul3A_124 : i32
    %add3A_126 = arith.constant 8 : i32
    %add3A_127 = arith.addi %mul3A_125, %add3A_126 : i32
    %dma_start3A_128 = arith.constant 0 : i32
    %dma_start3A_129 = arith.constant 1024 : i32
    %dma_start3A_130 = arith.constant 0 : i32
    %dma_start3A_131 = tpu.memref_slice %arg6[%dma_start3A_128, %dma_start3A_129, %dma_start3A_130] : memref<2x2048x16xf32, #tpu.memory_space<vmem>> -> memref<1x128x16xf32, #tpu.memory_space<vmem>>
    %dma_start3A_132 = tpu.memref_squeeze %dma_start3A_131 : memref<1x128x16xf32, #tpu.memory_space<vmem>> -> memref<128x16xf32, #tpu.memory_space<vmem>>
    %dma_start3A_133 = arith.constant 0 : i32
    %dma_start3A_134 = tpu.memref_slice %arg5[%add3A_127, %dma_start3A_133] : memref<384x128xi32, #tpu.memory_space<vmem>> -> memref<1x128xi32, #tpu.memory_space<vmem>>
    %dma_start3A_135 = tpu.memref_squeeze %dma_start3A_134 : memref<1x128xi32, #tpu.memory_space<vmem>> -> memref<128xi32, #tpu.memory_space<vmem>>
    %dma_start3A_136 = arith.constant 0 : i32
    %dma_start3A_137 = arith.constant 0 : i32
    %dma_start3A_138 = tpu.memref_slice %arg2[%dma_start3A_136, %dma_start3A_137] : memref<1572864x16xf32, #tpu.memory_space<hbm>> -> memref<1572864x16xf32, #tpu.memory_space<hbm>>
    tpu.enqueue_indirect_dma source(%dma_start3A_138 : memref<1572864x16xf32, #tpu.memory_space<hbm>>) target(%dma_start3A_132 : memref<128x16xf32, #tpu.memory_space<vmem>>) offsets(%dma_start3A_135 : memref<128xi32, #tpu.memory_space<vmem>>) semaphore(%arg7 : memref<!tpu.dma_semaphore, #tpu.memory_space<semaphore_mem>>)
    %mul3A_139 = arith.constant 16 : i32
    %mul3A_140 = arith.muli %min3A_4, %mul3A_139 : i32
    %add3A_141 = arith.constant 9 : i32
    %add3A_142 = arith.addi %mul3A_140, %add3A_141 : i32
    %dma_start3A_143 = arith.constant 0 : i32
    %dma_start3A_144 = arith.constant 1152 : i32
    %dma_start3A_145 = arith.constant 0 : i32
    %dma_start3A_146 = tpu.memref_slice %arg6[%dma_start3A_143, %dma_start3A_144, %dma_start3A_145] : memref<2x2048x16xf32, #tpu.memory_space<vmem>> -> memref<1x128x16xf32, #tpu.memory_space<vmem>>
    %dma_start3A_147 = tpu.memref_squeeze %dma_start3A_146 : memref<1x128x16xf32, #tpu.memory_space<vmem>> -> memref<128x16xf32, #tpu.memory_space<vmem>>
    %dma_start3A_148 = arith.constant 0 : i32
    %dma_start3A_149 = tpu.memref_slice %arg5[%add3A_142, %dma_start3A_148] : memref<384x128xi32, #tpu.memory_space<vmem>> -> memref<1x128xi32, #tpu.memory_space<vmem>>
    %dma_start3A_150 = tpu.memref_squeeze %dma_start3A_149 : memref<1x128xi32, #tpu.memory_space<vmem>> -> memref<128xi32, #tpu.memory_space<vmem>>
    %dma_start3A_151 = arith.constant 0 : i32
    %dma_start3A_152 = arith.constant 0 : i32
    %dma_start3A_153 = tpu.memref_slice %arg2[%dma_start3A_151, %dma_start3A_152] : memref<1572864x16xf32, #tpu.memory_space<hbm>> -> memref<1572864x16xf32, #tpu.memory_space<hbm>>
    tpu.enqueue_indirect_dma source(%dma_start3A_153 : memref<1572864x16xf32, #tpu.memory_space<hbm>>) target(%dma_start3A_147 : memref<128x16xf32, #tpu.memory_space<vmem>>) offsets(%dma_start3A_150 : memref<128xi32, #tpu.memory_space<vmem>>) semaphore(%arg7 : memref<!tpu.dma_semaphore, #tpu.memory_space<semaphore_mem>>)
    %mul3A_154 = arith.constant 16 : i32
    %mul3A_155 = arith.muli %min3A_4, %mul3A_154 : i32
    %add3A_156 = arith.constant 10 : i32
    %add3A_157 = arith.addi %mul3A_155, %add3A_156 : i32
    %dma_start3A_158 = arith.constant 0 : i32
    %dma_start3A_159 = arith.constant 1280 : i32
    %dma_start3A_160 = arith.constant 0 : i32
    %dma_start3A_161 = tpu.memref_slice %arg6[%dma_start3A_158, %dma_start3A_159, %dma_start3A_160] : memref<2x2048x16xf32, #tpu.memory_space<vmem>> -> memref<1x128x16xf32, #tpu.memory_space<vmem>>
    %dma_start3A_162 = tpu.memref_squeeze %dma_start3A_161 : memref<1x128x16xf32, #tpu.memory_space<vmem>> -> memref<128x16xf32, #tpu.memory_space<vmem>>
    %dma_start3A_163 = arith.constant 0 : i32
    %dma_start3A_164 = tpu.memref_slice %arg5[%add3A_157, %dma_start3A_163] : memref<384x128xi32, #tpu.memory_space<vmem>> -> memref<1x128xi32, #tpu.memory_space<vmem>>
    %dma_start3A_165 = tpu.memref_squeeze %dma_start3A_164 : memref<1x128xi32, #tpu.memory_space<vmem>> -> memref<128xi32, #tpu.memory_space<vmem>>
    %dma_start3A_166 = arith.constant 0 : i32
    %dma_start3A_167 = arith.constant 0 : i32
    %dma_start3A_168 = tpu.memref_slice %arg2[%dma_start3A_166, %dma_start3A_167] : memref<1572864x16xf32, #tpu.memory_space<hbm>> -> memref<1572864x16xf32, #tpu.memory_space<hbm>>
    tpu.enqueue_indirect_dma source(%dma_start3A_168 : memref<1572864x16xf32, #tpu.memory_space<hbm>>) target(%dma_start3A_162 : memref<128x16xf32, #tpu.memory_space<vmem>>) offsets(%dma_start3A_165 : memref<128xi32, #tpu.memory_space<vmem>>) semaphore(%arg7 : memref<!tpu.dma_semaphore, #tpu.memory_space<semaphore_mem>>)
    %mul3A_169 = arith.constant 16 : i32
    %mul3A_170 = arith.muli %min3A_4, %mul3A_169 : i32
    %add3A_171 = arith.constant 11 : i32
    %add3A_172 = arith.addi %mul3A_170, %add3A_171 : i32
    %dma_start3A_173 = arith.constant 0 : i32
    %dma_start3A_174 = arith.constant 1408 : i32
    %dma_start3A_175 = arith.constant 0 : i32
    %dma_start3A_176 = tpu.memref_slice %arg6[%dma_start3A_173, %dma_start3A_174, %dma_start3A_175] : memref<2x2048x16xf32, #tpu.memory_space<vmem>> -> memref<1x128x16xf32, #tpu.memory_space<vmem>>
    %dma_start3A_177 = tpu.memref_squeeze %dma_start3A_176 : memref<1x128x16xf32, #tpu.memory_space<vmem>> -> memref<128x16xf32, #tpu.memory_space<vmem>>
    %dma_start3A_178 = arith.constant 0 : i32
    %dma_start3A_179 = tpu.memref_slice %arg5[%add3A_172, %dma_start3A_178] : memref<384x128xi32, #tpu.memory_space<vmem>> -> memref<1x128xi32, #tpu.memory_space<vmem>>
    %dma_start3A_180 = tpu.memref_squeeze %dma_start3A_179 : memref<1x128xi32, #tpu.memory_space<vmem>> -> memref<128xi32, #tpu.memory_space<vmem>>
    %dma_start3A_181 = arith.constant 0 : i32
    %dma_start3A_182 = arith.constant 0 : i32
    %dma_start3A_183 = tpu.memref_slice %arg2[%dma_start3A_181, %dma_start3A_182] : memref<1572864x16xf32, #tpu.memory_space<hbm>> -> memref<1572864x16xf32, #tpu.memory_space<hbm>>
    tpu.enqueue_indirect_dma source(%dma_start3A_183 : memref<1572864x16xf32, #tpu.memory_space<hbm>>) target(%dma_start3A_177 : memref<128x16xf32, #tpu.memory_space<vmem>>) offsets(%dma_start3A_180 : memref<128xi32, #tpu.memory_space<vmem>>) semaphore(%arg7 : memref<!tpu.dma_semaphore, #tpu.memory_space<semaphore_mem>>)
    %mul3A_184 = arith.constant 16 : i32
    %mul3A_185 = arith.muli %min3A_4, %mul3A_184 : i32
    %add3A_186 = arith.constant 12 : i32
    %add3A_187 = arith.addi %mul3A_185, %add3A_186 : i32
    %dma_start3A_188 = arith.constant 0 : i32
    %dma_start3A_189 = arith.constant 1536 : i32
    %dma_start3A_190 = arith.constant 0 : i32
    %dma_start3A_191 = tpu.memref_slice %arg6[%dma_start3A_188, %dma_start3A_189, %dma_start3A_190] : memref<2x2048x16xf32, #tpu.memory_space<vmem>> -> memref<1x128x16xf32, #tpu.memory_space<vmem>>
    %dma_start3A_192 = tpu.memref_squeeze %dma_start3A_191 : memref<1x128x16xf32, #tpu.memory_space<vmem>> -> memref<128x16xf32, #tpu.memory_space<vmem>>
    %dma_start3A_193 = arith.constant 0 : i32
    %dma_start3A_194 = tpu.memref_slice %arg5[%add3A_187, %dma_start3A_193] : memref<384x128xi32, #tpu.memory_space<vmem>> -> memref<1x128xi32, #tpu.memory_space<vmem>>
    %dma_start3A_195 = tpu.memref_squeeze %dma_start3A_194 : memref<1x128xi32, #tpu.memory_space<vmem>> -> memref<128xi32, #tpu.memory_space<vmem>>
    %dma_start3A_196 = arith.constant 0 : i32
    %dma_start3A_197 = arith.constant 0 : i32
    %dma_start3A_198 = tpu.memref_slice %arg2[%dma_start3A_196, %dma_start3A_197] : memref<1572864x16xf32, #tpu.memory_space<hbm>> -> memref<1572864x16xf32, #tpu.memory_space<hbm>>
    tpu.enqueue_indirect_dma source(%dma_start3A_198 : memref<1572864x16xf32, #tpu.memory_space<hbm>>) target(%dma_start3A_192 : memref<128x16xf32, #tpu.memory_space<vmem>>) offsets(%dma_start3A_195 : memref<128xi32, #tpu.memory_space<vmem>>) semaphore(%arg7 : memref<!tpu.dma_semaphore, #tpu.memory_space<semaphore_mem>>)
    %mul3A_199 = arith.constant 16 : i32
    %mul3A_200 = arith.muli %min3A_4, %mul3A_199 : i32
    %add3A_201 = arith.constant 13 : i32
    %add3A_202 = arith.addi %mul3A_200, %add3A_201 : i32
    %dma_start3A_203 = arith.constant 0 : i32
    %dma_start3A_204 = arith.constant 1664 : i32
    %dma_start3A_205 = arith.constant 0 : i32
    %dma_start3A_206 = tpu.memref_slice %arg6[%dma_start3A_203, %dma_start3A_204, %dma_start3A_205] : memref<2x2048x16xf32, #tpu.memory_space<vmem>> -> memref<1x128x16xf32, #tpu.memory_space<vmem>>
    %dma_start3A_207 = tpu.memref_squeeze %dma_start3A_206 : memref<1x128x16xf32, #tpu.memory_space<vmem>> -> memref<128x16xf32, #tpu.memory_space<vmem>>
    %dma_start3A_208 = arith.constant 0 : i32
    %dma_start3A_209 = tpu.memref_slice %arg5[%add3A_202, %dma_start3A_208] : memref<384x128xi32, #tpu.memory_space<vmem>> -> memref<1x128xi32, #tpu.memory_space<vmem>>
    %dma_start3A_210 = tpu.memref_squeeze %dma_start3A_209 : memref<1x128xi32, #tpu.memory_space<vmem>> -> memref<128xi32, #tpu.memory_space<vmem>>
    %dma_start3A_211 = arith.constant 0 : i32
    %dma_start3A_212 = arith.constant 0 : i32
    %dma_start3A_213 = tpu.memref_slice %arg2[%dma_start3A_211, %dma_start3A_212] : memref<1572864x16xf32, #tpu.memory_space<hbm>> -> memref<1572864x16xf32, #tpu.memory_space<hbm>>
    tpu.enqueue_indirect_dma source(%dma_start3A_213 : memref<1572864x16xf32, #tpu.memory_space<hbm>>) target(%dma_start3A_207 : memref<128x16xf32, #tpu.memory_space<vmem>>) offsets(%dma_start3A_210 : memref<128xi32, #tpu.memory_space<vmem>>) semaphore(%arg7 : memref<!tpu.dma_semaphore, #tpu.memory_space<semaphore_mem>>)
    %mul3A_214 = arith.constant 16 : i32
    %mul3A_215 = arith.muli %min3A_4, %mul3A_214 : i32
    %add3A_216 = arith.constant 14 : i32
    %add3A_217 = arith.addi %mul3A_215, %add3A_216 : i32
    %dma_start3A_218 = arith.constant 0 : i32
    %dma_start3A_219 = arith.constant 1792 : i32
    %dma_start3A_220 = arith.constant 0 : i32
    %dma_start3A_221 = tpu.memref_slice %arg6[%dma_start3A_218, %dma_start3A_219, %dma_start3A_220] : memref<2x2048x16xf32, #tpu.memory_space<vmem>> -> memref<1x128x16xf32, #tpu.memory_space<vmem>>
    %dma_start3A_222 = tpu.memref_squeeze %dma_start3A_221 : memref<1x128x16xf32, #tpu.memory_space<vmem>> -> memref<128x16xf32, #tpu.memory_space<vmem>>
    %dma_start3A_223 = arith.constant 0 : i32
    %dma_start3A_224 = tpu.memref_slice %arg5[%add3A_217, %dma_start3A_223] : memref<384x128xi32, #tpu.memory_space<vmem>> -> memref<1x128xi32, #tpu.memory_space<vmem>>
    %dma_start3A_225 = tpu.memref_squeeze %dma_start3A_224 : memref<1x128xi32, #tpu.memory_space<vmem>> -> memref<128xi32, #tpu.memory_space<vmem>>
    %dma_start3A_226 = arith.constant 0 : i32
    %dma_start3A_227 = arith.constant 0 : i32
    %dma_start3A_228 = tpu.memref_slice %arg2[%dma_start3A_226, %dma_start3A_227] : memref<1572864x16xf32, #tpu.memory_space<hbm>> -> memref<1572864x16xf32, #tpu.memory_space<hbm>>
    tpu.enqueue_indirect_dma source(%dma_start3A_228 : memref<1572864x16xf32, #tpu.memory_space<hbm>>) target(%dma_start3A_222 : memref<128x16xf32, #tpu.memory_space<vmem>>) offsets(%dma_start3A_225 : memref<128xi32, #tpu.memory_space<vmem>>) semaphore(%arg7 : memref<!tpu.dma_semaphore, #tpu.memory_space<semaphore_mem>>)
    %mul3A_229 = arith.constant 16 : i32
    %mul3A_230 = arith.muli %min3A_4, %mul3A_229 : i32
    %add3A_231 = arith.constant 15 : i32
    %add3A_232 = arith.addi %mul3A_230, %add3A_231 : i32
    %dma_start3A_233 = arith.constant 0 : i32
    %dma_start3A_234 = arith.constant 1920 : i32
    %dma_start3A_235 = arith.constant 0 : i32
    %dma_start3A_236 = tpu.memref_slice %arg6[%dma_start3A_233, %dma_start3A_234, %dma_start3A_235] : memref<2x2048x16xf32, #tpu.memory_space<vmem>> -> memref<1x128x16xf32, #tpu.memory_space<vmem>>
    %dma_start3A_237 = tpu.memref_squeeze %dma_start3A_236 : memref<1x128x16xf32, #tpu.memory_space<vmem>> -> memref<128x16xf32, #tpu.memory_space<vmem>>
    %dma_start3A_238 = arith.constant 0 : i32
    %dma_start3A_239 = tpu.memref_slice %arg5[%add3A_232, %dma_start3A_238] : memref<384x128xi32, #tpu.memory_space<vmem>> -> memref<1x128xi32, #tpu.memory_space<vmem>>
    %dma_start3A_240 = tpu.memref_squeeze %dma_start3A_239 : memref<1x128xi32, #tpu.memory_space<vmem>> -> memref<128xi32, #tpu.memory_space<vmem>>
    %dma_start3A_241 = arith.constant 0 : i32
    %dma_start3A_242 = arith.constant 0 : i32
    %dma_start3A_243 = tpu.memref_slice %arg2[%dma_start3A_241, %dma_start3A_242] : memref<1572864x16xf32, #tpu.memory_space<hbm>> -> memref<1572864x16xf32, #tpu.memory_space<hbm>>
    tpu.enqueue_indirect_dma source(%dma_start3A_243 : memref<1572864x16xf32, #tpu.memory_space<hbm>>) target(%dma_start3A_237 : memref<128x16xf32, #tpu.memory_space<vmem>>) offsets(%dma_start3A_240 : memref<128xi32, #tpu.memory_space<vmem>>) semaphore(%arg7 : memref<!tpu.dma_semaphore, #tpu.memory_space<semaphore_mem>>)
    %scan3A = arith.constant 0 : i32
    %scan3A_244 = arith.constant 0 : i32
    %scan3A_245 = arith.constant 12 : i32
    %scan3A_246 = arith.addi %scan3A_244, %scan3A_245 : i32
    %scan3A_247 = arith.constant 1 : i32
    scf.for %scan3A_453 = %scan3A_244 to %scan3A_246 step %scan3A_247  : i32 {
      %gt3A = arith.constant 0 : i32
      %gt3A_454 = arith.cmpi sgt, %scan3A_453, %gt3A : i32
      %convert_element_type3A = arith.extui %gt3A_454 : i1 to i32
      %cond3A = arith.constant 0 : i32
      %cond3A_455 = arith.cmpi ne, %convert_element_type3A, %cond3A : i32
      scf.if %cond3A_455 {
        %dma_wait3A_1383 = arith.constant 1 : i32
        %dma_wait3A_1384 = arith.constant 0 : i32
        %dma_wait3A_1385 = arith.constant 0 : i32
        %dma_wait3A_1386 = tpu.memref_slice %arg6[%dma_wait3A_1383, %dma_wait3A_1384, %dma_wait3A_1385] : memref<2x2048x16xf32, #tpu.memory_space<vmem>> -> memref<1x2048x16xf32, #tpu.memory_space<vmem>>
        %dma_wait3A_1387 = tpu.memref_squeeze %dma_wait3A_1386 : memref<1x2048x16xf32, #tpu.memory_space<vmem>> -> memref<2048x16xf32, #tpu.memory_space<vmem>>
        %dma_wait3A_1388 = arith.constant 0 : i32
        %dma_wait3A_1389 = tpu.memref_slice %arg4[%mul3A_2, %dma_wait3A_1388] : memref<1572864x16xf32, #tpu.memory_space<hbm>> -> memref<2048x16xf32, #tpu.memory_space<hbm>>
        %dma_wait3A_1390 = arith.constant 0 : i32
        %dma_wait3A_1391 = tpu.memref_slice %arg4[%mul3A_2, %dma_wait3A_1390] : memref<1572864x16xf32, #tpu.memory_space<hbm>> -> memref<2048x16xf32, #tpu.memory_space<hbm>>
        %dma_wait3A_1392 = arith.constant 0 : i32
        %dma_wait3A_1393 = arith.constant 0 : i32
        %dma_wait3A_1394 = tpu.memref_slice %arg6[%dma_wait3A_1383, %dma_wait3A_1392, %dma_wait3A_1393] : memref<2x2048x16xf32, #tpu.memory_space<vmem>> -> memref<1x2048x16xf32, #tpu.memory_space<vmem>>
        %dma_wait3A_1395 = tpu.memref_squeeze %dma_wait3A_1394 : memref<1x2048x16xf32, #tpu.memory_space<vmem>> -> memref<2048x16xf32, #tpu.memory_space<vmem>>
        tpu.wait_dma2 semaphore(%arg8 : memref<!tpu.dma_semaphore, #tpu.memory_space<semaphore_mem>>) src(%dma_wait3A_1395 : memref<2048x16xf32, #tpu.memory_space<vmem>>) dst(%dma_wait3A_1391 : memref<2048x16xf32, #tpu.memory_space<hbm>>)
      } else {
      }
      %mul3A_456 = arith.constant 2 : i32
      %mul3A_457 = arith.muli %mul3A_456, %scan3A_453 : i32
      %add3A_458 = arith.constant 1 : i32
      %add3A_459 = arith.addi %mul3A_457, %add3A_458 : i32
      %min3A_460 = arith.constant 23 : i32
      %min3A_461 = arith.minsi %add3A_459, %min3A_460 : i32
      %mul3A_462 = arith.constant 16 : i32
      %mul3A_463 = arith.muli %min3A_461, %mul3A_462 : i32
      %add3A_464 = arith.constant 0 : i32
      %add3A_465 = arith.addi %mul3A_463, %add3A_464 : i32
      %dma_start3A_466 = arith.constant 1 : i32
      %dma_start3A_467 = arith.constant 0 : i32
      %dma_start3A_468 = arith.constant 0 : i32
      %dma_start3A_469 = tpu.memref_slice %arg6[%dma_start3A_466, %dma_start3A_467, %dma_start3A_468] : memref<2x2048x16xf32, #tpu.memory_space<vmem>> -> memref<1x128x16xf32, #tpu.memory_space<vmem>>
      %dma_start3A_470 = tpu.memref_squeeze %dma_start3A_469 : memref<1x128x16xf32, #tpu.memory_space<vmem>> -> memref<128x16xf32, #tpu.memory_space<vmem>>
      %dma_start3A_471 = arith.constant 0 : i32
      %dma_start3A_472 = tpu.memref_slice %arg5[%add3A_465, %dma_start3A_471] : memref<384x128xi32, #tpu.memory_space<vmem>> -> memref<1x128xi32, #tpu.memory_space<vmem>>
      %dma_start3A_473 = tpu.memref_squeeze %dma_start3A_472 : memref<1x128xi32, #tpu.memory_space<vmem>> -> memref<128xi32, #tpu.memory_space<vmem>>
      %dma_start3A_474 = arith.constant 0 : i32
      %dma_start3A_475 = arith.constant 0 : i32
      %dma_start3A_476 = tpu.memref_slice %arg2[%dma_start3A_474, %dma_start3A_475] : memref<1572864x16xf32, #tpu.memory_space<hbm>> -> memref<1572864x16xf32, #tpu.memory_space<hbm>>
      tpu.enqueue_indirect_dma source(%dma_start3A_476 : memref<1572864x16xf32, #tpu.memory_space<hbm>>) target(%dma_start3A_470 : memref<128x16xf32, #tpu.memory_space<vmem>>) offsets(%dma_start3A_473 : memref<128xi32, #tpu.memory_space<vmem>>) semaphore(%arg7 : memref<!tpu.dma_semaphore, #tpu.memory_space<semaphore_mem>>)
      %mul3A_477 = arith.constant 16 : i32
      %mul3A_478 = arith.muli %min3A_461, %mul3A_477 : i32
      %add3A_479 = arith.constant 1 : i32
      %add3A_480 = arith.addi %mul3A_478, %add3A_479 : i32
      %dma_start3A_481 = arith.constant 1 : i32
      %dma_start3A_482 = arith.constant 128 : i32
      %dma_start3A_483 = arith.constant 0 : i32
      %dma_start3A_484 = tpu.memref_slice %arg6[%dma_start3A_481, %dma_start3A_482, %dma_start3A_483] : memref<2x2048x16xf32, #tpu.memory_space<vmem>> -> memref<1x128x16xf32, #tpu.memory_space<vmem>>
      %dma_start3A_485 = tpu.memref_squeeze %dma_start3A_484 : memref<1x128x16xf32, #tpu.memory_space<vmem>> -> memref<128x16xf32, #tpu.memory_space<vmem>>
      %dma_start3A_486 = arith.constant 0 : i32
      %dma_start3A_487 = tpu.memref_slice %arg5[%add3A_480, %dma_start3A_486] : memref<384x128xi32, #tpu.memory_space<vmem>> -> memref<1x128xi32, #tpu.memory_space<vmem>>
      %dma_start3A_488 = tpu.memref_squeeze %dma_start3A_487 : memref<1x128xi32, #tpu.memory_space<vmem>> -> memref<128xi32, #tpu.memory_space<vmem>>
      %dma_start3A_489 = arith.constant 0 : i32
      %dma_start3A_490 = arith.constant 0 : i32
      %dma_start3A_491 = tpu.memref_slice %arg2[%dma_start3A_489, %dma_start3A_490] : memref<1572864x16xf32, #tpu.memory_space<hbm>> -> memref<1572864x16xf32, #tpu.memory_space<hbm>>
      tpu.enqueue_indirect_dma source(%dma_start3A_491 : memref<1572864x16xf32, #tpu.memory_space<hbm>>) target(%dma_start3A_485 : memref<128x16xf32, #tpu.memory_space<vmem>>) offsets(%dma_start3A_488 : memref<128xi32, #tpu.memory_space<vmem>>) semaphore(%arg7 : memref<!tpu.dma_semaphore, #tpu.memory_space<semaphore_mem>>)
      %mul3A_492 = arith.constant 16 : i32
      %mul3A_493 = arith.muli %min3A_461, %mul3A_492 : i32
      %add3A_494 = arith.constant 2 : i32
      %add3A_495 = arith.addi %mul3A_493, %add3A_494 : i32
      %dma_start3A_496 = arith.constant 1 : i32
      %dma_start3A_497 = arith.constant 256 : i32
      %dma_start3A_498 = arith.constant 0 : i32
      %dma_start3A_499 = tpu.memref_slice %arg6[%dma_start3A_496, %dma_start3A_497, %dma_start3A_498] : memref<2x2048x16xf32, #tpu.memory_space<vmem>> -> memref<1x128x16xf32, #tpu.memory_space<vmem>>
      %dma_start3A_500 = tpu.memref_squeeze %dma_start3A_499 : memref<1x128x16xf32, #tpu.memory_space<vmem>> -> memref<128x16xf32, #tpu.memory_space<vmem>>
      %dma_start3A_501 = arith.constant 0 : i32
      %dma_start3A_502 = tpu.memref_slice %arg5[%add3A_495, %dma_start3A_501] : memref<384x128xi32, #tpu.memory_space<vmem>> -> memref<1x128xi32, #tpu.memory_space<vmem>>
      %dma_start3A_503 = tpu.memref_squeeze %dma_start3A_502 : memref<1x128xi32, #tpu.memory_space<vmem>> -> memref<128xi32, #tpu.memory_space<vmem>>
      %dma_start3A_504 = arith.constant 0 : i32
      %dma_start3A_505 = arith.constant 0 : i32
      %dma_start3A_506 = tpu.memref_slice %arg2[%dma_start3A_504, %dma_start3A_505] : memref<1572864x16xf32, #tpu.memory_space<hbm>> -> memref<1572864x16xf32, #tpu.memory_space<hbm>>
      tpu.enqueue_indirect_dma source(%dma_start3A_506 : memref<1572864x16xf32, #tpu.memory_space<hbm>>) target(%dma_start3A_500 : memref<128x16xf32, #tpu.memory_space<vmem>>) offsets(%dma_start3A_503 : memref<128xi32, #tpu.memory_space<vmem>>) semaphore(%arg7 : memref<!tpu.dma_semaphore, #tpu.memory_space<semaphore_mem>>)
      %mul3A_507 = arith.constant 16 : i32
      %mul3A_508 = arith.muli %min3A_461, %mul3A_507 : i32
      %add3A_509 = arith.constant 3 : i32
      %add3A_510 = arith.addi %mul3A_508, %add3A_509 : i32
      %dma_start3A_511 = arith.constant 1 : i32
      %dma_start3A_512 = arith.constant 384 : i32
      %dma_start3A_513 = arith.constant 0 : i32
      %dma_start3A_514 = tpu.memref_slice %arg6[%dma_start3A_511, %dma_start3A_512, %dma_start3A_513] : memref<2x2048x16xf32, #tpu.memory_space<vmem>> -> memref<1x128x16xf32, #tpu.memory_space<vmem>>
      %dma_start3A_515 = tpu.memref_squeeze %dma_start3A_514 : memref<1x128x16xf32, #tpu.memory_space<vmem>> -> memref<128x16xf32, #tpu.memory_space<vmem>>
      %dma_start3A_516 = arith.constant 0 : i32
      %dma_start3A_517 = tpu.memref_slice %arg5[%add3A_510, %dma_start3A_516] : memref<384x128xi32, #tpu.memory_space<vmem>> -> memref<1x128xi32, #tpu.memory_space<vmem>>
      %dma_start3A_518 = tpu.memref_squeeze %dma_start3A_517 : memref<1x128xi32, #tpu.memory_space<vmem>> -> memref<128xi32, #tpu.memory_space<vmem>>
      %dma_start3A_519 = arith.constant 0 : i32
      %dma_start3A_520 = arith.constant 0 : i32
      %dma_start3A_521 = tpu.memref_slice %arg2[%dma_start3A_519, %dma_start3A_520] : memref<1572864x16xf32, #tpu.memory_space<hbm>> -> memref<1572864x16xf32, #tpu.memory_space<hbm>>
      tpu.enqueue_indirect_dma source(%dma_start3A_521 : memref<1572864x16xf32, #tpu.memory_space<hbm>>) target(%dma_start3A_515 : memref<128x16xf32, #tpu.memory_space<vmem>>) offsets(%dma_start3A_518 : memref<128xi32, #tpu.memory_space<vmem>>) semaphore(%arg7 : memref<!tpu.dma_semaphore, #tpu.memory_space<semaphore_mem>>)
      %mul3A_522 = arith.constant 16 : i32
      %mul3A_523 = arith.muli %min3A_461, %mul3A_522 : i32
      %add3A_524 = arith.constant 4 : i32
      %add3A_525 = arith.addi %mul3A_523, %add3A_524 : i32
      %dma_start3A_526 = arith.constant 1 : i32
      %dma_start3A_527 = arith.constant 512 : i32
      %dma_start3A_528 = arith.constant 0 : i32
      %dma_start3A_529 = tpu.memref_slice %arg6[%dma_start3A_526, %dma_start3A_527, %dma_start3A_528] : memref<2x2048x16xf32, #tpu.memory_space<vmem>> -> memref<1x128x16xf32, #tpu.memory_space<vmem>>
      %dma_start3A_530 = tpu.memref_squeeze %dma_start3A_529 : memref<1x128x16xf32, #tpu.memory_space<vmem>> -> memref<128x16xf32, #tpu.memory_space<vmem>>
      %dma_start3A_531 = arith.constant 0 : i32
      %dma_start3A_532 = tpu.memref_slice %arg5[%add3A_525, %dma_start3A_531] : memref<384x128xi32, #tpu.memory_space<vmem>> -> memref<1x128xi32, #tpu.memory_space<vmem>>
      %dma_start3A_533 = tpu.memref_squeeze %dma_start3A_532 : memref<1x128xi32, #tpu.memory_space<vmem>> -> memref<128xi32, #tpu.memory_space<vmem>>
      %dma_start3A_534 = arith.constant 0 : i32
      %dma_start3A_535 = arith.constant 0 : i32
      %dma_start3A_536 = tpu.memref_slice %arg2[%dma_start3A_534, %dma_start3A_535] : memref<1572864x16xf32, #tpu.memory_space<hbm>> -> memref<1572864x16xf32, #tpu.memory_space<hbm>>
      tpu.enqueue_indirect_dma source(%dma_start3A_536 : memref<1572864x16xf32, #tpu.memory_space<hbm>>) target(%dma_start3A_530 : memref<128x16xf32, #tpu.memory_space<vmem>>) offsets(%dma_start3A_533 : memref<128xi32, #tpu.memory_space<vmem>>) semaphore(%arg7 : memref<!tpu.dma_semaphore, #tpu.memory_space<semaphore_mem>>)
      %mul3A_537 = arith.constant 16 : i32
      %mul3A_538 = arith.muli %min3A_461, %mul3A_537 : i32
      %add3A_539 = arith.constant 5 : i32
      %add3A_540 = arith.addi %mul3A_538, %add3A_539 : i32
      %dma_start3A_541 = arith.constant 1 : i32
      %dma_start3A_542 = arith.constant 640 : i32
      %dma_start3A_543 = arith.constant 0 : i32
      %dma_start3A_544 = tpu.memref_slice %arg6[%dma_start3A_541, %dma_start3A_542, %dma_start3A_543] : memref<2x2048x16xf32, #tpu.memory_space<vmem>> -> memref<1x128x16xf32, #tpu.memory_space<vmem>>
      %dma_start3A_545 = tpu.memref_squeeze %dma_start3A_544 : memref<1x128x16xf32, #tpu.memory_space<vmem>> -> memref<128x16xf32, #tpu.memory_space<vmem>>
      %dma_start3A_546 = arith.constant 0 : i32
      %dma_start3A_547 = tpu.memref_slice %arg5[%add3A_540, %dma_start3A_546] : memref<384x128xi32, #tpu.memory_space<vmem>> -> memref<1x128xi32, #tpu.memory_space<vmem>>
      %dma_start3A_548 = tpu.memref_squeeze %dma_start3A_547 : memref<1x128xi32, #tpu.memory_space<vmem>> -> memref<128xi32, #tpu.memory_space<vmem>>
      %dma_start3A_549 = arith.constant 0 : i32
      %dma_start3A_550 = arith.constant 0 : i32
      %dma_start3A_551 = tpu.memref_slice %arg2[%dma_start3A_549, %dma_start3A_550] : memref<1572864x16xf32, #tpu.memory_space<hbm>> -> memref<1572864x16xf32, #tpu.memory_space<hbm>>
      tpu.enqueue_indirect_dma source(%dma_start3A_551 : memref<1572864x16xf32, #tpu.memory_space<hbm>>) target(%dma_start3A_545 : memref<128x16xf32, #tpu.memory_space<vmem>>) offsets(%dma_start3A_548 : memref<128xi32, #tpu.memory_space<vmem>>) semaphore(%arg7 : memref<!tpu.dma_semaphore, #tpu.memory_space<semaphore_mem>>)
      %mul3A_552 = arith.constant 16 : i32
      %mul3A_553 = arith.muli %min3A_461, %mul3A_552 : i32
      %add3A_554 = arith.constant 6 : i32
      %add3A_555 = arith.addi %mul3A_553, %add3A_554 : i32
      %dma_start3A_556 = arith.constant 1 : i32
      %dma_start3A_557 = arith.constant 768 : i32
      %dma_start3A_558 = arith.constant 0 : i32
      %dma_start3A_559 = tpu.memref_slice %arg6[%dma_start3A_556, %dma_start3A_557, %dma_start3A_558] : memref<2x2048x16xf32, #tpu.memory_space<vmem>> -> memref<1x128x16xf32, #tpu.memory_space<vmem>>
      %dma_start3A_560 = tpu.memref_squeeze %dma_start3A_559 : memref<1x128x16xf32, #tpu.memory_space<vmem>> -> memref<128x16xf32, #tpu.memory_space<vmem>>
      %dma_start3A_561 = arith.constant 0 : i32
      %dma_start3A_562 = tpu.memref_slice %arg5[%add3A_555, %dma_start3A_561] : memref<384x128xi32, #tpu.memory_space<vmem>> -> memref<1x128xi32, #tpu.memory_space<vmem>>
      %dma_start3A_563 = tpu.memref_squeeze %dma_start3A_562 : memref<1x128xi32, #tpu.memory_space<vmem>> -> memref<128xi32, #tpu.memory_space<vmem>>
      %dma_start3A_564 = arith.constant 0 : i32
      %dma_start3A_565 = arith.constant 0 : i32
      %dma_start3A_566 = tpu.memref_slice %arg2[%dma_start3A_564, %dma_start3A_565] : memref<1572864x16xf32, #tpu.memory_space<hbm>> -> memref<1572864x16xf32, #tpu.memory_space<hbm>>
      tpu.enqueue_indirect_dma source(%dma_start3A_566 : memref<1572864x16xf32, #tpu.memory_space<hbm>>) target(%dma_start3A_560 : memref<128x16xf32, #tpu.memory_space<vmem>>) offsets(%dma_start3A_563 : memref<128xi32, #tpu.memory_space<vmem>>) semaphore(%arg7 : memref<!tpu.dma_semaphore, #tpu.memory_space<semaphore_mem>>)
      %mul3A_567 = arith.constant 16 : i32
      %mul3A_568 = arith.muli %min3A_461, %mul3A_567 : i32
      %add3A_569 = arith.constant 7 : i32
      %add3A_570 = arith.addi %mul3A_568, %add3A_569 : i32
      %dma_start3A_571 = arith.constant 1 : i32
      %dma_start3A_572 = arith.constant 896 : i32
      %dma_start3A_573 = arith.constant 0 : i32
      %dma_start3A_574 = tpu.memref_slice %arg6[%dma_start3A_571, %dma_start3A_572, %dma_start3A_573] : memref<2x2048x16xf32, #tpu.memory_space<vmem>> -> memref<1x128x16xf32, #tpu.memory_space<vmem>>
      %dma_start3A_575 = tpu.memref_squeeze %dma_start3A_574 : memref<1x128x16xf32, #tpu.memory_space<vmem>> -> memref<128x16xf32, #tpu.memory_space<vmem>>
      %dma_start3A_576 = arith.constant 0 : i32
      %dma_start3A_577 = tpu.memref_slice %arg5[%add3A_570, %dma_start3A_576] : memref<384x128xi32, #tpu.memory_space<vmem>> -> memref<1x128xi32, #tpu.memory_space<vmem>>
      %dma_start3A_578 = tpu.memref_squeeze %dma_start3A_577 : memref<1x128xi32, #tpu.memory_space<vmem>> -> memref<128xi32, #tpu.memory_space<vmem>>
      %dma_start3A_579 = arith.constant 0 : i32
      %dma_start3A_580 = arith.constant 0 : i32
      %dma_start3A_581 = tpu.memref_slice %arg2[%dma_start3A_579, %dma_start3A_580] : memref<1572864x16xf32, #tpu.memory_space<hbm>> -> memref<1572864x16xf32, #tpu.memory_space<hbm>>
      tpu.enqueue_indirect_dma source(%dma_start3A_581 : memref<1572864x16xf32, #tpu.memory_space<hbm>>) target(%dma_start3A_575 : memref<128x16xf32, #tpu.memory_space<vmem>>) offsets(%dma_start3A_578 : memref<128xi32, #tpu.memory_space<vmem>>) semaphore(%arg7 : memref<!tpu.dma_semaphore, #tpu.memory_space<semaphore_mem>>)
      %mul3A_582 = arith.constant 16 : i32
      %mul3A_583 = arith.muli %min3A_461, %mul3A_582 : i32
      %add3A_584 = arith.constant 8 : i32
      %add3A_585 = arith.addi %mul3A_583, %add3A_584 : i32
      %dma_start3A_586 = arith.constant 1 : i32
      %dma_start3A_587 = arith.constant 1024 : i32
      %dma_start3A_588 = arith.constant 0 : i32
      %dma_start3A_589 = tpu.memref_slice %arg6[%dma_start3A_586, %dma_start3A_587, %dma_start3A_588] : memref<2x2048x16xf32, #tpu.memory_space<vmem>> -> memref<1x128x16xf32, #tpu.memory_space<vmem>>
      %dma_start3A_590 = tpu.memref_squeeze %dma_start3A_589 : memref<1x128x16xf32, #tpu.memory_space<vmem>> -> memref<128x16xf32, #tpu.memory_space<vmem>>
      %dma_start3A_591 = arith.constant 0 : i32
      %dma_start3A_592 = tpu.memref_slice %arg5[%add3A_585, %dma_start3A_591] : memref<384x128xi32, #tpu.memory_space<vmem>> -> memref<1x128xi32, #tpu.memory_space<vmem>>
      %dma_start3A_593 = tpu.memref_squeeze %dma_start3A_592 : memref<1x128xi32, #tpu.memory_space<vmem>> -> memref<128xi32, #tpu.memory_space<vmem>>
      %dma_start3A_594 = arith.constant 0 : i32
      %dma_start3A_595 = arith.constant 0 : i32
      %dma_start3A_596 = tpu.memref_slice %arg2[%dma_start3A_594, %dma_start3A_595] : memref<1572864x16xf32, #tpu.memory_space<hbm>> -> memref<1572864x16xf32, #tpu.memory_space<hbm>>
      tpu.enqueue_indirect_dma source(%dma_start3A_596 : memref<1572864x16xf32, #tpu.memory_space<hbm>>) target(%dma_start3A_590 : memref<128x16xf32, #tpu.memory_space<vmem>>) offsets(%dma_start3A_593 : memref<128xi32, #tpu.memory_space<vmem>>) semaphore(%arg7 : memref<!tpu.dma_semaphore, #tpu.memory_space<semaphore_mem>>)
      %mul3A_597 = arith.constant 16 : i32
      %mul3A_598 = arith.muli %min3A_461, %mul3A_597 : i32
      %add3A_599 = arith.constant 9 : i32
      %add3A_600 = arith.addi %mul3A_598, %add3A_599 : i32
      %dma_start3A_601 = arith.constant 1 : i32
      %dma_start3A_602 = arith.constant 1152 : i32
      %dma_start3A_603 = arith.constant 0 : i32
      %dma_start3A_604 = tpu.memref_slice %arg6[%dma_start3A_601, %dma_start3A_602, %dma_start3A_603] : memref<2x2048x16xf32, #tpu.memory_space<vmem>> -> memref<1x128x16xf32, #tpu.memory_space<vmem>>
      %dma_start3A_605 = tpu.memref_squeeze %dma_start3A_604 : memref<1x128x16xf32, #tpu.memory_space<vmem>> -> memref<128x16xf32, #tpu.memory_space<vmem>>
      %dma_start3A_606 = arith.constant 0 : i32
      %dma_start3A_607 = tpu.memref_slice %arg5[%add3A_600, %dma_start3A_606] : memref<384x128xi32, #tpu.memory_space<vmem>> -> memref<1x128xi32, #tpu.memory_space<vmem>>
      %dma_start3A_608 = tpu.memref_squeeze %dma_start3A_607 : memref<1x128xi32, #tpu.memory_space<vmem>> -> memref<128xi32, #tpu.memory_space<vmem>>
      %dma_start3A_609 = arith.constant 0 : i32
      %dma_start3A_610 = arith.constant 0 : i32
      %dma_start3A_611 = tpu.memref_slice %arg2[%dma_start3A_609, %dma_start3A_610] : memref<1572864x16xf32, #tpu.memory_space<hbm>> -> memref<1572864x16xf32, #tpu.memory_space<hbm>>
      tpu.enqueue_indirect_dma source(%dma_start3A_611 : memref<1572864x16xf32, #tpu.memory_space<hbm>>) target(%dma_start3A_605 : memref<128x16xf32, #tpu.memory_space<vmem>>) offsets(%dma_start3A_608 : memref<128xi32, #tpu.memory_space<vmem>>) semaphore(%arg7 : memref<!tpu.dma_semaphore, #tpu.memory_space<semaphore_mem>>)
      %mul3A_612 = arith.constant 16 : i32
      %mul3A_613 = arith.muli %min3A_461, %mul3A_612 : i32
      %add3A_614 = arith.constant 10 : i32
      %add3A_615 = arith.addi %mul3A_613, %add3A_614 : i32
      %dma_start3A_616 = arith.constant 1 : i32
      %dma_start3A_617 = arith.constant 1280 : i32
      %dma_start3A_618 = arith.constant 0 : i32
      %dma_start3A_619 = tpu.memref_slice %arg6[%dma_start3A_616, %dma_start3A_617, %dma_start3A_618] : memref<2x2048x16xf32, #tpu.memory_space<vmem>> -> memref<1x128x16xf32, #tpu.memory_space<vmem>>
      %dma_start3A_620 = tpu.memref_squeeze %dma_start3A_619 : memref<1x128x16xf32, #tpu.memory_space<vmem>> -> memref<128x16xf32, #tpu.memory_space<vmem>>
      %dma_start3A_621 = arith.constant 0 : i32
      %dma_start3A_622 = tpu.memref_slice %arg5[%add3A_615, %dma_start3A_621] : memref<384x128xi32, #tpu.memory_space<vmem>> -> memref<1x128xi32, #tpu.memory_space<vmem>>
      %dma_start3A_623 = tpu.memref_squeeze %dma_start3A_622 : memref<1x128xi32, #tpu.memory_space<vmem>> -> memref<128xi32, #tpu.memory_space<vmem>>
      %dma_start3A_624 = arith.constant 0 : i32
      %dma_start3A_625 = arith.constant 0 : i32
      %dma_start3A_626 = tpu.memref_slice %arg2[%dma_start3A_624, %dma_start3A_625] : memref<1572864x16xf32, #tpu.memory_space<hbm>> -> memref<1572864x16xf32, #tpu.memory_space<hbm>>
      tpu.enqueue_indirect_dma source(%dma_start3A_626 : memref<1572864x16xf32, #tpu.memory_space<hbm>>) target(%dma_start3A_620 : memref<128x16xf32, #tpu.memory_space<vmem>>) offsets(%dma_start3A_623 : memref<128xi32, #tpu.memory_space<vmem>>) semaphore(%arg7 : memref<!tpu.dma_semaphore, #tpu.memory_space<semaphore_mem>>)
      %mul3A_627 = arith.constant 16 : i32
      %mul3A_628 = arith.muli %min3A_461, %mul3A_627 : i32
      %add3A_629 = arith.constant 11 : i32
      %add3A_630 = arith.addi %mul3A_628, %add3A_629 : i32
      %dma_start3A_631 = arith.constant 1 : i32
      %dma_start3A_632 = arith.constant 1408 : i32
      %dma_start3A_633 = arith.constant 0 : i32
      %dma_start3A_634 = tpu.memref_slice %arg6[%dma_start3A_631, %dma_start3A_632, %dma_start3A_633] : memref<2x2048x16xf32, #tpu.memory_space<vmem>> -> memref<1x128x16xf32, #tpu.memory_space<vmem>>
      %dma_start3A_635 = tpu.memref_squeeze %dma_start3A_634 : memref<1x128x16xf32, #tpu.memory_space<vmem>> -> memref<128x16xf32, #tpu.memory_space<vmem>>
      %dma_start3A_636 = arith.constant 0 : i32
      %dma_start3A_637 = tpu.memref_slice %arg5[%add3A_630, %dma_start3A_636] : memref<384x128xi32, #tpu.memory_space<vmem>> -> memref<1x128xi32, #tpu.memory_space<vmem>>
      %dma_start3A_638 = tpu.memref_squeeze %dma_start3A_637 : memref<1x128xi32, #tpu.memory_space<vmem>> -> memref<128xi32, #tpu.memory_space<vmem>>
      %dma_start3A_639 = arith.constant 0 : i32
      %dma_start3A_640 = arith.constant 0 : i32
      %dma_start3A_641 = tpu.memref_slice %arg2[%dma_start3A_639, %dma_start3A_640] : memref<1572864x16xf32, #tpu.memory_space<hbm>> -> memref<1572864x16xf32, #tpu.memory_space<hbm>>
      tpu.enqueue_indirect_dma source(%dma_start3A_641 : memref<1572864x16xf32, #tpu.memory_space<hbm>>) target(%dma_start3A_635 : memref<128x16xf32, #tpu.memory_space<vmem>>) offsets(%dma_start3A_638 : memref<128xi32, #tpu.memory_space<vmem>>) semaphore(%arg7 : memref<!tpu.dma_semaphore, #tpu.memory_space<semaphore_mem>>)
      %mul3A_642 = arith.constant 16 : i32
      %mul3A_643 = arith.muli %min3A_461, %mul3A_642 : i32
      %add3A_644 = arith.constant 12 : i32
      %add3A_645 = arith.addi %mul3A_643, %add3A_644 : i32
      %dma_start3A_646 = arith.constant 1 : i32
      %dma_start3A_647 = arith.constant 1536 : i32
      %dma_start3A_648 = arith.constant 0 : i32
      %dma_start3A_649 = tpu.memref_slice %arg6[%dma_start3A_646, %dma_start3A_647, %dma_start3A_648] : memref<2x2048x16xf32, #tpu.memory_space<vmem>> -> memref<1x128x16xf32, #tpu.memory_space<vmem>>
      %dma_start3A_650 = tpu.memref_squeeze %dma_start3A_649 : memref<1x128x16xf32, #tpu.memory_space<vmem>> -> memref<128x16xf32, #tpu.memory_space<vmem>>
      %dma_start3A_651 = arith.constant 0 : i32
      %dma_start3A_652 = tpu.memref_slice %arg5[%add3A_645, %dma_start3A_651] : memref<384x128xi32, #tpu.memory_space<vmem>> -> memref<1x128xi32, #tpu.memory_space<vmem>>
      %dma_start3A_653 = tpu.memref_squeeze %dma_start3A_652 : memref<1x128xi32, #tpu.memory_space<vmem>> -> memref<128xi32, #tpu.memory_space<vmem>>
      %dma_start3A_654 = arith.constant 0 : i32
      %dma_start3A_655 = arith.constant 0 : i32
      %dma_start3A_656 = tpu.memref_slice %arg2[%dma_start3A_654, %dma_start3A_655] : memref<1572864x16xf32, #tpu.memory_space<hbm>> -> memref<1572864x16xf32, #tpu.memory_space<hbm>>
      tpu.enqueue_indirect_dma source(%dma_start3A_656 : memref<1572864x16xf32, #tpu.memory_space<hbm>>) target(%dma_start3A_650 : memref<128x16xf32, #tpu.memory_space<vmem>>) offsets(%dma_start3A_653 : memref<128xi32, #tpu.memory_space<vmem>>) semaphore(%arg7 : memref<!tpu.dma_semaphore, #tpu.memory_space<semaphore_mem>>)
      %mul3A_657 = arith.constant 16 : i32
      %mul3A_658 = arith.muli %min3A_461, %mul3A_657 : i32
      %add3A_659 = arith.constant 13 : i32
      %add3A_660 = arith.addi %mul3A_658, %add3A_659 : i32
      %dma_start3A_661 = arith.constant 1 : i32
      %dma_start3A_662 = arith.constant 1664 : i32
      %dma_start3A_663 = arith.constant 0 : i32
      %dma_start3A_664 = tpu.memref_slice %arg6[%dma_start3A_661, %dma_start3A_662, %dma_start3A_663] : memref<2x2048x16xf32, #tpu.memory_space<vmem>> -> memref<1x128x16xf32, #tpu.memory_space<vmem>>
      %dma_start3A_665 = tpu.memref_squeeze %dma_start3A_664 : memref<1x128x16xf32, #tpu.memory_space<vmem>> -> memref<128x16xf32, #tpu.memory_space<vmem>>
      %dma_start3A_666 = arith.constant 0 : i32
      %dma_start3A_667 = tpu.memref_slice %arg5[%add3A_660, %dma_start3A_666] : memref<384x128xi32, #tpu.memory_space<vmem>> -> memref<1x128xi32, #tpu.memory_space<vmem>>
      %dma_start3A_668 = tpu.memref_squeeze %dma_start3A_667 : memref<1x128xi32, #tpu.memory_space<vmem>> -> memref<128xi32, #tpu.memory_space<vmem>>
      %dma_start3A_669 = arith.constant 0 : i32
      %dma_start3A_670 = arith.constant 0 : i32
      %dma_start3A_671 = tpu.memref_slice %arg2[%dma_start3A_669, %dma_start3A_670] : memref<1572864x16xf32, #tpu.memory_space<hbm>> -> memref<1572864x16xf32, #tpu.memory_space<hbm>>
      tpu.enqueue_indirect_dma source(%dma_start3A_671 : memref<1572864x16xf32, #tpu.memory_space<hbm>>) target(%dma_start3A_665 : memref<128x16xf32, #tpu.memory_space<vmem>>) offsets(%dma_start3A_668 : memref<128xi32, #tpu.memory_space<vmem>>) semaphore(%arg7 : memref<!tpu.dma_semaphore, #tpu.memory_space<semaphore_mem>>)
      %mul3A_672 = arith.constant 16 : i32
      %mul3A_673 = arith.muli %min3A_461, %mul3A_672 : i32
      %add3A_674 = arith.constant 14 : i32
      %add3A_675 = arith.addi %mul3A_673, %add3A_674 : i32
      %dma_start3A_676 = arith.constant 1 : i32
      %dma_start3A_677 = arith.constant 1792 : i32
      %dma_start3A_678 = arith.constant 0 : i32
      %dma_start3A_679 = tpu.memref_slice %arg6[%dma_start3A_676, %dma_start3A_677, %dma_start3A_678] : memref<2x2048x16xf32, #tpu.memory_space<vmem>> -> memref<1x128x16xf32, #tpu.memory_space<vmem>>
      %dma_start3A_680 = tpu.memref_squeeze %dma_start3A_679 : memref<1x128x16xf32, #tpu.memory_space<vmem>> -> memref<128x16xf32, #tpu.memory_space<vmem>>
      %dma_start3A_681 = arith.constant 0 : i32
      %dma_start3A_682 = tpu.memref_slice %arg5[%add3A_675, %dma_start3A_681] : memref<384x128xi32, #tpu.memory_space<vmem>> -> memref<1x128xi32, #tpu.memory_space<vmem>>
      %dma_start3A_683 = tpu.memref_squeeze %dma_start3A_682 : memref<1x128xi32, #tpu.memory_space<vmem>> -> memref<128xi32, #tpu.memory_space<vmem>>
      %dma_start3A_684 = arith.constant 0 : i32
      %dma_start3A_685 = arith.constant 0 : i32
      %dma_start3A_686 = tpu.memref_slice %arg2[%dma_start3A_684, %dma_start3A_685] : memref<1572864x16xf32, #tpu.memory_space<hbm>> -> memref<1572864x16xf32, #tpu.memory_space<hbm>>
      tpu.enqueue_indirect_dma source(%dma_start3A_686 : memref<1572864x16xf32, #tpu.memory_space<hbm>>) target(%dma_start3A_680 : memref<128x16xf32, #tpu.memory_space<vmem>>) offsets(%dma_start3A_683 : memref<128xi32, #tpu.memory_space<vmem>>) semaphore(%arg7 : memref<!tpu.dma_semaphore, #tpu.memory_space<semaphore_mem>>)
      %mul3A_687 = arith.constant 16 : i32
      %mul3A_688 = arith.muli %min3A_461, %mul3A_687 : i32
      %add3A_689 = arith.constant 15 : i32
      %add3A_690 = arith.addi %mul3A_688, %add3A_689 : i32
      %dma_start3A_691 = arith.constant 1 : i32
      %dma_start3A_692 = arith.constant 1920 : i32
      %dma_start3A_693 = arith.constant 0 : i32
      %dma_start3A_694 = tpu.memref_slice %arg6[%dma_start3A_691, %dma_start3A_692, %dma_start3A_693] : memref<2x2048x16xf32, #tpu.memory_space<vmem>> -> memref<1x128x16xf32, #tpu.memory_space<vmem>>
      %dma_start3A_695 = tpu.memref_squeeze %dma_start3A_694 : memref<1x128x16xf32, #tpu.memory_space<vmem>> -> memref<128x16xf32, #tpu.memory_space<vmem>>
      %dma_start3A_696 = arith.constant 0 : i32
      %dma_start3A_697 = tpu.memref_slice %arg5[%add3A_690, %dma_start3A_696] : memref<384x128xi32, #tpu.memory_space<vmem>> -> memref<1x128xi32, #tpu.memory_space<vmem>>
      %dma_start3A_698 = tpu.memref_squeeze %dma_start3A_697 : memref<1x128xi32, #tpu.memory_space<vmem>> -> memref<128xi32, #tpu.memory_space<vmem>>
      %dma_start3A_699 = arith.constant 0 : i32
      %dma_start3A_700 = arith.constant 0 : i32
      %dma_start3A_701 = tpu.memref_slice %arg2[%dma_start3A_699, %dma_start3A_700] : memref<1572864x16xf32, #tpu.memory_space<hbm>> -> memref<1572864x16xf32, #tpu.memory_space<hbm>>
      tpu.enqueue_indirect_dma source(%dma_start3A_701 : memref<1572864x16xf32, #tpu.memory_space<hbm>>) target(%dma_start3A_695 : memref<128x16xf32, #tpu.memory_space<vmem>>) offsets(%dma_start3A_698 : memref<128xi32, #tpu.memory_space<vmem>>) semaphore(%arg7 : memref<!tpu.dma_semaphore, #tpu.memory_space<semaphore_mem>>)
      %dma_wait3A_702 = arith.constant 0 : i32
      %dma_wait3A_703 = arith.constant 0 : i32
      %dma_wait3A_704 = arith.constant 0 : i32
      %dma_wait3A_705 = arith.constant 0 : i32
      %dma_wait3A_706 = tpu.memref_slice %arg6[%dma_wait3A_703, %dma_wait3A_704, %dma_wait3A_705] : memref<2x2048x16xf32, #tpu.memory_space<vmem>> -> memref<1x128x16xf32, #tpu.memory_space<vmem>>
      %dma_wait3A_707 = tpu.memref_squeeze %dma_wait3A_706 : memref<1x128x16xf32, #tpu.memory_space<vmem>> -> memref<128x16xf32, #tpu.memory_space<vmem>>
      %dma_wait3A_708 = arith.constant 0 : i32
      %dma_wait3A_709 = tpu.memref_slice %arg5[%dma_wait3A_702, %dma_wait3A_708] : memref<384x128xi32, #tpu.memory_space<vmem>> -> memref<1x128xi32, #tpu.memory_space<vmem>>
      %dma_wait3A_710 = tpu.memref_squeeze %dma_wait3A_709 : memref<1x128xi32, #tpu.memory_space<vmem>> -> memref<128xi32, #tpu.memory_space<vmem>>
      %dma_wait3A_711 = arith.constant 0 : i32
      %dma_wait3A_712 = arith.constant 0 : i32
      %dma_wait3A_713 = tpu.memref_slice %arg2[%dma_wait3A_711, %dma_wait3A_712] : memref<1572864x16xf32, #tpu.memory_space<hbm>> -> memref<1572864x16xf32, #tpu.memory_space<hbm>>
      tpu.wait_indirect_dma semaphore(%arg7 : memref<!tpu.dma_semaphore, #tpu.memory_space<semaphore_mem>>) src(%dma_wait3A_713 : memref<1572864x16xf32, #tpu.memory_space<hbm>>) dst(%dma_wait3A_707 : memref<128x16xf32, #tpu.memory_space<vmem>>)
      %dma_wait3A_714 = arith.constant 0 : i32
      %dma_wait3A_715 = arith.constant 0 : i32
      %dma_wait3A_716 = arith.constant 128 : i32
      %dma_wait3A_717 = arith.constant 0 : i32
      %dma_wait3A_718 = tpu.memref_slice %arg6[%dma_wait3A_715, %dma_wait3A_716, %dma_wait3A_717] : memref<2x2048x16xf32, #tpu.memory_space<vmem>> -> memref<1x128x16xf32, #tpu.memory_space<vmem>>
      %dma_wait3A_719 = tpu.memref_squeeze %dma_wait3A_718 : memref<1x128x16xf32, #tpu.memory_space<vmem>> -> memref<128x16xf32, #tpu.memory_space<vmem>>
      %dma_wait3A_720 = arith.constant 0 : i32
      %dma_wait3A_721 = tpu.memref_slice %arg5[%dma_wait3A_714, %dma_wait3A_720] : memref<384x128xi32, #tpu.memory_space<vmem>> -> memref<1x128xi32, #tpu.memory_space<vmem>>
      %dma_wait3A_722 = tpu.memref_squeeze %dma_wait3A_721 : memref<1x128xi32, #tpu.memory_space<vmem>> -> memref<128xi32, #tpu.memory_space<vmem>>
      %dma_wait3A_723 = arith.constant 0 : i32
      %dma_wait3A_724 = arith.constant 0 : i32
      %dma_wait3A_725 = tpu.memref_slice %arg2[%dma_wait3A_723, %dma_wait3A_724] : memref<1572864x16xf32, #tpu.memory_space<hbm>> -> memref<1572864x16xf32, #tpu.memory_space<hbm>>
      tpu.wait_indirect_dma semaphore(%arg7 : memref<!tpu.dma_semaphore, #tpu.memory_space<semaphore_mem>>) src(%dma_wait3A_725 : memref<1572864x16xf32, #tpu.memory_space<hbm>>) dst(%dma_wait3A_719 : memref<128x16xf32, #tpu.memory_space<vmem>>)
      %dma_wait3A_726 = arith.constant 0 : i32
      %dma_wait3A_727 = arith.constant 0 : i32
      %dma_wait3A_728 = arith.constant 256 : i32
      %dma_wait3A_729 = arith.constant 0 : i32
      %dma_wait3A_730 = tpu.memref_slice %arg6[%dma_wait3A_727, %dma_wait3A_728, %dma_wait3A_729] : memref<2x2048x16xf32, #tpu.memory_space<vmem>> -> memref<1x128x16xf32, #tpu.memory_space<vmem>>
      %dma_wait3A_731 = tpu.memref_squeeze %dma_wait3A_730 : memref<1x128x16xf32, #tpu.memory_space<vmem>> -> memref<128x16xf32, #tpu.memory_space<vmem>>
      %dma_wait3A_732 = arith.constant 0 : i32
      %dma_wait3A_733 = tpu.memref_slice %arg5[%dma_wait3A_726, %dma_wait3A_732] : memref<384x128xi32, #tpu.memory_space<vmem>> -> memref<1x128xi32, #tpu.memory_space<vmem>>
      %dma_wait3A_734 = tpu.memref_squeeze %dma_wait3A_733 : memref<1x128xi32, #tpu.memory_space<vmem>> -> memref<128xi32, #tpu.memory_space<vmem>>
      %dma_wait3A_735 = arith.constant 0 : i32
      %dma_wait3A_736 = arith.constant 0 : i32
      %dma_wait3A_737 = tpu.memref_slice %arg2[%dma_wait3A_735, %dma_wait3A_736] : memref<1572864x16xf32, #tpu.memory_space<hbm>> -> memref<1572864x16xf32, #tpu.memory_space<hbm>>
      tpu.wait_indirect_dma semaphore(%arg7 : memref<!tpu.dma_semaphore, #tpu.memory_space<semaphore_mem>>) src(%dma_wait3A_737 : memref<1572864x16xf32, #tpu.memory_space<hbm>>) dst(%dma_wait3A_731 : memref<128x16xf32, #tpu.memory_space<vmem>>)
      %dma_wait3A_738 = arith.constant 0 : i32
      %dma_wait3A_739 = arith.constant 0 : i32
      %dma_wait3A_740 = arith.constant 384 : i32
      %dma_wait3A_741 = arith.constant 0 : i32
      %dma_wait3A_742 = tpu.memref_slice %arg6[%dma_wait3A_739, %dma_wait3A_740, %dma_wait3A_741] : memref<2x2048x16xf32, #tpu.memory_space<vmem>> -> memref<1x128x16xf32, #tpu.memory_space<vmem>>
      %dma_wait3A_743 = tpu.memref_squeeze %dma_wait3A_742 : memref<1x128x16xf32, #tpu.memory_space<vmem>> -> memref<128x16xf32, #tpu.memory_space<vmem>>
      %dma_wait3A_744 = arith.constant 0 : i32
      %dma_wait3A_745 = tpu.memref_slice %arg5[%dma_wait3A_738, %dma_wait3A_744] : memref<384x128xi32, #tpu.memory_space<vmem>> -> memref<1x128xi32, #tpu.memory_space<vmem>>
      %dma_wait3A_746 = tpu.memref_squeeze %dma_wait3A_745 : memref<1x128xi32, #tpu.memory_space<vmem>> -> memref<128xi32, #tpu.memory_space<vmem>>
      %dma_wait3A_747 = arith.constant 0 : i32
      %dma_wait3A_748 = arith.constant 0 : i32
      %dma_wait3A_749 = tpu.memref_slice %arg2[%dma_wait3A_747, %dma_wait3A_748] : memref<1572864x16xf32, #tpu.memory_space<hbm>> -> memref<1572864x16xf32, #tpu.memory_space<hbm>>
      tpu.wait_indirect_dma semaphore(%arg7 : memref<!tpu.dma_semaphore, #tpu.memory_space<semaphore_mem>>) src(%dma_wait3A_749 : memref<1572864x16xf32, #tpu.memory_space<hbm>>) dst(%dma_wait3A_743 : memref<128x16xf32, #tpu.memory_space<vmem>>)
      %dma_wait3A_750 = arith.constant 0 : i32
      %dma_wait3A_751 = arith.constant 0 : i32
      %dma_wait3A_752 = arith.constant 512 : i32
      %dma_wait3A_753 = arith.constant 0 : i32
      %dma_wait3A_754 = tpu.memref_slice %arg6[%dma_wait3A_751, %dma_wait3A_752, %dma_wait3A_753] : memref<2x2048x16xf32, #tpu.memory_space<vmem>> -> memref<1x128x16xf32, #tpu.memory_space<vmem>>
      %dma_wait3A_755 = tpu.memref_squeeze %dma_wait3A_754 : memref<1x128x16xf32, #tpu.memory_space<vmem>> -> memref<128x16xf32, #tpu.memory_space<vmem>>
      %dma_wait3A_756 = arith.constant 0 : i32
      %dma_wait3A_757 = tpu.memref_slice %arg5[%dma_wait3A_750, %dma_wait3A_756] : memref<384x128xi32, #tpu.memory_space<vmem>> -> memref<1x128xi32, #tpu.memory_space<vmem>>
      %dma_wait3A_758 = tpu.memref_squeeze %dma_wait3A_757 : memref<1x128xi32, #tpu.memory_space<vmem>> -> memref<128xi32, #tpu.memory_space<vmem>>
      %dma_wait3A_759 = arith.constant 0 : i32
      %dma_wait3A_760 = arith.constant 0 : i32
      %dma_wait3A_761 = tpu.memref_slice %arg2[%dma_wait3A_759, %dma_wait3A_760] : memref<1572864x16xf32, #tpu.memory_space<hbm>> -> memref<1572864x16xf32, #tpu.memory_space<hbm>>
      tpu.wait_indirect_dma semaphore(%arg7 : memref<!tpu.dma_semaphore, #tpu.memory_space<semaphore_mem>>) src(%dma_wait3A_761 : memref<1572864x16xf32, #tpu.memory_space<hbm>>) dst(%dma_wait3A_755 : memref<128x16xf32, #tpu.memory_space<vmem>>)
      %dma_wait3A_762 = arith.constant 0 : i32
      %dma_wait3A_763 = arith.constant 0 : i32
      %dma_wait3A_764 = arith.constant 640 : i32
      %dma_wait3A_765 = arith.constant 0 : i32
      %dma_wait3A_766 = tpu.memref_slice %arg6[%dma_wait3A_763, %dma_wait3A_764, %dma_wait3A_765] : memref<2x2048x16xf32, #tpu.memory_space<vmem>> -> memref<1x128x16xf32, #tpu.memory_space<vmem>>
      %dma_wait3A_767 = tpu.memref_squeeze %dma_wait3A_766 : memref<1x128x16xf32, #tpu.memory_space<vmem>> -> memref<128x16xf32, #tpu.memory_space<vmem>>
      %dma_wait3A_768 = arith.constant 0 : i32
      %dma_wait3A_769 = tpu.memref_slice %arg5[%dma_wait3A_762, %dma_wait3A_768] : memref<384x128xi32, #tpu.memory_space<vmem>> -> memref<1x128xi32, #tpu.memory_space<vmem>>
      %dma_wait3A_770 = tpu.memref_squeeze %dma_wait3A_769 : memref<1x128xi32, #tpu.memory_space<vmem>> -> memref<128xi32, #tpu.memory_space<vmem>>
      %dma_wait3A_771 = arith.constant 0 : i32
      %dma_wait3A_772 = arith.constant 0 : i32
      %dma_wait3A_773 = tpu.memref_slice %arg2[%dma_wait3A_771, %dma_wait3A_772] : memref<1572864x16xf32, #tpu.memory_space<hbm>> -> memref<1572864x16xf32, #tpu.memory_space<hbm>>
      tpu.wait_indirect_dma semaphore(%arg7 : memref<!tpu.dma_semaphore, #tpu.memory_space<semaphore_mem>>) src(%dma_wait3A_773 : memref<1572864x16xf32, #tpu.memory_space<hbm>>) dst(%dma_wait3A_767 : memref<128x16xf32, #tpu.memory_space<vmem>>)
      %dma_wait3A_774 = arith.constant 0 : i32
      %dma_wait3A_775 = arith.constant 0 : i32
      %dma_wait3A_776 = arith.constant 768 : i32
      %dma_wait3A_777 = arith.constant 0 : i32
      %dma_wait3A_778 = tpu.memref_slice %arg6[%dma_wait3A_775, %dma_wait3A_776, %dma_wait3A_777] : memref<2x2048x16xf32, #tpu.memory_space<vmem>> -> memref<1x128x16xf32, #tpu.memory_space<vmem>>
      %dma_wait3A_779 = tpu.memref_squeeze %dma_wait3A_778 : memref<1x128x16xf32, #tpu.memory_space<vmem>> -> memref<128x16xf32, #tpu.memory_space<vmem>>
      %dma_wait3A_780 = arith.constant 0 : i32
      %dma_wait3A_781 = tpu.memref_slice %arg5[%dma_wait3A_774, %dma_wait3A_780] : memref<384x128xi32, #tpu.memory_space<vmem>> -> memref<1x128xi32, #tpu.memory_space<vmem>>
      %dma_wait3A_782 = tpu.memref_squeeze %dma_wait3A_781 : memref<1x128xi32, #tpu.memory_space<vmem>> -> memref<128xi32, #tpu.memory_space<vmem>>
      %dma_wait3A_783 = arith.constant 0 : i32
      %dma_wait3A_784 = arith.constant 0 : i32
      %dma_wait3A_785 = tpu.memref_slice %arg2[%dma_wait3A_783, %dma_wait3A_784] : memref<1572864x16xf32, #tpu.memory_space<hbm>> -> memref<1572864x16xf32, #tpu.memory_space<hbm>>
      tpu.wait_indirect_dma semaphore(%arg7 : memref<!tpu.dma_semaphore, #tpu.memory_space<semaphore_mem>>) src(%dma_wait3A_785 : memref<1572864x16xf32, #tpu.memory_space<hbm>>) dst(%dma_wait3A_779 : memref<128x16xf32, #tpu.memory_space<vmem>>)
      %dma_wait3A_786 = arith.constant 0 : i32
      %dma_wait3A_787 = arith.constant 0 : i32
      %dma_wait3A_788 = arith.constant 896 : i32
      %dma_wait3A_789 = arith.constant 0 : i32
      %dma_wait3A_790 = tpu.memref_slice %arg6[%dma_wait3A_787, %dma_wait3A_788, %dma_wait3A_789] : memref<2x2048x16xf32, #tpu.memory_space<vmem>> -> memref<1x128x16xf32, #tpu.memory_space<vmem>>
      %dma_wait3A_791 = tpu.memref_squeeze %dma_wait3A_790 : memref<1x128x16xf32, #tpu.memory_space<vmem>> -> memref<128x16xf32, #tpu.memory_space<vmem>>
      %dma_wait3A_792 = arith.constant 0 : i32
      %dma_wait3A_793 = tpu.memref_slice %arg5[%dma_wait3A_786, %dma_wait3A_792] : memref<384x128xi32, #tpu.memory_space<vmem>> -> memref<1x128xi32, #tpu.memory_space<vmem>>
      %dma_wait3A_794 = tpu.memref_squeeze %dma_wait3A_793 : memref<1x128xi32, #tpu.memory_space<vmem>> -> memref<128xi32, #tpu.memory_space<vmem>>
      %dma_wait3A_795 = arith.constant 0 : i32
      %dma_wait3A_796 = arith.constant 0 : i32
      %dma_wait3A_797 = tpu.memref_slice %arg2[%dma_wait3A_795, %dma_wait3A_796] : memref<1572864x16xf32, #tpu.memory_space<hbm>> -> memref<1572864x16xf32, #tpu.memory_space<hbm>>
      tpu.wait_indirect_dma semaphore(%arg7 : memref<!tpu.dma_semaphore, #tpu.memory_space<semaphore_mem>>) src(%dma_wait3A_797 : memref<1572864x16xf32, #tpu.memory_space<hbm>>) dst(%dma_wait3A_791 : memref<128x16xf32, #tpu.memory_space<vmem>>)
      %dma_wait3A_798 = arith.constant 0 : i32
      %dma_wait3A_799 = arith.constant 0 : i32
      %dma_wait3A_800 = arith.constant 1024 : i32
      %dma_wait3A_801 = arith.constant 0 : i32
      %dma_wait3A_802 = tpu.memref_slice %arg6[%dma_wait3A_799, %dma_wait3A_800, %dma_wait3A_801] : memref<2x2048x16xf32, #tpu.memory_space<vmem>> -> memref<1x128x16xf32, #tpu.memory_space<vmem>>
      %dma_wait3A_803 = tpu.memref_squeeze %dma_wait3A_802 : memref<1x128x16xf32, #tpu.memory_space<vmem>> -> memref<128x16xf32, #tpu.memory_space<vmem>>
      %dma_wait3A_804 = arith.constant 0 : i32
      %dma_wait3A_805 = tpu.memref_slice %arg5[%dma_wait3A_798, %dma_wait3A_804] : memref<384x128xi32, #tpu.memory_space<vmem>> -> memref<1x128xi32, #tpu.memory_space<vmem>>
      %dma_wait3A_806 = tpu.memref_squeeze %dma_wait3A_805 : memref<1x128xi32, #tpu.memory_space<vmem>> -> memref<128xi32, #tpu.memory_space<vmem>>
      %dma_wait3A_807 = arith.constant 0 : i32
      %dma_wait3A_808 = arith.constant 0 : i32
      %dma_wait3A_809 = tpu.memref_slice %arg2[%dma_wait3A_807, %dma_wait3A_808] : memref<1572864x16xf32, #tpu.memory_space<hbm>> -> memref<1572864x16xf32, #tpu.memory_space<hbm>>
      tpu.wait_indirect_dma semaphore(%arg7 : memref<!tpu.dma_semaphore, #tpu.memory_space<semaphore_mem>>) src(%dma_wait3A_809 : memref<1572864x16xf32, #tpu.memory_space<hbm>>) dst(%dma_wait3A_803 : memref<128x16xf32, #tpu.memory_space<vmem>>)
      %dma_wait3A_810 = arith.constant 0 : i32
      %dma_wait3A_811 = arith.constant 0 : i32
      %dma_wait3A_812 = arith.constant 1152 : i32
      %dma_wait3A_813 = arith.constant 0 : i32
      %dma_wait3A_814 = tpu.memref_slice %arg6[%dma_wait3A_811, %dma_wait3A_812, %dma_wait3A_813] : memref<2x2048x16xf32, #tpu.memory_space<vmem>> -> memref<1x128x16xf32, #tpu.memory_space<vmem>>
      %dma_wait3A_815 = tpu.memref_squeeze %dma_wait3A_814 : memref<1x128x16xf32, #tpu.memory_space<vmem>> -> memref<128x16xf32, #tpu.memory_space<vmem>>
      %dma_wait3A_816 = arith.constant 0 : i32
      %dma_wait3A_817 = tpu.memref_slice %arg5[%dma_wait3A_810, %dma_wait3A_816] : memref<384x128xi32, #tpu.memory_space<vmem>> -> memref<1x128xi32, #tpu.memory_space<vmem>>
      %dma_wait3A_818 = tpu.memref_squeeze %dma_wait3A_817 : memref<1x128xi32, #tpu.memory_space<vmem>> -> memref<128xi32, #tpu.memory_space<vmem>>
      %dma_wait3A_819 = arith.constant 0 : i32
      %dma_wait3A_820 = arith.constant 0 : i32
      %dma_wait3A_821 = tpu.memref_slice %arg2[%dma_wait3A_819, %dma_wait3A_820] : memref<1572864x16xf32, #tpu.memory_space<hbm>> -> memref<1572864x16xf32, #tpu.memory_space<hbm>>
      tpu.wait_indirect_dma semaphore(%arg7 : memref<!tpu.dma_semaphore, #tpu.memory_space<semaphore_mem>>) src(%dma_wait3A_821 : memref<1572864x16xf32, #tpu.memory_space<hbm>>) dst(%dma_wait3A_815 : memref<128x16xf32, #tpu.memory_space<vmem>>)
      %dma_wait3A_822 = arith.constant 0 : i32
      %dma_wait3A_823 = arith.constant 0 : i32
      %dma_wait3A_824 = arith.constant 1280 : i32
      %dma_wait3A_825 = arith.constant 0 : i32
      %dma_wait3A_826 = tpu.memref_slice %arg6[%dma_wait3A_823, %dma_wait3A_824, %dma_wait3A_825] : memref<2x2048x16xf32, #tpu.memory_space<vmem>> -> memref<1x128x16xf32, #tpu.memory_space<vmem>>
      %dma_wait3A_827 = tpu.memref_squeeze %dma_wait3A_826 : memref<1x128x16xf32, #tpu.memory_space<vmem>> -> memref<128x16xf32, #tpu.memory_space<vmem>>
      %dma_wait3A_828 = arith.constant 0 : i32
      %dma_wait3A_829 = tpu.memref_slice %arg5[%dma_wait3A_822, %dma_wait3A_828] : memref<384x128xi32, #tpu.memory_space<vmem>> -> memref<1x128xi32, #tpu.memory_space<vmem>>
      %dma_wait3A_830 = tpu.memref_squeeze %dma_wait3A_829 : memref<1x128xi32, #tpu.memory_space<vmem>> -> memref<128xi32, #tpu.memory_space<vmem>>
      %dma_wait3A_831 = arith.constant 0 : i32
      %dma_wait3A_832 = arith.constant 0 : i32
      %dma_wait3A_833 = tpu.memref_slice %arg2[%dma_wait3A_831, %dma_wait3A_832] : memref<1572864x16xf32, #tpu.memory_space<hbm>> -> memref<1572864x16xf32, #tpu.memory_space<hbm>>
      tpu.wait_indirect_dma semaphore(%arg7 : memref<!tpu.dma_semaphore, #tpu.memory_space<semaphore_mem>>) src(%dma_wait3A_833 : memref<1572864x16xf32, #tpu.memory_space<hbm>>) dst(%dma_wait3A_827 : memref<128x16xf32, #tpu.memory_space<vmem>>)
      %dma_wait3A_834 = arith.constant 0 : i32
      %dma_wait3A_835 = arith.constant 0 : i32
      %dma_wait3A_836 = arith.constant 1408 : i32
      %dma_wait3A_837 = arith.constant 0 : i32
      %dma_wait3A_838 = tpu.memref_slice %arg6[%dma_wait3A_835, %dma_wait3A_836, %dma_wait3A_837] : memref<2x2048x16xf32, #tpu.memory_space<vmem>> -> memref<1x128x16xf32, #tpu.memory_space<vmem>>
      %dma_wait3A_839 = tpu.memref_squeeze %dma_wait3A_838 : memref<1x128x16xf32, #tpu.memory_space<vmem>> -> memref<128x16xf32, #tpu.memory_space<vmem>>
      %dma_wait3A_840 = arith.constant 0 : i32
      %dma_wait3A_841 = tpu.memref_slice %arg5[%dma_wait3A_834, %dma_wait3A_840] : memref<384x128xi32, #tpu.memory_space<vmem>> -> memref<1x128xi32, #tpu.memory_space<vmem>>
      %dma_wait3A_842 = tpu.memref_squeeze %dma_wait3A_841 : memref<1x128xi32, #tpu.memory_space<vmem>> -> memref<128xi32, #tpu.memory_space<vmem>>
      %dma_wait3A_843 = arith.constant 0 : i32
      %dma_wait3A_844 = arith.constant 0 : i32
      %dma_wait3A_845 = tpu.memref_slice %arg2[%dma_wait3A_843, %dma_wait3A_844] : memref<1572864x16xf32, #tpu.memory_space<hbm>> -> memref<1572864x16xf32, #tpu.memory_space<hbm>>
      tpu.wait_indirect_dma semaphore(%arg7 : memref<!tpu.dma_semaphore, #tpu.memory_space<semaphore_mem>>) src(%dma_wait3A_845 : memref<1572864x16xf32, #tpu.memory_space<hbm>>) dst(%dma_wait3A_839 : memref<128x16xf32, #tpu.memory_space<vmem>>)
      %dma_wait3A_846 = arith.constant 0 : i32
      %dma_wait3A_847 = arith.constant 0 : i32
      %dma_wait3A_848 = arith.constant 1536 : i32
      %dma_wait3A_849 = arith.constant 0 : i32
      %dma_wait3A_850 = tpu.memref_slice %arg6[%dma_wait3A_847, %dma_wait3A_848, %dma_wait3A_849] : memref<2x2048x16xf32, #tpu.memory_space<vmem>> -> memref<1x128x16xf32, #tpu.memory_space<vmem>>
      %dma_wait3A_851 = tpu.memref_squeeze %dma_wait3A_850 : memref<1x128x16xf32, #tpu.memory_space<vmem>> -> memref<128x16xf32, #tpu.memory_space<vmem>>
      %dma_wait3A_852 = arith.constant 0 : i32
      %dma_wait3A_853 = tpu.memref_slice %arg5[%dma_wait3A_846, %dma_wait3A_852] : memref<384x128xi32, #tpu.memory_space<vmem>> -> memref<1x128xi32, #tpu.memory_space<vmem>>
      %dma_wait3A_854 = tpu.memref_squeeze %dma_wait3A_853 : memref<1x128xi32, #tpu.memory_space<vmem>> -> memref<128xi32, #tpu.memory_space<vmem>>
      %dma_wait3A_855 = arith.constant 0 : i32
      %dma_wait3A_856 = arith.constant 0 : i32
      %dma_wait3A_857 = tpu.memref_slice %arg2[%dma_wait3A_855, %dma_wait3A_856] : memref<1572864x16xf32, #tpu.memory_space<hbm>> -> memref<1572864x16xf32, #tpu.memory_space<hbm>>
      tpu.wait_indirect_dma semaphore(%arg7 : memref<!tpu.dma_semaphore, #tpu.memory_space<semaphore_mem>>) src(%dma_wait3A_857 : memref<1572864x16xf32, #tpu.memory_space<hbm>>) dst(%dma_wait3A_851 : memref<128x16xf32, #tpu.memory_space<vmem>>)
      %dma_wait3A_858 = arith.constant 0 : i32
      %dma_wait3A_859 = arith.constant 0 : i32
      %dma_wait3A_860 = arith.constant 1664 : i32
      %dma_wait3A_861 = arith.constant 0 : i32
      %dma_wait3A_862 = tpu.memref_slice %arg6[%dma_wait3A_859, %dma_wait3A_860, %dma_wait3A_861] : memref<2x2048x16xf32, #tpu.memory_space<vmem>> -> memref<1x128x16xf32, #tpu.memory_space<vmem>>
      %dma_wait3A_863 = tpu.memref_squeeze %dma_wait3A_862 : memref<1x128x16xf32, #tpu.memory_space<vmem>> -> memref<128x16xf32, #tpu.memory_space<vmem>>
      %dma_wait3A_864 = arith.constant 0 : i32
      %dma_wait3A_865 = tpu.memref_slice %arg5[%dma_wait3A_858, %dma_wait3A_864] : memref<384x128xi32, #tpu.memory_space<vmem>> -> memref<1x128xi32, #tpu.memory_space<vmem>>
      %dma_wait3A_866 = tpu.memref_squeeze %dma_wait3A_865 : memref<1x128xi32, #tpu.memory_space<vmem>> -> memref<128xi32, #tpu.memory_space<vmem>>
      %dma_wait3A_867 = arith.constant 0 : i32
      %dma_wait3A_868 = arith.constant 0 : i32
      %dma_wait3A_869 = tpu.memref_slice %arg2[%dma_wait3A_867, %dma_wait3A_868] : memref<1572864x16xf32, #tpu.memory_space<hbm>> -> memref<1572864x16xf32, #tpu.memory_space<hbm>>
      tpu.wait_indirect_dma semaphore(%arg7 : memref<!tpu.dma_semaphore, #tpu.memory_space<semaphore_mem>>) src(%dma_wait3A_869 : memref<1572864x16xf32, #tpu.memory_space<hbm>>) dst(%dma_wait3A_863 : memref<128x16xf32, #tpu.memory_space<vmem>>)
      %dma_wait3A_870 = arith.constant 0 : i32
      %dma_wait3A_871 = arith.constant 0 : i32
      %dma_wait3A_872 = arith.constant 1792 : i32
      %dma_wait3A_873 = arith.constant 0 : i32
      %dma_wait3A_874 = tpu.memref_slice %arg6[%dma_wait3A_871, %dma_wait3A_872, %dma_wait3A_873] : memref<2x2048x16xf32, #tpu.memory_space<vmem>> -> memref<1x128x16xf32, #tpu.memory_space<vmem>>
      %dma_wait3A_875 = tpu.memref_squeeze %dma_wait3A_874 : memref<1x128x16xf32, #tpu.memory_space<vmem>> -> memref<128x16xf32, #tpu.memory_space<vmem>>
      %dma_wait3A_876 = arith.constant 0 : i32
      %dma_wait3A_877 = tpu.memref_slice %arg5[%dma_wait3A_870, %dma_wait3A_876] : memref<384x128xi32, #tpu.memory_space<vmem>> -> memref<1x128xi32, #tpu.memory_space<vmem>>
      %dma_wait3A_878 = tpu.memref_squeeze %dma_wait3A_877 : memref<1x128xi32, #tpu.memory_space<vmem>> -> memref<128xi32, #tpu.memory_space<vmem>>
      %dma_wait3A_879 = arith.constant 0 : i32
      %dma_wait3A_880 = arith.constant 0 : i32
      %dma_wait3A_881 = tpu.memref_slice %arg2[%dma_wait3A_879, %dma_wait3A_880] : memref<1572864x16xf32, #tpu.memory_space<hbm>> -> memref<1572864x16xf32, #tpu.memory_space<hbm>>
      tpu.wait_indirect_dma semaphore(%arg7 : memref<!tpu.dma_semaphore, #tpu.memory_space<semaphore_mem>>) src(%dma_wait3A_881 : memref<1572864x16xf32, #tpu.memory_space<hbm>>) dst(%dma_wait3A_875 : memref<128x16xf32, #tpu.memory_space<vmem>>)
      %dma_wait3A_882 = arith.constant 0 : i32
      %dma_wait3A_883 = arith.constant 0 : i32
      %dma_wait3A_884 = arith.constant 1920 : i32
      %dma_wait3A_885 = arith.constant 0 : i32
      %dma_wait3A_886 = tpu.memref_slice %arg6[%dma_wait3A_883, %dma_wait3A_884, %dma_wait3A_885] : memref<2x2048x16xf32, #tpu.memory_space<vmem>> -> memref<1x128x16xf32, #tpu.memory_space<vmem>>
      %dma_wait3A_887 = tpu.memref_squeeze %dma_wait3A_886 : memref<1x128x16xf32, #tpu.memory_space<vmem>> -> memref<128x16xf32, #tpu.memory_space<vmem>>
      %dma_wait3A_888 = arith.constant 0 : i32
      %dma_wait3A_889 = tpu.memref_slice %arg5[%dma_wait3A_882, %dma_wait3A_888] : memref<384x128xi32, #tpu.memory_space<vmem>> -> memref<1x128xi32, #tpu.memory_space<vmem>>
      %dma_wait3A_890 = tpu.memref_squeeze %dma_wait3A_889 : memref<1x128xi32, #tpu.memory_space<vmem>> -> memref<128xi32, #tpu.memory_space<vmem>>
      %dma_wait3A_891 = arith.constant 0 : i32
      %dma_wait3A_892 = arith.constant 0 : i32
      %dma_wait3A_893 = tpu.memref_slice %arg2[%dma_wait3A_891, %dma_wait3A_892] : memref<1572864x16xf32, #tpu.memory_space<hbm>> -> memref<1572864x16xf32, #tpu.memory_space<hbm>>
      tpu.wait_indirect_dma semaphore(%arg7 : memref<!tpu.dma_semaphore, #tpu.memory_space<semaphore_mem>>) src(%dma_wait3A_893 : memref<1572864x16xf32, #tpu.memory_space<hbm>>) dst(%dma_wait3A_887 : memref<128x16xf32, #tpu.memory_space<vmem>>)
      %mul3A_894 = arith.constant 2 : i32
      %mul3A_895 = arith.muli %mul3A_894, %scan3A_453 : i32
      %mul3A_896 = arith.constant 2048 : i32
      %mul3A_897 = arith.muli %mul3A_895, %mul3A_896 : i32
      %add3A_898 = arith.addi %mul3A_2, %mul3A_897 : i32
      %dma_start3A_899 = arith.constant 0 : i32
      %dma_start3A_900 = arith.constant 0 : i32
      %dma_start3A_901 = arith.constant 0 : i32
      %dma_start3A_902 = tpu.memref_slice %arg6[%dma_start3A_899, %dma_start3A_900, %dma_start3A_901] : memref<2x2048x16xf32, #tpu.memory_space<vmem>> -> memref<1x2048x16xf32, #tpu.memory_space<vmem>>
      %dma_start3A_903 = tpu.memref_squeeze %dma_start3A_902 : memref<1x2048x16xf32, #tpu.memory_space<vmem>> -> memref<2048x16xf32, #tpu.memory_space<vmem>>
      %dma_start3A_904 = arith.constant 0 : i32
      %dma_start3A_905 = tpu.memref_slice %arg4[%add3A_898, %dma_start3A_904] : memref<1572864x16xf32, #tpu.memory_space<hbm>> -> memref<2048x16xf32, #tpu.memory_space<hbm>>
      %dma_start3A_906 = arith.constant 0 : i32
      %dma_start3A_907 = tpu.memref_slice %arg4[%add3A_898, %dma_start3A_906] : memref<1572864x16xf32, #tpu.memory_space<hbm>> -> memref<2048x16xf32, #tpu.memory_space<hbm>>
      %dma_start3A_908 = arith.constant 0 : i32
      %dma_start3A_909 = arith.constant 0 : i32
      %dma_start3A_910 = tpu.memref_slice %arg6[%dma_start3A_899, %dma_start3A_908, %dma_start3A_909] : memref<2x2048x16xf32, #tpu.memory_space<vmem>> -> memref<1x2048x16xf32, #tpu.memory_space<vmem>>
      %dma_start3A_911 = tpu.memref_squeeze %dma_start3A_910 : memref<1x2048x16xf32, #tpu.memory_space<vmem>> -> memref<2048x16xf32, #tpu.memory_space<vmem>>
      tpu.enqueue_dma source(%dma_start3A_911 : memref<2048x16xf32, #tpu.memory_space<vmem>>) target(%dma_start3A_907 : memref<2048x16xf32, #tpu.memory_space<hbm>>) target_semaphore(%arg8 : memref<!tpu.dma_semaphore, #tpu.memory_space<semaphore_mem>>)
      %dma_wait3A_912 = arith.constant 0 : i32
      %dma_wait3A_913 = arith.constant 0 : i32
      %dma_wait3A_914 = arith.constant 0 : i32
      %dma_wait3A_915 = tpu.memref_slice %arg6[%dma_wait3A_912, %dma_wait3A_913, %dma_wait3A_914] : memref<2x2048x16xf32, #tpu.memory_space<vmem>> -> memref<1x2048x16xf32, #tpu.memory_space<vmem>>
      %dma_wait3A_916 = tpu.memref_squeeze %dma_wait3A_915 : memref<1x2048x16xf32, #tpu.memory_space<vmem>> -> memref<2048x16xf32, #tpu.memory_space<vmem>>
      %dma_wait3A_917 = arith.constant 0 : i32
      %dma_wait3A_918 = tpu.memref_slice %arg4[%mul3A_2, %dma_wait3A_917] : memref<1572864x16xf32, #tpu.memory_space<hbm>> -> memref<2048x16xf32, #tpu.memory_space<hbm>>
      %dma_wait3A_919 = arith.constant 0 : i32
      %dma_wait3A_920 = tpu.memref_slice %arg4[%mul3A_2, %dma_wait3A_919] : memref<1572864x16xf32, #tpu.memory_space<hbm>> -> memref<2048x16xf32, #tpu.memory_space<hbm>>
      %dma_wait3A_921 = arith.constant 0 : i32
      %dma_wait3A_922 = arith.constant 0 : i32
      %dma_wait3A_923 = tpu.memref_slice %arg6[%dma_wait3A_912, %dma_wait3A_921, %dma_wait3A_922] : memref<2x2048x16xf32, #tpu.memory_space<vmem>> -> memref<1x2048x16xf32, #tpu.memory_space<vmem>>
      %dma_wait3A_924 = tpu.memref_squeeze %dma_wait3A_923 : memref<1x2048x16xf32, #tpu.memory_space<vmem>> -> memref<2048x16xf32, #tpu.memory_space<vmem>>
      tpu.wait_dma2 semaphore(%arg8 : memref<!tpu.dma_semaphore, #tpu.memory_space<semaphore_mem>>) src(%dma_wait3A_924 : memref<2048x16xf32, #tpu.memory_space<vmem>>) dst(%dma_wait3A_920 : memref<2048x16xf32, #tpu.memory_space<hbm>>)
      %mul3A_925 = arith.constant 2 : i32
      %mul3A_926 = arith.muli %mul3A_925, %scan3A_453 : i32
      %add3A_927 = arith.constant 2 : i32
      %add3A_928 = arith.addi %mul3A_926, %add3A_927 : i32
      %min3A_929 = arith.constant 23 : i32
      %min3A_930 = arith.minsi %add3A_928, %min3A_929 : i32
      %mul3A_931 = arith.constant 16 : i32
      %mul3A_932 = arith.muli %min3A_930, %mul3A_931 : i32
      %add3A_933 = arith.constant 0 : i32
      %add3A_934 = arith.addi %mul3A_932, %add3A_933 : i32
      %dma_start3A_935 = arith.constant 0 : i32
      %dma_start3A_936 = arith.constant 0 : i32
      %dma_start3A_937 = arith.constant 0 : i32
      %dma_start3A_938 = tpu.memref_slice %arg6[%dma_start3A_935, %dma_start3A_936, %dma_start3A_937] : memref<2x2048x16xf32, #tpu.memory_space<vmem>> -> memref<1x128x16xf32, #tpu.memory_space<vmem>>
      %dma_start3A_939 = tpu.memref_squeeze %dma_start3A_938 : memref<1x128x16xf32, #tpu.memory_space<vmem>> -> memref<128x16xf32, #tpu.memory_space<vmem>>
      %dma_start3A_940 = arith.constant 0 : i32
      %dma_start3A_941 = tpu.memref_slice %arg5[%add3A_934, %dma_start3A_940] : memref<384x128xi32, #tpu.memory_space<vmem>> -> memref<1x128xi32, #tpu.memory_space<vmem>>
      %dma_start3A_942 = tpu.memref_squeeze %dma_start3A_941 : memref<1x128xi32, #tpu.memory_space<vmem>> -> memref<128xi32, #tpu.memory_space<vmem>>
      %dma_start3A_943 = arith.constant 0 : i32
      %dma_start3A_944 = arith.constant 0 : i32
      %dma_start3A_945 = tpu.memref_slice %arg2[%dma_start3A_943, %dma_start3A_944] : memref<1572864x16xf32, #tpu.memory_space<hbm>> -> memref<1572864x16xf32, #tpu.memory_space<hbm>>
      tpu.enqueue_indirect_dma source(%dma_start3A_945 : memref<1572864x16xf32, #tpu.memory_space<hbm>>) target(%dma_start3A_939 : memref<128x16xf32, #tpu.memory_space<vmem>>) offsets(%dma_start3A_942 : memref<128xi32, #tpu.memory_space<vmem>>) semaphore(%arg7 : memref<!tpu.dma_semaphore, #tpu.memory_space<semaphore_mem>>)
      %mul3A_946 = arith.constant 16 : i32
      %mul3A_947 = arith.muli %min3A_930, %mul3A_946 : i32
      %add3A_948 = arith.constant 1 : i32
      %add3A_949 = arith.addi %mul3A_947, %add3A_948 : i32
      %dma_start3A_950 = arith.constant 0 : i32
      %dma_start3A_951 = arith.constant 128 : i32
      %dma_start3A_952 = arith.constant 0 : i32
      %dma_start3A_953 = tpu.memref_slice %arg6[%dma_start3A_950, %dma_start3A_951, %dma_start3A_952] : memref<2x2048x16xf32, #tpu.memory_space<vmem>> -> memref<1x128x16xf32, #tpu.memory_space<vmem>>
      %dma_start3A_954 = tpu.memref_squeeze %dma_start3A_953 : memref<1x128x16xf32, #tpu.memory_space<vmem>> -> memref<128x16xf32, #tpu.memory_space<vmem>>
      %dma_start3A_955 = arith.constant 0 : i32
      %dma_start3A_956 = tpu.memref_slice %arg5[%add3A_949, %dma_start3A_955] : memref<384x128xi32, #tpu.memory_space<vmem>> -> memref<1x128xi32, #tpu.memory_space<vmem>>
      %dma_start3A_957 = tpu.memref_squeeze %dma_start3A_956 : memref<1x128xi32, #tpu.memory_space<vmem>> -> memref<128xi32, #tpu.memory_space<vmem>>
      %dma_start3A_958 = arith.constant 0 : i32
      %dma_start3A_959 = arith.constant 0 : i32
      %dma_start3A_960 = tpu.memref_slice %arg2[%dma_start3A_958, %dma_start3A_959] : memref<1572864x16xf32, #tpu.memory_space<hbm>> -> memref<1572864x16xf32, #tpu.memory_space<hbm>>
      tpu.enqueue_indirect_dma source(%dma_start3A_960 : memref<1572864x16xf32, #tpu.memory_space<hbm>>) target(%dma_start3A_954 : memref<128x16xf32, #tpu.memory_space<vmem>>) offsets(%dma_start3A_957 : memref<128xi32, #tpu.memory_space<vmem>>) semaphore(%arg7 : memref<!tpu.dma_semaphore, #tpu.memory_space<semaphore_mem>>)
      %mul3A_961 = arith.constant 16 : i32
      %mul3A_962 = arith.muli %min3A_930, %mul3A_961 : i32
      %add3A_963 = arith.constant 2 : i32
      %add3A_964 = arith.addi %mul3A_962, %add3A_963 : i32
      %dma_start3A_965 = arith.constant 0 : i32
      %dma_start3A_966 = arith.constant 256 : i32
      %dma_start3A_967 = arith.constant 0 : i32
      %dma_start3A_968 = tpu.memref_slice %arg6[%dma_start3A_965, %dma_start3A_966, %dma_start3A_967] : memref<2x2048x16xf32, #tpu.memory_space<vmem>> -> memref<1x128x16xf32, #tpu.memory_space<vmem>>
      %dma_start3A_969 = tpu.memref_squeeze %dma_start3A_968 : memref<1x128x16xf32, #tpu.memory_space<vmem>> -> memref<128x16xf32, #tpu.memory_space<vmem>>
      %dma_start3A_970 = arith.constant 0 : i32
      %dma_start3A_971 = tpu.memref_slice %arg5[%add3A_964, %dma_start3A_970] : memref<384x128xi32, #tpu.memory_space<vmem>> -> memref<1x128xi32, #tpu.memory_space<vmem>>
      %dma_start3A_972 = tpu.memref_squeeze %dma_start3A_971 : memref<1x128xi32, #tpu.memory_space<vmem>> -> memref<128xi32, #tpu.memory_space<vmem>>
      %dma_start3A_973 = arith.constant 0 : i32
      %dma_start3A_974 = arith.constant 0 : i32
      %dma_start3A_975 = tpu.memref_slice %arg2[%dma_start3A_973, %dma_start3A_974] : memref<1572864x16xf32, #tpu.memory_space<hbm>> -> memref<1572864x16xf32, #tpu.memory_space<hbm>>
      tpu.enqueue_indirect_dma source(%dma_start3A_975 : memref<1572864x16xf32, #tpu.memory_space<hbm>>) target(%dma_start3A_969 : memref<128x16xf32, #tpu.memory_space<vmem>>) offsets(%dma_start3A_972 : memref<128xi32, #tpu.memory_space<vmem>>) semaphore(%arg7 : memref<!tpu.dma_semaphore, #tpu.memory_space<semaphore_mem>>)
      %mul3A_976 = arith.constant 16 : i32
      %mul3A_977 = arith.muli %min3A_930, %mul3A_976 : i32
      %add3A_978 = arith.constant 3 : i32
      %add3A_979 = arith.addi %mul3A_977, %add3A_978 : i32
      %dma_start3A_980 = arith.constant 0 : i32
      %dma_start3A_981 = arith.constant 384 : i32
      %dma_start3A_982 = arith.constant 0 : i32
      %dma_start3A_983 = tpu.memref_slice %arg6[%dma_start3A_980, %dma_start3A_981, %dma_start3A_982] : memref<2x2048x16xf32, #tpu.memory_space<vmem>> -> memref<1x128x16xf32, #tpu.memory_space<vmem>>
      %dma_start3A_984 = tpu.memref_squeeze %dma_start3A_983 : memref<1x128x16xf32, #tpu.memory_space<vmem>> -> memref<128x16xf32, #tpu.memory_space<vmem>>
      %dma_start3A_985 = arith.constant 0 : i32
      %dma_start3A_986 = tpu.memref_slice %arg5[%add3A_979, %dma_start3A_985] : memref<384x128xi32, #tpu.memory_space<vmem>> -> memref<1x128xi32, #tpu.memory_space<vmem>>
      %dma_start3A_987 = tpu.memref_squeeze %dma_start3A_986 : memref<1x128xi32, #tpu.memory_space<vmem>> -> memref<128xi32, #tpu.memory_space<vmem>>
      %dma_start3A_988 = arith.constant 0 : i32
      %dma_start3A_989 = arith.constant 0 : i32
      %dma_start3A_990 = tpu.memref_slice %arg2[%dma_start3A_988, %dma_start3A_989] : memref<1572864x16xf32, #tpu.memory_space<hbm>> -> memref<1572864x16xf32, #tpu.memory_space<hbm>>
      tpu.enqueue_indirect_dma source(%dma_start3A_990 : memref<1572864x16xf32, #tpu.memory_space<hbm>>) target(%dma_start3A_984 : memref<128x16xf32, #tpu.memory_space<vmem>>) offsets(%dma_start3A_987 : memref<128xi32, #tpu.memory_space<vmem>>) semaphore(%arg7 : memref<!tpu.dma_semaphore, #tpu.memory_space<semaphore_mem>>)
      %mul3A_991 = arith.constant 16 : i32
      %mul3A_992 = arith.muli %min3A_930, %mul3A_991 : i32
      %add3A_993 = arith.constant 4 : i32
      %add3A_994 = arith.addi %mul3A_992, %add3A_993 : i32
      %dma_start3A_995 = arith.constant 0 : i32
      %dma_start3A_996 = arith.constant 512 : i32
      %dma_start3A_997 = arith.constant 0 : i32
      %dma_start3A_998 = tpu.memref_slice %arg6[%dma_start3A_995, %dma_start3A_996, %dma_start3A_997] : memref<2x2048x16xf32, #tpu.memory_space<vmem>> -> memref<1x128x16xf32, #tpu.memory_space<vmem>>
      %dma_start3A_999 = tpu.memref_squeeze %dma_start3A_998 : memref<1x128x16xf32, #tpu.memory_space<vmem>> -> memref<128x16xf32, #tpu.memory_space<vmem>>
      %dma_start3A_1000 = arith.constant 0 : i32
      %dma_start3A_1001 = tpu.memref_slice %arg5[%add3A_994, %dma_start3A_1000] : memref<384x128xi32, #tpu.memory_space<vmem>> -> memref<1x128xi32, #tpu.memory_space<vmem>>
      %dma_start3A_1002 = tpu.memref_squeeze %dma_start3A_1001 : memref<1x128xi32, #tpu.memory_space<vmem>> -> memref<128xi32, #tpu.memory_space<vmem>>
      %dma_start3A_1003 = arith.constant 0 : i32
      %dma_start3A_1004 = arith.constant 0 : i32
      %dma_start3A_1005 = tpu.memref_slice %arg2[%dma_start3A_1003, %dma_start3A_1004] : memref<1572864x16xf32, #tpu.memory_space<hbm>> -> memref<1572864x16xf32, #tpu.memory_space<hbm>>
      tpu.enqueue_indirect_dma source(%dma_start3A_1005 : memref<1572864x16xf32, #tpu.memory_space<hbm>>) target(%dma_start3A_999 : memref<128x16xf32, #tpu.memory_space<vmem>>) offsets(%dma_start3A_1002 : memref<128xi32, #tpu.memory_space<vmem>>) semaphore(%arg7 : memref<!tpu.dma_semaphore, #tpu.memory_space<semaphore_mem>>)
      %mul3A_1006 = arith.constant 16 : i32
      %mul3A_1007 = arith.muli %min3A_930, %mul3A_1006 : i32
      %add3A_1008 = arith.constant 5 : i32
      %add3A_1009 = arith.addi %mul3A_1007, %add3A_1008 : i32
      %dma_start3A_1010 = arith.constant 0 : i32
      %dma_start3A_1011 = arith.constant 640 : i32
      %dma_start3A_1012 = arith.constant 0 : i32
      %dma_start3A_1013 = tpu.memref_slice %arg6[%dma_start3A_1010, %dma_start3A_1011, %dma_start3A_1012] : memref<2x2048x16xf32, #tpu.memory_space<vmem>> -> memref<1x128x16xf32, #tpu.memory_space<vmem>>
      %dma_start3A_1014 = tpu.memref_squeeze %dma_start3A_1013 : memref<1x128x16xf32, #tpu.memory_space<vmem>> -> memref<128x16xf32, #tpu.memory_space<vmem>>
      %dma_start3A_1015 = arith.constant 0 : i32
      %dma_start3A_1016 = tpu.memref_slice %arg5[%add3A_1009, %dma_start3A_1015] : memref<384x128xi32, #tpu.memory_space<vmem>> -> memref<1x128xi32, #tpu.memory_space<vmem>>
      %dma_start3A_1017 = tpu.memref_squeeze %dma_start3A_1016 : memref<1x128xi32, #tpu.memory_space<vmem>> -> memref<128xi32, #tpu.memory_space<vmem>>
      %dma_start3A_1018 = arith.constant 0 : i32
      %dma_start3A_1019 = arith.constant 0 : i32
      %dma_start3A_1020 = tpu.memref_slice %arg2[%dma_start3A_1018, %dma_start3A_1019] : memref<1572864x16xf32, #tpu.memory_space<hbm>> -> memref<1572864x16xf32, #tpu.memory_space<hbm>>
      tpu.enqueue_indirect_dma source(%dma_start3A_1020 : memref<1572864x16xf32, #tpu.memory_space<hbm>>) target(%dma_start3A_1014 : memref<128x16xf32, #tpu.memory_space<vmem>>) offsets(%dma_start3A_1017 : memref<128xi32, #tpu.memory_space<vmem>>) semaphore(%arg7 : memref<!tpu.dma_semaphore, #tpu.memory_space<semaphore_mem>>)
      %mul3A_1021 = arith.constant 16 : i32
      %mul3A_1022 = arith.muli %min3A_930, %mul3A_1021 : i32
      %add3A_1023 = arith.constant 6 : i32
      %add3A_1024 = arith.addi %mul3A_1022, %add3A_1023 : i32
      %dma_start3A_1025 = arith.constant 0 : i32
      %dma_start3A_1026 = arith.constant 768 : i32
      %dma_start3A_1027 = arith.constant 0 : i32
      %dma_start3A_1028 = tpu.memref_slice %arg6[%dma_start3A_1025, %dma_start3A_1026, %dma_start3A_1027] : memref<2x2048x16xf32, #tpu.memory_space<vmem>> -> memref<1x128x16xf32, #tpu.memory_space<vmem>>
      %dma_start3A_1029 = tpu.memref_squeeze %dma_start3A_1028 : memref<1x128x16xf32, #tpu.memory_space<vmem>> -> memref<128x16xf32, #tpu.memory_space<vmem>>
      %dma_start3A_1030 = arith.constant 0 : i32
      %dma_start3A_1031 = tpu.memref_slice %arg5[%add3A_1024, %dma_start3A_1030] : memref<384x128xi32, #tpu.memory_space<vmem>> -> memref<1x128xi32, #tpu.memory_space<vmem>>
      %dma_start3A_1032 = tpu.memref_squeeze %dma_start3A_1031 : memref<1x128xi32, #tpu.memory_space<vmem>> -> memref<128xi32, #tpu.memory_space<vmem>>
      %dma_start3A_1033 = arith.constant 0 : i32
      %dma_start3A_1034 = arith.constant 0 : i32
      %dma_start3A_1035 = tpu.memref_slice %arg2[%dma_start3A_1033, %dma_start3A_1034] : memref<1572864x16xf32, #tpu.memory_space<hbm>> -> memref<1572864x16xf32, #tpu.memory_space<hbm>>
      tpu.enqueue_indirect_dma source(%dma_start3A_1035 : memref<1572864x16xf32, #tpu.memory_space<hbm>>) target(%dma_start3A_1029 : memref<128x16xf32, #tpu.memory_space<vmem>>) offsets(%dma_start3A_1032 : memref<128xi32, #tpu.memory_space<vmem>>) semaphore(%arg7 : memref<!tpu.dma_semaphore, #tpu.memory_space<semaphore_mem>>)
      %mul3A_1036 = arith.constant 16 : i32
      %mul3A_1037 = arith.muli %min3A_930, %mul3A_1036 : i32
      %add3A_1038 = arith.constant 7 : i32
      %add3A_1039 = arith.addi %mul3A_1037, %add3A_1038 : i32
      %dma_start3A_1040 = arith.constant 0 : i32
      %dma_start3A_1041 = arith.constant 896 : i32
      %dma_start3A_1042 = arith.constant 0 : i32
      %dma_start3A_1043 = tpu.memref_slice %arg6[%dma_start3A_1040, %dma_start3A_1041, %dma_start3A_1042] : memref<2x2048x16xf32, #tpu.memory_space<vmem>> -> memref<1x128x16xf32, #tpu.memory_space<vmem>>
      %dma_start3A_1044 = tpu.memref_squeeze %dma_start3A_1043 : memref<1x128x16xf32, #tpu.memory_space<vmem>> -> memref<128x16xf32, #tpu.memory_space<vmem>>
      %dma_start3A_1045 = arith.constant 0 : i32
      %dma_start3A_1046 = tpu.memref_slice %arg5[%add3A_1039, %dma_start3A_1045] : memref<384x128xi32, #tpu.memory_space<vmem>> -> memref<1x128xi32, #tpu.memory_space<vmem>>
      %dma_start3A_1047 = tpu.memref_squeeze %dma_start3A_1046 : memref<1x128xi32, #tpu.memory_space<vmem>> -> memref<128xi32, #tpu.memory_space<vmem>>
      %dma_start3A_1048 = arith.constant 0 : i32
      %dma_start3A_1049 = arith.constant 0 : i32
      %dma_start3A_1050 = tpu.memref_slice %arg2[%dma_start3A_1048, %dma_start3A_1049] : memref<1572864x16xf32, #tpu.memory_space<hbm>> -> memref<1572864x16xf32, #tpu.memory_space<hbm>>
      tpu.enqueue_indirect_dma source(%dma_start3A_1050 : memref<1572864x16xf32, #tpu.memory_space<hbm>>) target(%dma_start3A_1044 : memref<128x16xf32, #tpu.memory_space<vmem>>) offsets(%dma_start3A_1047 : memref<128xi32, #tpu.memory_space<vmem>>) semaphore(%arg7 : memref<!tpu.dma_semaphore, #tpu.memory_space<semaphore_mem>>)
      %mul3A_1051 = arith.constant 16 : i32
      %mul3A_1052 = arith.muli %min3A_930, %mul3A_1051 : i32
      %add3A_1053 = arith.constant 8 : i32
      %add3A_1054 = arith.addi %mul3A_1052, %add3A_1053 : i32
      %dma_start3A_1055 = arith.constant 0 : i32
      %dma_start3A_1056 = arith.constant 1024 : i32
      %dma_start3A_1057 = arith.constant 0 : i32
      %dma_start3A_1058 = tpu.memref_slice %arg6[%dma_start3A_1055, %dma_start3A_1056, %dma_start3A_1057] : memref<2x2048x16xf32, #tpu.memory_space<vmem>> -> memref<1x128x16xf32, #tpu.memory_space<vmem>>
      %dma_start3A_1059 = tpu.memref_squeeze %dma_start3A_1058 : memref<1x128x16xf32, #tpu.memory_space<vmem>> -> memref<128x16xf32, #tpu.memory_space<vmem>>
      %dma_start3A_1060 = arith.constant 0 : i32
      %dma_start3A_1061 = tpu.memref_slice %arg5[%add3A_1054, %dma_start3A_1060] : memref<384x128xi32, #tpu.memory_space<vmem>> -> memref<1x128xi32, #tpu.memory_space<vmem>>
      %dma_start3A_1062 = tpu.memref_squeeze %dma_start3A_1061 : memref<1x128xi32, #tpu.memory_space<vmem>> -> memref<128xi32, #tpu.memory_space<vmem>>
      %dma_start3A_1063 = arith.constant 0 : i32
      %dma_start3A_1064 = arith.constant 0 : i32
      %dma_start3A_1065 = tpu.memref_slice %arg2[%dma_start3A_1063, %dma_start3A_1064] : memref<1572864x16xf32, #tpu.memory_space<hbm>> -> memref<1572864x16xf32, #tpu.memory_space<hbm>>
      tpu.enqueue_indirect_dma source(%dma_start3A_1065 : memref<1572864x16xf32, #tpu.memory_space<hbm>>) target(%dma_start3A_1059 : memref<128x16xf32, #tpu.memory_space<vmem>>) offsets(%dma_start3A_1062 : memref<128xi32, #tpu.memory_space<vmem>>) semaphore(%arg7 : memref<!tpu.dma_semaphore, #tpu.memory_space<semaphore_mem>>)
      %mul3A_1066 = arith.constant 16 : i32
      %mul3A_1067 = arith.muli %min3A_930, %mul3A_1066 : i32
      %add3A_1068 = arith.constant 9 : i32
      %add3A_1069 = arith.addi %mul3A_1067, %add3A_1068 : i32
      %dma_start3A_1070 = arith.constant 0 : i32
      %dma_start3A_1071 = arith.constant 1152 : i32
      %dma_start3A_1072 = arith.constant 0 : i32
      %dma_start3A_1073 = tpu.memref_slice %arg6[%dma_start3A_1070, %dma_start3A_1071, %dma_start3A_1072] : memref<2x2048x16xf32, #tpu.memory_space<vmem>> -> memref<1x128x16xf32, #tpu.memory_space<vmem>>
      %dma_start3A_1074 = tpu.memref_squeeze %dma_start3A_1073 : memref<1x128x16xf32, #tpu.memory_space<vmem>> -> memref<128x16xf32, #tpu.memory_space<vmem>>
      %dma_start3A_1075 = arith.constant 0 : i32
      %dma_start3A_1076 = tpu.memref_slice %arg5[%add3A_1069, %dma_start3A_1075] : memref<384x128xi32, #tpu.memory_space<vmem>> -> memref<1x128xi32, #tpu.memory_space<vmem>>
      %dma_start3A_1077 = tpu.memref_squeeze %dma_start3A_1076 : memref<1x128xi32, #tpu.memory_space<vmem>> -> memref<128xi32, #tpu.memory_space<vmem>>
      %dma_start3A_1078 = arith.constant 0 : i32
      %dma_start3A_1079 = arith.constant 0 : i32
      %dma_start3A_1080 = tpu.memref_slice %arg2[%dma_start3A_1078, %dma_start3A_1079] : memref<1572864x16xf32, #tpu.memory_space<hbm>> -> memref<1572864x16xf32, #tpu.memory_space<hbm>>
      tpu.enqueue_indirect_dma source(%dma_start3A_1080 : memref<1572864x16xf32, #tpu.memory_space<hbm>>) target(%dma_start3A_1074 : memref<128x16xf32, #tpu.memory_space<vmem>>) offsets(%dma_start3A_1077 : memref<128xi32, #tpu.memory_space<vmem>>) semaphore(%arg7 : memref<!tpu.dma_semaphore, #tpu.memory_space<semaphore_mem>>)
      %mul3A_1081 = arith.constant 16 : i32
      %mul3A_1082 = arith.muli %min3A_930, %mul3A_1081 : i32
      %add3A_1083 = arith.constant 10 : i32
      %add3A_1084 = arith.addi %mul3A_1082, %add3A_1083 : i32
      %dma_start3A_1085 = arith.constant 0 : i32
      %dma_start3A_1086 = arith.constant 1280 : i32
      %dma_start3A_1087 = arith.constant 0 : i32
      %dma_start3A_1088 = tpu.memref_slice %arg6[%dma_start3A_1085, %dma_start3A_1086, %dma_start3A_1087] : memref<2x2048x16xf32, #tpu.memory_space<vmem>> -> memref<1x128x16xf32, #tpu.memory_space<vmem>>
      %dma_start3A_1089 = tpu.memref_squeeze %dma_start3A_1088 : memref<1x128x16xf32, #tpu.memory_space<vmem>> -> memref<128x16xf32, #tpu.memory_space<vmem>>
      %dma_start3A_1090 = arith.constant 0 : i32
      %dma_start3A_1091 = tpu.memref_slice %arg5[%add3A_1084, %dma_start3A_1090] : memref<384x128xi32, #tpu.memory_space<vmem>> -> memref<1x128xi32, #tpu.memory_space<vmem>>
      %dma_start3A_1092 = tpu.memref_squeeze %dma_start3A_1091 : memref<1x128xi32, #tpu.memory_space<vmem>> -> memref<128xi32, #tpu.memory_space<vmem>>
      %dma_start3A_1093 = arith.constant 0 : i32
      %dma_start3A_1094 = arith.constant 0 : i32
      %dma_start3A_1095 = tpu.memref_slice %arg2[%dma_start3A_1093, %dma_start3A_1094] : memref<1572864x16xf32, #tpu.memory_space<hbm>> -> memref<1572864x16xf32, #tpu.memory_space<hbm>>
      tpu.enqueue_indirect_dma source(%dma_start3A_1095 : memref<1572864x16xf32, #tpu.memory_space<hbm>>) target(%dma_start3A_1089 : memref<128x16xf32, #tpu.memory_space<vmem>>) offsets(%dma_start3A_1092 : memref<128xi32, #tpu.memory_space<vmem>>) semaphore(%arg7 : memref<!tpu.dma_semaphore, #tpu.memory_space<semaphore_mem>>)
      %mul3A_1096 = arith.constant 16 : i32
      %mul3A_1097 = arith.muli %min3A_930, %mul3A_1096 : i32
      %add3A_1098 = arith.constant 11 : i32
      %add3A_1099 = arith.addi %mul3A_1097, %add3A_1098 : i32
      %dma_start3A_1100 = arith.constant 0 : i32
      %dma_start3A_1101 = arith.constant 1408 : i32
      %dma_start3A_1102 = arith.constant 0 : i32
      %dma_start3A_1103 = tpu.memref_slice %arg6[%dma_start3A_1100, %dma_start3A_1101, %dma_start3A_1102] : memref<2x2048x16xf32, #tpu.memory_space<vmem>> -> memref<1x128x16xf32, #tpu.memory_space<vmem>>
      %dma_start3A_1104 = tpu.memref_squeeze %dma_start3A_1103 : memref<1x128x16xf32, #tpu.memory_space<vmem>> -> memref<128x16xf32, #tpu.memory_space<vmem>>
      %dma_start3A_1105 = arith.constant 0 : i32
      %dma_start3A_1106 = tpu.memref_slice %arg5[%add3A_1099, %dma_start3A_1105] : memref<384x128xi32, #tpu.memory_space<vmem>> -> memref<1x128xi32, #tpu.memory_space<vmem>>
      %dma_start3A_1107 = tpu.memref_squeeze %dma_start3A_1106 : memref<1x128xi32, #tpu.memory_space<vmem>> -> memref<128xi32, #tpu.memory_space<vmem>>
      %dma_start3A_1108 = arith.constant 0 : i32
      %dma_start3A_1109 = arith.constant 0 : i32
      %dma_start3A_1110 = tpu.memref_slice %arg2[%dma_start3A_1108, %dma_start3A_1109] : memref<1572864x16xf32, #tpu.memory_space<hbm>> -> memref<1572864x16xf32, #tpu.memory_space<hbm>>
      tpu.enqueue_indirect_dma source(%dma_start3A_1110 : memref<1572864x16xf32, #tpu.memory_space<hbm>>) target(%dma_start3A_1104 : memref<128x16xf32, #tpu.memory_space<vmem>>) offsets(%dma_start3A_1107 : memref<128xi32, #tpu.memory_space<vmem>>) semaphore(%arg7 : memref<!tpu.dma_semaphore, #tpu.memory_space<semaphore_mem>>)
      %mul3A_1111 = arith.constant 16 : i32
      %mul3A_1112 = arith.muli %min3A_930, %mul3A_1111 : i32
      %add3A_1113 = arith.constant 12 : i32
      %add3A_1114 = arith.addi %mul3A_1112, %add3A_1113 : i32
      %dma_start3A_1115 = arith.constant 0 : i32
      %dma_start3A_1116 = arith.constant 1536 : i32
      %dma_start3A_1117 = arith.constant 0 : i32
      %dma_start3A_1118 = tpu.memref_slice %arg6[%dma_start3A_1115, %dma_start3A_1116, %dma_start3A_1117] : memref<2x2048x16xf32, #tpu.memory_space<vmem>> -> memref<1x128x16xf32, #tpu.memory_space<vmem>>
      %dma_start3A_1119 = tpu.memref_squeeze %dma_start3A_1118 : memref<1x128x16xf32, #tpu.memory_space<vmem>> -> memref<128x16xf32, #tpu.memory_space<vmem>>
      %dma_start3A_1120 = arith.constant 0 : i32
      %dma_start3A_1121 = tpu.memref_slice %arg5[%add3A_1114, %dma_start3A_1120] : memref<384x128xi32, #tpu.memory_space<vmem>> -> memref<1x128xi32, #tpu.memory_space<vmem>>
      %dma_start3A_1122 = tpu.memref_squeeze %dma_start3A_1121 : memref<1x128xi32, #tpu.memory_space<vmem>> -> memref<128xi32, #tpu.memory_space<vmem>>
      %dma_start3A_1123 = arith.constant 0 : i32
      %dma_start3A_1124 = arith.constant 0 : i32
      %dma_start3A_1125 = tpu.memref_slice %arg2[%dma_start3A_1123, %dma_start3A_1124] : memref<1572864x16xf32, #tpu.memory_space<hbm>> -> memref<1572864x16xf32, #tpu.memory_space<hbm>>
      tpu.enqueue_indirect_dma source(%dma_start3A_1125 : memref<1572864x16xf32, #tpu.memory_space<hbm>>) target(%dma_start3A_1119 : memref<128x16xf32, #tpu.memory_space<vmem>>) offsets(%dma_start3A_1122 : memref<128xi32, #tpu.memory_space<vmem>>) semaphore(%arg7 : memref<!tpu.dma_semaphore, #tpu.memory_space<semaphore_mem>>)
      %mul3A_1126 = arith.constant 16 : i32
      %mul3A_1127 = arith.muli %min3A_930, %mul3A_1126 : i32
      %add3A_1128 = arith.constant 13 : i32
      %add3A_1129 = arith.addi %mul3A_1127, %add3A_1128 : i32
      %dma_start3A_1130 = arith.constant 0 : i32
      %dma_start3A_1131 = arith.constant 1664 : i32
      %dma_start3A_1132 = arith.constant 0 : i32
      %dma_start3A_1133 = tpu.memref_slice %arg6[%dma_start3A_1130, %dma_start3A_1131, %dma_start3A_1132] : memref<2x2048x16xf32, #tpu.memory_space<vmem>> -> memref<1x128x16xf32, #tpu.memory_space<vmem>>
      %dma_start3A_1134 = tpu.memref_squeeze %dma_start3A_1133 : memref<1x128x16xf32, #tpu.memory_space<vmem>> -> memref<128x16xf32, #tpu.memory_space<vmem>>
      %dma_start3A_1135 = arith.constant 0 : i32
      %dma_start3A_1136 = tpu.memref_slice %arg5[%add3A_1129, %dma_start3A_1135] : memref<384x128xi32, #tpu.memory_space<vmem>> -> memref<1x128xi32, #tpu.memory_space<vmem>>
      %dma_start3A_1137 = tpu.memref_squeeze %dma_start3A_1136 : memref<1x128xi32, #tpu.memory_space<vmem>> -> memref<128xi32, #tpu.memory_space<vmem>>
      %dma_start3A_1138 = arith.constant 0 : i32
      %dma_start3A_1139 = arith.constant 0 : i32
      %dma_start3A_1140 = tpu.memref_slice %arg2[%dma_start3A_1138, %dma_start3A_1139] : memref<1572864x16xf32, #tpu.memory_space<hbm>> -> memref<1572864x16xf32, #tpu.memory_space<hbm>>
      tpu.enqueue_indirect_dma source(%dma_start3A_1140 : memref<1572864x16xf32, #tpu.memory_space<hbm>>) target(%dma_start3A_1134 : memref<128x16xf32, #tpu.memory_space<vmem>>) offsets(%dma_start3A_1137 : memref<128xi32, #tpu.memory_space<vmem>>) semaphore(%arg7 : memref<!tpu.dma_semaphore, #tpu.memory_space<semaphore_mem>>)
      %mul3A_1141 = arith.constant 16 : i32
      %mul3A_1142 = arith.muli %min3A_930, %mul3A_1141 : i32
      %add3A_1143 = arith.constant 14 : i32
      %add3A_1144 = arith.addi %mul3A_1142, %add3A_1143 : i32
      %dma_start3A_1145 = arith.constant 0 : i32
      %dma_start3A_1146 = arith.constant 1792 : i32
      %dma_start3A_1147 = arith.constant 0 : i32
      %dma_start3A_1148 = tpu.memref_slice %arg6[%dma_start3A_1145, %dma_start3A_1146, %dma_start3A_1147] : memref<2x2048x16xf32, #tpu.memory_space<vmem>> -> memref<1x128x16xf32, #tpu.memory_space<vmem>>
      %dma_start3A_1149 = tpu.memref_squeeze %dma_start3A_1148 : memref<1x128x16xf32, #tpu.memory_space<vmem>> -> memref<128x16xf32, #tpu.memory_space<vmem>>
      %dma_start3A_1150 = arith.constant 0 : i32
      %dma_start3A_1151 = tpu.memref_slice %arg5[%add3A_1144, %dma_start3A_1150] : memref<384x128xi32, #tpu.memory_space<vmem>> -> memref<1x128xi32, #tpu.memory_space<vmem>>
      %dma_start3A_1152 = tpu.memref_squeeze %dma_start3A_1151 : memref<1x128xi32, #tpu.memory_space<vmem>> -> memref<128xi32, #tpu.memory_space<vmem>>
      %dma_start3A_1153 = arith.constant 0 : i32
      %dma_start3A_1154 = arith.constant 0 : i32
      %dma_start3A_1155 = tpu.memref_slice %arg2[%dma_start3A_1153, %dma_start3A_1154] : memref<1572864x16xf32, #tpu.memory_space<hbm>> -> memref<1572864x16xf32, #tpu.memory_space<hbm>>
      tpu.enqueue_indirect_dma source(%dma_start3A_1155 : memref<1572864x16xf32, #tpu.memory_space<hbm>>) target(%dma_start3A_1149 : memref<128x16xf32, #tpu.memory_space<vmem>>) offsets(%dma_start3A_1152 : memref<128xi32, #tpu.memory_space<vmem>>) semaphore(%arg7 : memref<!tpu.dma_semaphore, #tpu.memory_space<semaphore_mem>>)
      %mul3A_1156 = arith.constant 16 : i32
      %mul3A_1157 = arith.muli %min3A_930, %mul3A_1156 : i32
      %add3A_1158 = arith.constant 15 : i32
      %add3A_1159 = arith.addi %mul3A_1157, %add3A_1158 : i32
      %dma_start3A_1160 = arith.constant 0 : i32
      %dma_start3A_1161 = arith.constant 1920 : i32
      %dma_start3A_1162 = arith.constant 0 : i32
      %dma_start3A_1163 = tpu.memref_slice %arg6[%dma_start3A_1160, %dma_start3A_1161, %dma_start3A_1162] : memref<2x2048x16xf32, #tpu.memory_space<vmem>> -> memref<1x128x16xf32, #tpu.memory_space<vmem>>
      %dma_start3A_1164 = tpu.memref_squeeze %dma_start3A_1163 : memref<1x128x16xf32, #tpu.memory_space<vmem>> -> memref<128x16xf32, #tpu.memory_space<vmem>>
      %dma_start3A_1165 = arith.constant 0 : i32
      %dma_start3A_1166 = tpu.memref_slice %arg5[%add3A_1159, %dma_start3A_1165] : memref<384x128xi32, #tpu.memory_space<vmem>> -> memref<1x128xi32, #tpu.memory_space<vmem>>
      %dma_start3A_1167 = tpu.memref_squeeze %dma_start3A_1166 : memref<1x128xi32, #tpu.memory_space<vmem>> -> memref<128xi32, #tpu.memory_space<vmem>>
      %dma_start3A_1168 = arith.constant 0 : i32
      %dma_start3A_1169 = arith.constant 0 : i32
      %dma_start3A_1170 = tpu.memref_slice %arg2[%dma_start3A_1168, %dma_start3A_1169] : memref<1572864x16xf32, #tpu.memory_space<hbm>> -> memref<1572864x16xf32, #tpu.memory_space<hbm>>
      tpu.enqueue_indirect_dma source(%dma_start3A_1170 : memref<1572864x16xf32, #tpu.memory_space<hbm>>) target(%dma_start3A_1164 : memref<128x16xf32, #tpu.memory_space<vmem>>) offsets(%dma_start3A_1167 : memref<128xi32, #tpu.memory_space<vmem>>) semaphore(%arg7 : memref<!tpu.dma_semaphore, #tpu.memory_space<semaphore_mem>>)
      %dma_wait3A_1171 = arith.constant 0 : i32
      %dma_wait3A_1172 = arith.constant 1 : i32
      %dma_wait3A_1173 = arith.constant 0 : i32
      %dma_wait3A_1174 = arith.constant 0 : i32
      %dma_wait3A_1175 = tpu.memref_slice %arg6[%dma_wait3A_1172, %dma_wait3A_1173, %dma_wait3A_1174] : memref<2x2048x16xf32, #tpu.memory_space<vmem>> -> memref<1x128x16xf32, #tpu.memory_space<vmem>>
      %dma_wait3A_1176 = tpu.memref_squeeze %dma_wait3A_1175 : memref<1x128x16xf32, #tpu.memory_space<vmem>> -> memref<128x16xf32, #tpu.memory_space<vmem>>
      %dma_wait3A_1177 = arith.constant 0 : i32
      %dma_wait3A_1178 = tpu.memref_slice %arg5[%dma_wait3A_1171, %dma_wait3A_1177] : memref<384x128xi32, #tpu.memory_space<vmem>> -> memref<1x128xi32, #tpu.memory_space<vmem>>
      %dma_wait3A_1179 = tpu.memref_squeeze %dma_wait3A_1178 : memref<1x128xi32, #tpu.memory_space<vmem>> -> memref<128xi32, #tpu.memory_space<vmem>>
      %dma_wait3A_1180 = arith.constant 0 : i32
      %dma_wait3A_1181 = arith.constant 0 : i32
      %dma_wait3A_1182 = tpu.memref_slice %arg2[%dma_wait3A_1180, %dma_wait3A_1181] : memref<1572864x16xf32, #tpu.memory_space<hbm>> -> memref<1572864x16xf32, #tpu.memory_space<hbm>>
      tpu.wait_indirect_dma semaphore(%arg7 : memref<!tpu.dma_semaphore, #tpu.memory_space<semaphore_mem>>) src(%dma_wait3A_1182 : memref<1572864x16xf32, #tpu.memory_space<hbm>>) dst(%dma_wait3A_1176 : memref<128x16xf32, #tpu.memory_space<vmem>>)
      %dma_wait3A_1183 = arith.constant 0 : i32
      %dma_wait3A_1184 = arith.constant 1 : i32
      %dma_wait3A_1185 = arith.constant 128 : i32
      %dma_wait3A_1186 = arith.constant 0 : i32
      %dma_wait3A_1187 = tpu.memref_slice %arg6[%dma_wait3A_1184, %dma_wait3A_1185, %dma_wait3A_1186] : memref<2x2048x16xf32, #tpu.memory_space<vmem>> -> memref<1x128x16xf32, #tpu.memory_space<vmem>>
      %dma_wait3A_1188 = tpu.memref_squeeze %dma_wait3A_1187 : memref<1x128x16xf32, #tpu.memory_space<vmem>> -> memref<128x16xf32, #tpu.memory_space<vmem>>
      %dma_wait3A_1189 = arith.constant 0 : i32
      %dma_wait3A_1190 = tpu.memref_slice %arg5[%dma_wait3A_1183, %dma_wait3A_1189] : memref<384x128xi32, #tpu.memory_space<vmem>> -> memref<1x128xi32, #tpu.memory_space<vmem>>
      %dma_wait3A_1191 = tpu.memref_squeeze %dma_wait3A_1190 : memref<1x128xi32, #tpu.memory_space<vmem>> -> memref<128xi32, #tpu.memory_space<vmem>>
      %dma_wait3A_1192 = arith.constant 0 : i32
      %dma_wait3A_1193 = arith.constant 0 : i32
      %dma_wait3A_1194 = tpu.memref_slice %arg2[%dma_wait3A_1192, %dma_wait3A_1193] : memref<1572864x16xf32, #tpu.memory_space<hbm>> -> memref<1572864x16xf32, #tpu.memory_space<hbm>>
      tpu.wait_indirect_dma semaphore(%arg7 : memref<!tpu.dma_semaphore, #tpu.memory_space<semaphore_mem>>) src(%dma_wait3A_1194 : memref<1572864x16xf32, #tpu.memory_space<hbm>>) dst(%dma_wait3A_1188 : memref<128x16xf32, #tpu.memory_space<vmem>>)
      %dma_wait3A_1195 = arith.constant 0 : i32
      %dma_wait3A_1196 = arith.constant 1 : i32
      %dma_wait3A_1197 = arith.constant 256 : i32
      %dma_wait3A_1198 = arith.constant 0 : i32
      %dma_wait3A_1199 = tpu.memref_slice %arg6[%dma_wait3A_1196, %dma_wait3A_1197, %dma_wait3A_1198] : memref<2x2048x16xf32, #tpu.memory_space<vmem>> -> memref<1x128x16xf32, #tpu.memory_space<vmem>>
      %dma_wait3A_1200 = tpu.memref_squeeze %dma_wait3A_1199 : memref<1x128x16xf32, #tpu.memory_space<vmem>> -> memref<128x16xf32, #tpu.memory_space<vmem>>
      %dma_wait3A_1201 = arith.constant 0 : i32
      %dma_wait3A_1202 = tpu.memref_slice %arg5[%dma_wait3A_1195, %dma_wait3A_1201] : memref<384x128xi32, #tpu.memory_space<vmem>> -> memref<1x128xi32, #tpu.memory_space<vmem>>
      %dma_wait3A_1203 = tpu.memref_squeeze %dma_wait3A_1202 : memref<1x128xi32, #tpu.memory_space<vmem>> -> memref<128xi32, #tpu.memory_space<vmem>>
      %dma_wait3A_1204 = arith.constant 0 : i32
      %dma_wait3A_1205 = arith.constant 0 : i32
      %dma_wait3A_1206 = tpu.memref_slice %arg2[%dma_wait3A_1204, %dma_wait3A_1205] : memref<1572864x16xf32, #tpu.memory_space<hbm>> -> memref<1572864x16xf32, #tpu.memory_space<hbm>>
      tpu.wait_indirect_dma semaphore(%arg7 : memref<!tpu.dma_semaphore, #tpu.memory_space<semaphore_mem>>) src(%dma_wait3A_1206 : memref<1572864x16xf32, #tpu.memory_space<hbm>>) dst(%dma_wait3A_1200 : memref<128x16xf32, #tpu.memory_space<vmem>>)
      %dma_wait3A_1207 = arith.constant 0 : i32
      %dma_wait3A_1208 = arith.constant 1 : i32
      %dma_wait3A_1209 = arith.constant 384 : i32
      %dma_wait3A_1210 = arith.constant 0 : i32
      %dma_wait3A_1211 = tpu.memref_slice %arg6[%dma_wait3A_1208, %dma_wait3A_1209, %dma_wait3A_1210] : memref<2x2048x16xf32, #tpu.memory_space<vmem>> -> memref<1x128x16xf32, #tpu.memory_space<vmem>>
      %dma_wait3A_1212 = tpu.memref_squeeze %dma_wait3A_1211 : memref<1x128x16xf32, #tpu.memory_space<vmem>> -> memref<128x16xf32, #tpu.memory_space<vmem>>
      %dma_wait3A_1213 = arith.constant 0 : i32
      %dma_wait3A_1214 = tpu.memref_slice %arg5[%dma_wait3A_1207, %dma_wait3A_1213] : memref<384x128xi32, #tpu.memory_space<vmem>> -> memref<1x128xi32, #tpu.memory_space<vmem>>
      %dma_wait3A_1215 = tpu.memref_squeeze %dma_wait3A_1214 : memref<1x128xi32, #tpu.memory_space<vmem>> -> memref<128xi32, #tpu.memory_space<vmem>>
      %dma_wait3A_1216 = arith.constant 0 : i32
      %dma_wait3A_1217 = arith.constant 0 : i32
      %dma_wait3A_1218 = tpu.memref_slice %arg2[%dma_wait3A_1216, %dma_wait3A_1217] : memref<1572864x16xf32, #tpu.memory_space<hbm>> -> memref<1572864x16xf32, #tpu.memory_space<hbm>>
      tpu.wait_indirect_dma semaphore(%arg7 : memref<!tpu.dma_semaphore, #tpu.memory_space<semaphore_mem>>) src(%dma_wait3A_1218 : memref<1572864x16xf32, #tpu.memory_space<hbm>>) dst(%dma_wait3A_1212 : memref<128x16xf32, #tpu.memory_space<vmem>>)
      %dma_wait3A_1219 = arith.constant 0 : i32
      %dma_wait3A_1220 = arith.constant 1 : i32
      %dma_wait3A_1221 = arith.constant 512 : i32
      %dma_wait3A_1222 = arith.constant 0 : i32
      %dma_wait3A_1223 = tpu.memref_slice %arg6[%dma_wait3A_1220, %dma_wait3A_1221, %dma_wait3A_1222] : memref<2x2048x16xf32, #tpu.memory_space<vmem>> -> memref<1x128x16xf32, #tpu.memory_space<vmem>>
      %dma_wait3A_1224 = tpu.memref_squeeze %dma_wait3A_1223 : memref<1x128x16xf32, #tpu.memory_space<vmem>> -> memref<128x16xf32, #tpu.memory_space<vmem>>
      %dma_wait3A_1225 = arith.constant 0 : i32
      %dma_wait3A_1226 = tpu.memref_slice %arg5[%dma_wait3A_1219, %dma_wait3A_1225] : memref<384x128xi32, #tpu.memory_space<vmem>> -> memref<1x128xi32, #tpu.memory_space<vmem>>
      %dma_wait3A_1227 = tpu.memref_squeeze %dma_wait3A_1226 : memref<1x128xi32, #tpu.memory_space<vmem>> -> memref<128xi32, #tpu.memory_space<vmem>>
      %dma_wait3A_1228 = arith.constant 0 : i32
      %dma_wait3A_1229 = arith.constant 0 : i32
      %dma_wait3A_1230 = tpu.memref_slice %arg2[%dma_wait3A_1228, %dma_wait3A_1229] : memref<1572864x16xf32, #tpu.memory_space<hbm>> -> memref<1572864x16xf32, #tpu.memory_space<hbm>>
      tpu.wait_indirect_dma semaphore(%arg7 : memref<!tpu.dma_semaphore, #tpu.memory_space<semaphore_mem>>) src(%dma_wait3A_1230 : memref<1572864x16xf32, #tpu.memory_space<hbm>>) dst(%dma_wait3A_1224 : memref<128x16xf32, #tpu.memory_space<vmem>>)
      %dma_wait3A_1231 = arith.constant 0 : i32
      %dma_wait3A_1232 = arith.constant 1 : i32
      %dma_wait3A_1233 = arith.constant 640 : i32
      %dma_wait3A_1234 = arith.constant 0 : i32
      %dma_wait3A_1235 = tpu.memref_slice %arg6[%dma_wait3A_1232, %dma_wait3A_1233, %dma_wait3A_1234] : memref<2x2048x16xf32, #tpu.memory_space<vmem>> -> memref<1x128x16xf32, #tpu.memory_space<vmem>>
      %dma_wait3A_1236 = tpu.memref_squeeze %dma_wait3A_1235 : memref<1x128x16xf32, #tpu.memory_space<vmem>> -> memref<128x16xf32, #tpu.memory_space<vmem>>
      %dma_wait3A_1237 = arith.constant 0 : i32
      %dma_wait3A_1238 = tpu.memref_slice %arg5[%dma_wait3A_1231, %dma_wait3A_1237] : memref<384x128xi32, #tpu.memory_space<vmem>> -> memref<1x128xi32, #tpu.memory_space<vmem>>
      %dma_wait3A_1239 = tpu.memref_squeeze %dma_wait3A_1238 : memref<1x128xi32, #tpu.memory_space<vmem>> -> memref<128xi32, #tpu.memory_space<vmem>>
      %dma_wait3A_1240 = arith.constant 0 : i32
      %dma_wait3A_1241 = arith.constant 0 : i32
      %dma_wait3A_1242 = tpu.memref_slice %arg2[%dma_wait3A_1240, %dma_wait3A_1241] : memref<1572864x16xf32, #tpu.memory_space<hbm>> -> memref<1572864x16xf32, #tpu.memory_space<hbm>>
      tpu.wait_indirect_dma semaphore(%arg7 : memref<!tpu.dma_semaphore, #tpu.memory_space<semaphore_mem>>) src(%dma_wait3A_1242 : memref<1572864x16xf32, #tpu.memory_space<hbm>>) dst(%dma_wait3A_1236 : memref<128x16xf32, #tpu.memory_space<vmem>>)
      %dma_wait3A_1243 = arith.constant 0 : i32
      %dma_wait3A_1244 = arith.constant 1 : i32
      %dma_wait3A_1245 = arith.constant 768 : i32
      %dma_wait3A_1246 = arith.constant 0 : i32
      %dma_wait3A_1247 = tpu.memref_slice %arg6[%dma_wait3A_1244, %dma_wait3A_1245, %dma_wait3A_1246] : memref<2x2048x16xf32, #tpu.memory_space<vmem>> -> memref<1x128x16xf32, #tpu.memory_space<vmem>>
      %dma_wait3A_1248 = tpu.memref_squeeze %dma_wait3A_1247 : memref<1x128x16xf32, #tpu.memory_space<vmem>> -> memref<128x16xf32, #tpu.memory_space<vmem>>
      %dma_wait3A_1249 = arith.constant 0 : i32
      %dma_wait3A_1250 = tpu.memref_slice %arg5[%dma_wait3A_1243, %dma_wait3A_1249] : memref<384x128xi32, #tpu.memory_space<vmem>> -> memref<1x128xi32, #tpu.memory_space<vmem>>
      %dma_wait3A_1251 = tpu.memref_squeeze %dma_wait3A_1250 : memref<1x128xi32, #tpu.memory_space<vmem>> -> memref<128xi32, #tpu.memory_space<vmem>>
      %dma_wait3A_1252 = arith.constant 0 : i32
      %dma_wait3A_1253 = arith.constant 0 : i32
      %dma_wait3A_1254 = tpu.memref_slice %arg2[%dma_wait3A_1252, %dma_wait3A_1253] : memref<1572864x16xf32, #tpu.memory_space<hbm>> -> memref<1572864x16xf32, #tpu.memory_space<hbm>>
      tpu.wait_indirect_dma semaphore(%arg7 : memref<!tpu.dma_semaphore, #tpu.memory_space<semaphore_mem>>) src(%dma_wait3A_1254 : memref<1572864x16xf32, #tpu.memory_space<hbm>>) dst(%dma_wait3A_1248 : memref<128x16xf32, #tpu.memory_space<vmem>>)
      %dma_wait3A_1255 = arith.constant 0 : i32
      %dma_wait3A_1256 = arith.constant 1 : i32
      %dma_wait3A_1257 = arith.constant 896 : i32
      %dma_wait3A_1258 = arith.constant 0 : i32
      %dma_wait3A_1259 = tpu.memref_slice %arg6[%dma_wait3A_1256, %dma_wait3A_1257, %dma_wait3A_1258] : memref<2x2048x16xf32, #tpu.memory_space<vmem>> -> memref<1x128x16xf32, #tpu.memory_space<vmem>>
      %dma_wait3A_1260 = tpu.memref_squeeze %dma_wait3A_1259 : memref<1x128x16xf32, #tpu.memory_space<vmem>> -> memref<128x16xf32, #tpu.memory_space<vmem>>
      %dma_wait3A_1261 = arith.constant 0 : i32
      %dma_wait3A_1262 = tpu.memref_slice %arg5[%dma_wait3A_1255, %dma_wait3A_1261] : memref<384x128xi32, #tpu.memory_space<vmem>> -> memref<1x128xi32, #tpu.memory_space<vmem>>
      %dma_wait3A_1263 = tpu.memref_squeeze %dma_wait3A_1262 : memref<1x128xi32, #tpu.memory_space<vmem>> -> memref<128xi32, #tpu.memory_space<vmem>>
      %dma_wait3A_1264 = arith.constant 0 : i32
      %dma_wait3A_1265 = arith.constant 0 : i32
      %dma_wait3A_1266 = tpu.memref_slice %arg2[%dma_wait3A_1264, %dma_wait3A_1265] : memref<1572864x16xf32, #tpu.memory_space<hbm>> -> memref<1572864x16xf32, #tpu.memory_space<hbm>>
      tpu.wait_indirect_dma semaphore(%arg7 : memref<!tpu.dma_semaphore, #tpu.memory_space<semaphore_mem>>) src(%dma_wait3A_1266 : memref<1572864x16xf32, #tpu.memory_space<hbm>>) dst(%dma_wait3A_1260 : memref<128x16xf32, #tpu.memory_space<vmem>>)
      %dma_wait3A_1267 = arith.constant 0 : i32
      %dma_wait3A_1268 = arith.constant 1 : i32
      %dma_wait3A_1269 = arith.constant 1024 : i32
      %dma_wait3A_1270 = arith.constant 0 : i32
      %dma_wait3A_1271 = tpu.memref_slice %arg6[%dma_wait3A_1268, %dma_wait3A_1269, %dma_wait3A_1270] : memref<2x2048x16xf32, #tpu.memory_space<vmem>> -> memref<1x128x16xf32, #tpu.memory_space<vmem>>
      %dma_wait3A_1272 = tpu.memref_squeeze %dma_wait3A_1271 : memref<1x128x16xf32, #tpu.memory_space<vmem>> -> memref<128x16xf32, #tpu.memory_space<vmem>>
      %dma_wait3A_1273 = arith.constant 0 : i32
      %dma_wait3A_1274 = tpu.memref_slice %arg5[%dma_wait3A_1267, %dma_wait3A_1273] : memref<384x128xi32, #tpu.memory_space<vmem>> -> memref<1x128xi32, #tpu.memory_space<vmem>>
      %dma_wait3A_1275 = tpu.memref_squeeze %dma_wait3A_1274 : memref<1x128xi32, #tpu.memory_space<vmem>> -> memref<128xi32, #tpu.memory_space<vmem>>
      %dma_wait3A_1276 = arith.constant 0 : i32
      %dma_wait3A_1277 = arith.constant 0 : i32
      %dma_wait3A_1278 = tpu.memref_slice %arg2[%dma_wait3A_1276, %dma_wait3A_1277] : memref<1572864x16xf32, #tpu.memory_space<hbm>> -> memref<1572864x16xf32, #tpu.memory_space<hbm>>
      tpu.wait_indirect_dma semaphore(%arg7 : memref<!tpu.dma_semaphore, #tpu.memory_space<semaphore_mem>>) src(%dma_wait3A_1278 : memref<1572864x16xf32, #tpu.memory_space<hbm>>) dst(%dma_wait3A_1272 : memref<128x16xf32, #tpu.memory_space<vmem>>)
      %dma_wait3A_1279 = arith.constant 0 : i32
      %dma_wait3A_1280 = arith.constant 1 : i32
      %dma_wait3A_1281 = arith.constant 1152 : i32
      %dma_wait3A_1282 = arith.constant 0 : i32
      %dma_wait3A_1283 = tpu.memref_slice %arg6[%dma_wait3A_1280, %dma_wait3A_1281, %dma_wait3A_1282] : memref<2x2048x16xf32, #tpu.memory_space<vmem>> -> memref<1x128x16xf32, #tpu.memory_space<vmem>>
      %dma_wait3A_1284 = tpu.memref_squeeze %dma_wait3A_1283 : memref<1x128x16xf32, #tpu.memory_space<vmem>> -> memref<128x16xf32, #tpu.memory_space<vmem>>
      %dma_wait3A_1285 = arith.constant 0 : i32
      %dma_wait3A_1286 = tpu.memref_slice %arg5[%dma_wait3A_1279, %dma_wait3A_1285] : memref<384x128xi32, #tpu.memory_space<vmem>> -> memref<1x128xi32, #tpu.memory_space<vmem>>
      %dma_wait3A_1287 = tpu.memref_squeeze %dma_wait3A_1286 : memref<1x128xi32, #tpu.memory_space<vmem>> -> memref<128xi32, #tpu.memory_space<vmem>>
      %dma_wait3A_1288 = arith.constant 0 : i32
      %dma_wait3A_1289 = arith.constant 0 : i32
      %dma_wait3A_1290 = tpu.memref_slice %arg2[%dma_wait3A_1288, %dma_wait3A_1289] : memref<1572864x16xf32, #tpu.memory_space<hbm>> -> memref<1572864x16xf32, #tpu.memory_space<hbm>>
      tpu.wait_indirect_dma semaphore(%arg7 : memref<!tpu.dma_semaphore, #tpu.memory_space<semaphore_mem>>) src(%dma_wait3A_1290 : memref<1572864x16xf32, #tpu.memory_space<hbm>>) dst(%dma_wait3A_1284 : memref<128x16xf32, #tpu.memory_space<vmem>>)
      %dma_wait3A_1291 = arith.constant 0 : i32
      %dma_wait3A_1292 = arith.constant 1 : i32
      %dma_wait3A_1293 = arith.constant 1280 : i32
      %dma_wait3A_1294 = arith.constant 0 : i32
      %dma_wait3A_1295 = tpu.memref_slice %arg6[%dma_wait3A_1292, %dma_wait3A_1293, %dma_wait3A_1294] : memref<2x2048x16xf32, #tpu.memory_space<vmem>> -> memref<1x128x16xf32, #tpu.memory_space<vmem>>
      %dma_wait3A_1296 = tpu.memref_squeeze %dma_wait3A_1295 : memref<1x128x16xf32, #tpu.memory_space<vmem>> -> memref<128x16xf32, #tpu.memory_space<vmem>>
      %dma_wait3A_1297 = arith.constant 0 : i32
      %dma_wait3A_1298 = tpu.memref_slice %arg5[%dma_wait3A_1291, %dma_wait3A_1297] : memref<384x128xi32, #tpu.memory_space<vmem>> -> memref<1x128xi32, #tpu.memory_space<vmem>>
      %dma_wait3A_1299 = tpu.memref_squeeze %dma_wait3A_1298 : memref<1x128xi32, #tpu.memory_space<vmem>> -> memref<128xi32, #tpu.memory_space<vmem>>
      %dma_wait3A_1300 = arith.constant 0 : i32
      %dma_wait3A_1301 = arith.constant 0 : i32
      %dma_wait3A_1302 = tpu.memref_slice %arg2[%dma_wait3A_1300, %dma_wait3A_1301] : memref<1572864x16xf32, #tpu.memory_space<hbm>> -> memref<1572864x16xf32, #tpu.memory_space<hbm>>
      tpu.wait_indirect_dma semaphore(%arg7 : memref<!tpu.dma_semaphore, #tpu.memory_space<semaphore_mem>>) src(%dma_wait3A_1302 : memref<1572864x16xf32, #tpu.memory_space<hbm>>) dst(%dma_wait3A_1296 : memref<128x16xf32, #tpu.memory_space<vmem>>)
      %dma_wait3A_1303 = arith.constant 0 : i32
      %dma_wait3A_1304 = arith.constant 1 : i32
      %dma_wait3A_1305 = arith.constant 1408 : i32
      %dma_wait3A_1306 = arith.constant 0 : i32
      %dma_wait3A_1307 = tpu.memref_slice %arg6[%dma_wait3A_1304, %dma_wait3A_1305, %dma_wait3A_1306] : memref<2x2048x16xf32, #tpu.memory_space<vmem>> -> memref<1x128x16xf32, #tpu.memory_space<vmem>>
      %dma_wait3A_1308 = tpu.memref_squeeze %dma_wait3A_1307 : memref<1x128x16xf32, #tpu.memory_space<vmem>> -> memref<128x16xf32, #tpu.memory_space<vmem>>
      %dma_wait3A_1309 = arith.constant 0 : i32
      %dma_wait3A_1310 = tpu.memref_slice %arg5[%dma_wait3A_1303, %dma_wait3A_1309] : memref<384x128xi32, #tpu.memory_space<vmem>> -> memref<1x128xi32, #tpu.memory_space<vmem>>
      %dma_wait3A_1311 = tpu.memref_squeeze %dma_wait3A_1310 : memref<1x128xi32, #tpu.memory_space<vmem>> -> memref<128xi32, #tpu.memory_space<vmem>>
      %dma_wait3A_1312 = arith.constant 0 : i32
      %dma_wait3A_1313 = arith.constant 0 : i32
      %dma_wait3A_1314 = tpu.memref_slice %arg2[%dma_wait3A_1312, %dma_wait3A_1313] : memref<1572864x16xf32, #tpu.memory_space<hbm>> -> memref<1572864x16xf32, #tpu.memory_space<hbm>>
      tpu.wait_indirect_dma semaphore(%arg7 : memref<!tpu.dma_semaphore, #tpu.memory_space<semaphore_mem>>) src(%dma_wait3A_1314 : memref<1572864x16xf32, #tpu.memory_space<hbm>>) dst(%dma_wait3A_1308 : memref<128x16xf32, #tpu.memory_space<vmem>>)
      %dma_wait3A_1315 = arith.constant 0 : i32
      %dma_wait3A_1316 = arith.constant 1 : i32
      %dma_wait3A_1317 = arith.constant 1536 : i32
      %dma_wait3A_1318 = arith.constant 0 : i32
      %dma_wait3A_1319 = tpu.memref_slice %arg6[%dma_wait3A_1316, %dma_wait3A_1317, %dma_wait3A_1318] : memref<2x2048x16xf32, #tpu.memory_space<vmem>> -> memref<1x128x16xf32, #tpu.memory_space<vmem>>
      %dma_wait3A_1320 = tpu.memref_squeeze %dma_wait3A_1319 : memref<1x128x16xf32, #tpu.memory_space<vmem>> -> memref<128x16xf32, #tpu.memory_space<vmem>>
      %dma_wait3A_1321 = arith.constant 0 : i32
      %dma_wait3A_1322 = tpu.memref_slice %arg5[%dma_wait3A_1315, %dma_wait3A_1321] : memref<384x128xi32, #tpu.memory_space<vmem>> -> memref<1x128xi32, #tpu.memory_space<vmem>>
      %dma_wait3A_1323 = tpu.memref_squeeze %dma_wait3A_1322 : memref<1x128xi32, #tpu.memory_space<vmem>> -> memref<128xi32, #tpu.memory_space<vmem>>
      %dma_wait3A_1324 = arith.constant 0 : i32
      %dma_wait3A_1325 = arith.constant 0 : i32
      %dma_wait3A_1326 = tpu.memref_slice %arg2[%dma_wait3A_1324, %dma_wait3A_1325] : memref<1572864x16xf32, #tpu.memory_space<hbm>> -> memref<1572864x16xf32, #tpu.memory_space<hbm>>
      tpu.wait_indirect_dma semaphore(%arg7 : memref<!tpu.dma_semaphore, #tpu.memory_space<semaphore_mem>>) src(%dma_wait3A_1326 : memref<1572864x16xf32, #tpu.memory_space<hbm>>) dst(%dma_wait3A_1320 : memref<128x16xf32, #tpu.memory_space<vmem>>)
      %dma_wait3A_1327 = arith.constant 0 : i32
      %dma_wait3A_1328 = arith.constant 1 : i32
      %dma_wait3A_1329 = arith.constant 1664 : i32
      %dma_wait3A_1330 = arith.constant 0 : i32
      %dma_wait3A_1331 = tpu.memref_slice %arg6[%dma_wait3A_1328, %dma_wait3A_1329, %dma_wait3A_1330] : memref<2x2048x16xf32, #tpu.memory_space<vmem>> -> memref<1x128x16xf32, #tpu.memory_space<vmem>>
      %dma_wait3A_1332 = tpu.memref_squeeze %dma_wait3A_1331 : memref<1x128x16xf32, #tpu.memory_space<vmem>> -> memref<128x16xf32, #tpu.memory_space<vmem>>
      %dma_wait3A_1333 = arith.constant 0 : i32
      %dma_wait3A_1334 = tpu.memref_slice %arg5[%dma_wait3A_1327, %dma_wait3A_1333] : memref<384x128xi32, #tpu.memory_space<vmem>> -> memref<1x128xi32, #tpu.memory_space<vmem>>
      %dma_wait3A_1335 = tpu.memref_squeeze %dma_wait3A_1334 : memref<1x128xi32, #tpu.memory_space<vmem>> -> memref<128xi32, #tpu.memory_space<vmem>>
      %dma_wait3A_1336 = arith.constant 0 : i32
      %dma_wait3A_1337 = arith.constant 0 : i32
      %dma_wait3A_1338 = tpu.memref_slice %arg2[%dma_wait3A_1336, %dma_wait3A_1337] : memref<1572864x16xf32, #tpu.memory_space<hbm>> -> memref<1572864x16xf32, #tpu.memory_space<hbm>>
      tpu.wait_indirect_dma semaphore(%arg7 : memref<!tpu.dma_semaphore, #tpu.memory_space<semaphore_mem>>) src(%dma_wait3A_1338 : memref<1572864x16xf32, #tpu.memory_space<hbm>>) dst(%dma_wait3A_1332 : memref<128x16xf32, #tpu.memory_space<vmem>>)
      %dma_wait3A_1339 = arith.constant 0 : i32
      %dma_wait3A_1340 = arith.constant 1 : i32
      %dma_wait3A_1341 = arith.constant 1792 : i32
      %dma_wait3A_1342 = arith.constant 0 : i32
      %dma_wait3A_1343 = tpu.memref_slice %arg6[%dma_wait3A_1340, %dma_wait3A_1341, %dma_wait3A_1342] : memref<2x2048x16xf32, #tpu.memory_space<vmem>> -> memref<1x128x16xf32, #tpu.memory_space<vmem>>
      %dma_wait3A_1344 = tpu.memref_squeeze %dma_wait3A_1343 : memref<1x128x16xf32, #tpu.memory_space<vmem>> -> memref<128x16xf32, #tpu.memory_space<vmem>>
      %dma_wait3A_1345 = arith.constant 0 : i32
      %dma_wait3A_1346 = tpu.memref_slice %arg5[%dma_wait3A_1339, %dma_wait3A_1345] : memref<384x128xi32, #tpu.memory_space<vmem>> -> memref<1x128xi32, #tpu.memory_space<vmem>>
      %dma_wait3A_1347 = tpu.memref_squeeze %dma_wait3A_1346 : memref<1x128xi32, #tpu.memory_space<vmem>> -> memref<128xi32, #tpu.memory_space<vmem>>
      %dma_wait3A_1348 = arith.constant 0 : i32
      %dma_wait3A_1349 = arith.constant 0 : i32
      %dma_wait3A_1350 = tpu.memref_slice %arg2[%dma_wait3A_1348, %dma_wait3A_1349] : memref<1572864x16xf32, #tpu.memory_space<hbm>> -> memref<1572864x16xf32, #tpu.memory_space<hbm>>
      tpu.wait_indirect_dma semaphore(%arg7 : memref<!tpu.dma_semaphore, #tpu.memory_space<semaphore_mem>>) src(%dma_wait3A_1350 : memref<1572864x16xf32, #tpu.memory_space<hbm>>) dst(%dma_wait3A_1344 : memref<128x16xf32, #tpu.memory_space<vmem>>)
      %dma_wait3A_1351 = arith.constant 0 : i32
      %dma_wait3A_1352 = arith.constant 1 : i32
      %dma_wait3A_1353 = arith.constant 1920 : i32
      %dma_wait3A_1354 = arith.constant 0 : i32
      %dma_wait3A_1355 = tpu.memref_slice %arg6[%dma_wait3A_1352, %dma_wait3A_1353, %dma_wait3A_1354] : memref<2x2048x16xf32, #tpu.memory_space<vmem>> -> memref<1x128x16xf32, #tpu.memory_space<vmem>>
      %dma_wait3A_1356 = tpu.memref_squeeze %dma_wait3A_1355 : memref<1x128x16xf32, #tpu.memory_space<vmem>> -> memref<128x16xf32, #tpu.memory_space<vmem>>
      %dma_wait3A_1357 = arith.constant 0 : i32
      %dma_wait3A_1358 = tpu.memref_slice %arg5[%dma_wait3A_1351, %dma_wait3A_1357] : memref<384x128xi32, #tpu.memory_space<vmem>> -> memref<1x128xi32, #tpu.memory_space<vmem>>
      %dma_wait3A_1359 = tpu.memref_squeeze %dma_wait3A_1358 : memref<1x128xi32, #tpu.memory_space<vmem>> -> memref<128xi32, #tpu.memory_space<vmem>>
      %dma_wait3A_1360 = arith.constant 0 : i32
      %dma_wait3A_1361 = arith.constant 0 : i32
      %dma_wait3A_1362 = tpu.memref_slice %arg2[%dma_wait3A_1360, %dma_wait3A_1361] : memref<1572864x16xf32, #tpu.memory_space<hbm>> -> memref<1572864x16xf32, #tpu.memory_space<hbm>>
      tpu.wait_indirect_dma semaphore(%arg7 : memref<!tpu.dma_semaphore, #tpu.memory_space<semaphore_mem>>) src(%dma_wait3A_1362 : memref<1572864x16xf32, #tpu.memory_space<hbm>>) dst(%dma_wait3A_1356 : memref<128x16xf32, #tpu.memory_space<vmem>>)
      %mul3A_1363 = arith.constant 2 : i32
      %mul3A_1364 = arith.muli %mul3A_1363, %scan3A_453 : i32
      %add3A_1365 = arith.constant 1 : i32
      %add3A_1366 = arith.addi %mul3A_1364, %add3A_1365 : i32
      %mul3A_1367 = arith.constant 2048 : i32
      %mul3A_1368 = arith.muli %add3A_1366, %mul3A_1367 : i32
      %add3A_1369 = arith.addi %mul3A_2, %mul3A_1368 : i32
      %dma_start3A_1370 = arith.constant 1 : i32
      %dma_start3A_1371 = arith.constant 0 : i32
      %dma_start3A_1372 = arith.constant 0 : i32
      %dma_start3A_1373 = tpu.memref_slice %arg6[%dma_start3A_1370, %dma_start3A_1371, %dma_start3A_1372] : memref<2x2048x16xf32, #tpu.memory_space<vmem>> -> memref<1x2048x16xf32, #tpu.memory_space<vmem>>
      %dma_start3A_1374 = tpu.memref_squeeze %dma_start3A_1373 : memref<1x2048x16xf32, #tpu.memory_space<vmem>> -> memref<2048x16xf32, #tpu.memory_space<vmem>>
      %dma_start3A_1375 = arith.constant 0 : i32
      %dma_start3A_1376 = tpu.memref_slice %arg4[%add3A_1369, %dma_start3A_1375] : memref<1572864x16xf32, #tpu.memory_space<hbm>> -> memref<2048x16xf32, #tpu.memory_space<hbm>>
      %dma_start3A_1377 = arith.constant 0 : i32
      %dma_start3A_1378 = tpu.memref_slice %arg4[%add3A_1369, %dma_start3A_1377] : memref<1572864x16xf32, #tpu.memory_space<hbm>> -> memref<2048x16xf32, #tpu.memory_space<hbm>>
      %dma_start3A_1379 = arith.constant 0 : i32
      %dma_start3A_1380 = arith.constant 0 : i32
      %dma_start3A_1381 = tpu.memref_slice %arg6[%dma_start3A_1370, %dma_start3A_1379, %dma_start3A_1380] : memref<2x2048x16xf32, #tpu.memory_space<vmem>> -> memref<1x2048x16xf32, #tpu.memory_space<vmem>>
      %dma_start3A_1382 = tpu.memref_squeeze %dma_start3A_1381 : memref<1x2048x16xf32, #tpu.memory_space<vmem>> -> memref<2048x16xf32, #tpu.memory_space<vmem>>
      tpu.enqueue_dma source(%dma_start3A_1382 : memref<2048x16xf32, #tpu.memory_space<vmem>>) target(%dma_start3A_1378 : memref<2048x16xf32, #tpu.memory_space<hbm>>) target_semaphore(%arg8 : memref<!tpu.dma_semaphore, #tpu.memory_space<semaphore_mem>>)
    }
    %scan3A_248 = arith.constant 12 : i32
    %dma_wait3A = arith.constant 0 : i32
    %dma_wait3A_249 = arith.constant 0 : i32
    %dma_wait3A_250 = arith.constant 0 : i32
    %dma_wait3A_251 = arith.constant 0 : i32
    %dma_wait3A_252 = tpu.memref_slice %arg6[%dma_wait3A_249, %dma_wait3A_250, %dma_wait3A_251] : memref<2x2048x16xf32, #tpu.memory_space<vmem>> -> memref<1x128x16xf32, #tpu.memory_space<vmem>>
    %dma_wait3A_253 = tpu.memref_squeeze %dma_wait3A_252 : memref<1x128x16xf32, #tpu.memory_space<vmem>> -> memref<128x16xf32, #tpu.memory_space<vmem>>
    %dma_wait3A_254 = arith.constant 0 : i32
    %dma_wait3A_255 = tpu.memref_slice %arg5[%dma_wait3A, %dma_wait3A_254] : memref<384x128xi32, #tpu.memory_space<vmem>> -> memref<1x128xi32, #tpu.memory_space<vmem>>
    %dma_wait3A_256 = tpu.memref_squeeze %dma_wait3A_255 : memref<1x128xi32, #tpu.memory_space<vmem>> -> memref<128xi32, #tpu.memory_space<vmem>>
    %dma_wait3A_257 = arith.constant 0 : i32
    %dma_wait3A_258 = arith.constant 0 : i32
    %dma_wait3A_259 = tpu.memref_slice %arg2[%dma_wait3A_257, %dma_wait3A_258] : memref<1572864x16xf32, #tpu.memory_space<hbm>> -> memref<1572864x16xf32, #tpu.memory_space<hbm>>
    tpu.wait_indirect_dma semaphore(%arg7 : memref<!tpu.dma_semaphore, #tpu.memory_space<semaphore_mem>>) src(%dma_wait3A_259 : memref<1572864x16xf32, #tpu.memory_space<hbm>>) dst(%dma_wait3A_253 : memref<128x16xf32, #tpu.memory_space<vmem>>)
    %dma_wait3A_260 = arith.constant 0 : i32
    %dma_wait3A_261 = arith.constant 0 : i32
    %dma_wait3A_262 = arith.constant 128 : i32
    %dma_wait3A_263 = arith.constant 0 : i32
    %dma_wait3A_264 = tpu.memref_slice %arg6[%dma_wait3A_261, %dma_wait3A_262, %dma_wait3A_263] : memref<2x2048x16xf32, #tpu.memory_space<vmem>> -> memref<1x128x16xf32, #tpu.memory_space<vmem>>
    %dma_wait3A_265 = tpu.memref_squeeze %dma_wait3A_264 : memref<1x128x16xf32, #tpu.memory_space<vmem>> -> memref<128x16xf32, #tpu.memory_space<vmem>>
    %dma_wait3A_266 = arith.constant 0 : i32
    %dma_wait3A_267 = tpu.memref_slice %arg5[%dma_wait3A_260, %dma_wait3A_266] : memref<384x128xi32, #tpu.memory_space<vmem>> -> memref<1x128xi32, #tpu.memory_space<vmem>>
    %dma_wait3A_268 = tpu.memref_squeeze %dma_wait3A_267 : memref<1x128xi32, #tpu.memory_space<vmem>> -> memref<128xi32, #tpu.memory_space<vmem>>
    %dma_wait3A_269 = arith.constant 0 : i32
    %dma_wait3A_270 = arith.constant 0 : i32
    %dma_wait3A_271 = tpu.memref_slice %arg2[%dma_wait3A_269, %dma_wait3A_270] : memref<1572864x16xf32, #tpu.memory_space<hbm>> -> memref<1572864x16xf32, #tpu.memory_space<hbm>>
    tpu.wait_indirect_dma semaphore(%arg7 : memref<!tpu.dma_semaphore, #tpu.memory_space<semaphore_mem>>) src(%dma_wait3A_271 : memref<1572864x16xf32, #tpu.memory_space<hbm>>) dst(%dma_wait3A_265 : memref<128x16xf32, #tpu.memory_space<vmem>>)
    %dma_wait3A_272 = arith.constant 0 : i32
    %dma_wait3A_273 = arith.constant 0 : i32
    %dma_wait3A_274 = arith.constant 256 : i32
    %dma_wait3A_275 = arith.constant 0 : i32
    %dma_wait3A_276 = tpu.memref_slice %arg6[%dma_wait3A_273, %dma_wait3A_274, %dma_wait3A_275] : memref<2x2048x16xf32, #tpu.memory_space<vmem>> -> memref<1x128x16xf32, #tpu.memory_space<vmem>>
    %dma_wait3A_277 = tpu.memref_squeeze %dma_wait3A_276 : memref<1x128x16xf32, #tpu.memory_space<vmem>> -> memref<128x16xf32, #tpu.memory_space<vmem>>
    %dma_wait3A_278 = arith.constant 0 : i32
    %dma_wait3A_279 = tpu.memref_slice %arg5[%dma_wait3A_272, %dma_wait3A_278] : memref<384x128xi32, #tpu.memory_space<vmem>> -> memref<1x128xi32, #tpu.memory_space<vmem>>
    %dma_wait3A_280 = tpu.memref_squeeze %dma_wait3A_279 : memref<1x128xi32, #tpu.memory_space<vmem>> -> memref<128xi32, #tpu.memory_space<vmem>>
    %dma_wait3A_281 = arith.constant 0 : i32
    %dma_wait3A_282 = arith.constant 0 : i32
    %dma_wait3A_283 = tpu.memref_slice %arg2[%dma_wait3A_281, %dma_wait3A_282] : memref<1572864x16xf32, #tpu.memory_space<hbm>> -> memref<1572864x16xf32, #tpu.memory_space<hbm>>
    tpu.wait_indirect_dma semaphore(%arg7 : memref<!tpu.dma_semaphore, #tpu.memory_space<semaphore_mem>>) src(%dma_wait3A_283 : memref<1572864x16xf32, #tpu.memory_space<hbm>>) dst(%dma_wait3A_277 : memref<128x16xf32, #tpu.memory_space<vmem>>)
    %dma_wait3A_284 = arith.constant 0 : i32
    %dma_wait3A_285 = arith.constant 0 : i32
    %dma_wait3A_286 = arith.constant 384 : i32
    %dma_wait3A_287 = arith.constant 0 : i32
    %dma_wait3A_288 = tpu.memref_slice %arg6[%dma_wait3A_285, %dma_wait3A_286, %dma_wait3A_287] : memref<2x2048x16xf32, #tpu.memory_space<vmem>> -> memref<1x128x16xf32, #tpu.memory_space<vmem>>
    %dma_wait3A_289 = tpu.memref_squeeze %dma_wait3A_288 : memref<1x128x16xf32, #tpu.memory_space<vmem>> -> memref<128x16xf32, #tpu.memory_space<vmem>>
    %dma_wait3A_290 = arith.constant 0 : i32
    %dma_wait3A_291 = tpu.memref_slice %arg5[%dma_wait3A_284, %dma_wait3A_290] : memref<384x128xi32, #tpu.memory_space<vmem>> -> memref<1x128xi32, #tpu.memory_space<vmem>>
    %dma_wait3A_292 = tpu.memref_squeeze %dma_wait3A_291 : memref<1x128xi32, #tpu.memory_space<vmem>> -> memref<128xi32, #tpu.memory_space<vmem>>
    %dma_wait3A_293 = arith.constant 0 : i32
    %dma_wait3A_294 = arith.constant 0 : i32
    %dma_wait3A_295 = tpu.memref_slice %arg2[%dma_wait3A_293, %dma_wait3A_294] : memref<1572864x16xf32, #tpu.memory_space<hbm>> -> memref<1572864x16xf32, #tpu.memory_space<hbm>>
    tpu.wait_indirect_dma semaphore(%arg7 : memref<!tpu.dma_semaphore, #tpu.memory_space<semaphore_mem>>) src(%dma_wait3A_295 : memref<1572864x16xf32, #tpu.memory_space<hbm>>) dst(%dma_wait3A_289 : memref<128x16xf32, #tpu.memory_space<vmem>>)
    %dma_wait3A_296 = arith.constant 0 : i32
    %dma_wait3A_297 = arith.constant 0 : i32
    %dma_wait3A_298 = arith.constant 512 : i32
    %dma_wait3A_299 = arith.constant 0 : i32
    %dma_wait3A_300 = tpu.memref_slice %arg6[%dma_wait3A_297, %dma_wait3A_298, %dma_wait3A_299] : memref<2x2048x16xf32, #tpu.memory_space<vmem>> -> memref<1x128x16xf32, #tpu.memory_space<vmem>>
    %dma_wait3A_301 = tpu.memref_squeeze %dma_wait3A_300 : memref<1x128x16xf32, #tpu.memory_space<vmem>> -> memref<128x16xf32, #tpu.memory_space<vmem>>
    %dma_wait3A_302 = arith.constant 0 : i32
    %dma_wait3A_303 = tpu.memref_slice %arg5[%dma_wait3A_296, %dma_wait3A_302] : memref<384x128xi32, #tpu.memory_space<vmem>> -> memref<1x128xi32, #tpu.memory_space<vmem>>
    %dma_wait3A_304 = tpu.memref_squeeze %dma_wait3A_303 : memref<1x128xi32, #tpu.memory_space<vmem>> -> memref<128xi32, #tpu.memory_space<vmem>>
    %dma_wait3A_305 = arith.constant 0 : i32
    %dma_wait3A_306 = arith.constant 0 : i32
    %dma_wait3A_307 = tpu.memref_slice %arg2[%dma_wait3A_305, %dma_wait3A_306] : memref<1572864x16xf32, #tpu.memory_space<hbm>> -> memref<1572864x16xf32, #tpu.memory_space<hbm>>
    tpu.wait_indirect_dma semaphore(%arg7 : memref<!tpu.dma_semaphore, #tpu.memory_space<semaphore_mem>>) src(%dma_wait3A_307 : memref<1572864x16xf32, #tpu.memory_space<hbm>>) dst(%dma_wait3A_301 : memref<128x16xf32, #tpu.memory_space<vmem>>)
    %dma_wait3A_308 = arith.constant 0 : i32
    %dma_wait3A_309 = arith.constant 0 : i32
    %dma_wait3A_310 = arith.constant 640 : i32
    %dma_wait3A_311 = arith.constant 0 : i32
    %dma_wait3A_312 = tpu.memref_slice %arg6[%dma_wait3A_309, %dma_wait3A_310, %dma_wait3A_311] : memref<2x2048x16xf32, #tpu.memory_space<vmem>> -> memref<1x128x16xf32, #tpu.memory_space<vmem>>
    %dma_wait3A_313 = tpu.memref_squeeze %dma_wait3A_312 : memref<1x128x16xf32, #tpu.memory_space<vmem>> -> memref<128x16xf32, #tpu.memory_space<vmem>>
    %dma_wait3A_314 = arith.constant 0 : i32
    %dma_wait3A_315 = tpu.memref_slice %arg5[%dma_wait3A_308, %dma_wait3A_314] : memref<384x128xi32, #tpu.memory_space<vmem>> -> memref<1x128xi32, #tpu.memory_space<vmem>>
    %dma_wait3A_316 = tpu.memref_squeeze %dma_wait3A_315 : memref<1x128xi32, #tpu.memory_space<vmem>> -> memref<128xi32, #tpu.memory_space<vmem>>
    %dma_wait3A_317 = arith.constant 0 : i32
    %dma_wait3A_318 = arith.constant 0 : i32
    %dma_wait3A_319 = tpu.memref_slice %arg2[%dma_wait3A_317, %dma_wait3A_318] : memref<1572864x16xf32, #tpu.memory_space<hbm>> -> memref<1572864x16xf32, #tpu.memory_space<hbm>>
    tpu.wait_indirect_dma semaphore(%arg7 : memref<!tpu.dma_semaphore, #tpu.memory_space<semaphore_mem>>) src(%dma_wait3A_319 : memref<1572864x16xf32, #tpu.memory_space<hbm>>) dst(%dma_wait3A_313 : memref<128x16xf32, #tpu.memory_space<vmem>>)
    %dma_wait3A_320 = arith.constant 0 : i32
    %dma_wait3A_321 = arith.constant 0 : i32
    %dma_wait3A_322 = arith.constant 768 : i32
    %dma_wait3A_323 = arith.constant 0 : i32
    %dma_wait3A_324 = tpu.memref_slice %arg6[%dma_wait3A_321, %dma_wait3A_322, %dma_wait3A_323] : memref<2x2048x16xf32, #tpu.memory_space<vmem>> -> memref<1x128x16xf32, #tpu.memory_space<vmem>>
    %dma_wait3A_325 = tpu.memref_squeeze %dma_wait3A_324 : memref<1x128x16xf32, #tpu.memory_space<vmem>> -> memref<128x16xf32, #tpu.memory_space<vmem>>
    %dma_wait3A_326 = arith.constant 0 : i32
    %dma_wait3A_327 = tpu.memref_slice %arg5[%dma_wait3A_320, %dma_wait3A_326] : memref<384x128xi32, #tpu.memory_space<vmem>> -> memref<1x128xi32, #tpu.memory_space<vmem>>
    %dma_wait3A_328 = tpu.memref_squeeze %dma_wait3A_327 : memref<1x128xi32, #tpu.memory_space<vmem>> -> memref<128xi32, #tpu.memory_space<vmem>>
    %dma_wait3A_329 = arith.constant 0 : i32
    %dma_wait3A_330 = arith.constant 0 : i32
    %dma_wait3A_331 = tpu.memref_slice %arg2[%dma_wait3A_329, %dma_wait3A_330] : memref<1572864x16xf32, #tpu.memory_space<hbm>> -> memref<1572864x16xf32, #tpu.memory_space<hbm>>
    tpu.wait_indirect_dma semaphore(%arg7 : memref<!tpu.dma_semaphore, #tpu.memory_space<semaphore_mem>>) src(%dma_wait3A_331 : memref<1572864x16xf32, #tpu.memory_space<hbm>>) dst(%dma_wait3A_325 : memref<128x16xf32, #tpu.memory_space<vmem>>)
    %dma_wait3A_332 = arith.constant 0 : i32
    %dma_wait3A_333 = arith.constant 0 : i32
    %dma_wait3A_334 = arith.constant 896 : i32
    %dma_wait3A_335 = arith.constant 0 : i32
    %dma_wait3A_336 = tpu.memref_slice %arg6[%dma_wait3A_333, %dma_wait3A_334, %dma_wait3A_335] : memref<2x2048x16xf32, #tpu.memory_space<vmem>> -> memref<1x128x16xf32, #tpu.memory_space<vmem>>
    %dma_wait3A_337 = tpu.memref_squeeze %dma_wait3A_336 : memref<1x128x16xf32, #tpu.memory_space<vmem>> -> memref<128x16xf32, #tpu.memory_space<vmem>>
    %dma_wait3A_338 = arith.constant 0 : i32
    %dma_wait3A_339 = tpu.memref_slice %arg5[%dma_wait3A_332, %dma_wait3A_338] : memref<384x128xi32, #tpu.memory_space<vmem>> -> memref<1x128xi32, #tpu.memory_space<vmem>>
    %dma_wait3A_340 = tpu.memref_squeeze %dma_wait3A_339 : memref<1x128xi32, #tpu.memory_space<vmem>> -> memref<128xi32, #tpu.memory_space<vmem>>
    %dma_wait3A_341 = arith.constant 0 : i32
    %dma_wait3A_342 = arith.constant 0 : i32
    %dma_wait3A_343 = tpu.memref_slice %arg2[%dma_wait3A_341, %dma_wait3A_342] : memref<1572864x16xf32, #tpu.memory_space<hbm>> -> memref<1572864x16xf32, #tpu.memory_space<hbm>>
    tpu.wait_indirect_dma semaphore(%arg7 : memref<!tpu.dma_semaphore, #tpu.memory_space<semaphore_mem>>) src(%dma_wait3A_343 : memref<1572864x16xf32, #tpu.memory_space<hbm>>) dst(%dma_wait3A_337 : memref<128x16xf32, #tpu.memory_space<vmem>>)
    %dma_wait3A_344 = arith.constant 0 : i32
    %dma_wait3A_345 = arith.constant 0 : i32
    %dma_wait3A_346 = arith.constant 1024 : i32
    %dma_wait3A_347 = arith.constant 0 : i32
    %dma_wait3A_348 = tpu.memref_slice %arg6[%dma_wait3A_345, %dma_wait3A_346, %dma_wait3A_347] : memref<2x2048x16xf32, #tpu.memory_space<vmem>> -> memref<1x128x16xf32, #tpu.memory_space<vmem>>
    %dma_wait3A_349 = tpu.memref_squeeze %dma_wait3A_348 : memref<1x128x16xf32, #tpu.memory_space<vmem>> -> memref<128x16xf32, #tpu.memory_space<vmem>>
    %dma_wait3A_350 = arith.constant 0 : i32
    %dma_wait3A_351 = tpu.memref_slice %arg5[%dma_wait3A_344, %dma_wait3A_350] : memref<384x128xi32, #tpu.memory_space<vmem>> -> memref<1x128xi32, #tpu.memory_space<vmem>>
    %dma_wait3A_352 = tpu.memref_squeeze %dma_wait3A_351 : memref<1x128xi32, #tpu.memory_space<vmem>> -> memref<128xi32, #tpu.memory_space<vmem>>
    %dma_wait3A_353 = arith.constant 0 : i32
    %dma_wait3A_354 = arith.constant 0 : i32
    %dma_wait3A_355 = tpu.memref_slice %arg2[%dma_wait3A_353, %dma_wait3A_354] : memref<1572864x16xf32, #tpu.memory_space<hbm>> -> memref<1572864x16xf32, #tpu.memory_space<hbm>>
    tpu.wait_indirect_dma semaphore(%arg7 : memref<!tpu.dma_semaphore, #tpu.memory_space<semaphore_mem>>) src(%dma_wait3A_355 : memref<1572864x16xf32, #tpu.memory_space<hbm>>) dst(%dma_wait3A_349 : memref<128x16xf32, #tpu.memory_space<vmem>>)
    %dma_wait3A_356 = arith.constant 0 : i32
    %dma_wait3A_357 = arith.constant 0 : i32
    %dma_wait3A_358 = arith.constant 1152 : i32
    %dma_wait3A_359 = arith.constant 0 : i32
    %dma_wait3A_360 = tpu.memref_slice %arg6[%dma_wait3A_357, %dma_wait3A_358, %dma_wait3A_359] : memref<2x2048x16xf32, #tpu.memory_space<vmem>> -> memref<1x128x16xf32, #tpu.memory_space<vmem>>
    %dma_wait3A_361 = tpu.memref_squeeze %dma_wait3A_360 : memref<1x128x16xf32, #tpu.memory_space<vmem>> -> memref<128x16xf32, #tpu.memory_space<vmem>>
    %dma_wait3A_362 = arith.constant 0 : i32
    %dma_wait3A_363 = tpu.memref_slice %arg5[%dma_wait3A_356, %dma_wait3A_362] : memref<384x128xi32, #tpu.memory_space<vmem>> -> memref<1x128xi32, #tpu.memory_space<vmem>>
    %dma_wait3A_364 = tpu.memref_squeeze %dma_wait3A_363 : memref<1x128xi32, #tpu.memory_space<vmem>> -> memref<128xi32, #tpu.memory_space<vmem>>
    %dma_wait3A_365 = arith.constant 0 : i32
    %dma_wait3A_366 = arith.constant 0 : i32
    %dma_wait3A_367 = tpu.memref_slice %arg2[%dma_wait3A_365, %dma_wait3A_366] : memref<1572864x16xf32, #tpu.memory_space<hbm>> -> memref<1572864x16xf32, #tpu.memory_space<hbm>>
    tpu.wait_indirect_dma semaphore(%arg7 : memref<!tpu.dma_semaphore, #tpu.memory_space<semaphore_mem>>) src(%dma_wait3A_367 : memref<1572864x16xf32, #tpu.memory_space<hbm>>) dst(%dma_wait3A_361 : memref<128x16xf32, #tpu.memory_space<vmem>>)
    %dma_wait3A_368 = arith.constant 0 : i32
    %dma_wait3A_369 = arith.constant 0 : i32
    %dma_wait3A_370 = arith.constant 1280 : i32
    %dma_wait3A_371 = arith.constant 0 : i32
    %dma_wait3A_372 = tpu.memref_slice %arg6[%dma_wait3A_369, %dma_wait3A_370, %dma_wait3A_371] : memref<2x2048x16xf32, #tpu.memory_space<vmem>> -> memref<1x128x16xf32, #tpu.memory_space<vmem>>
    %dma_wait3A_373 = tpu.memref_squeeze %dma_wait3A_372 : memref<1x128x16xf32, #tpu.memory_space<vmem>> -> memref<128x16xf32, #tpu.memory_space<vmem>>
    %dma_wait3A_374 = arith.constant 0 : i32
    %dma_wait3A_375 = tpu.memref_slice %arg5[%dma_wait3A_368, %dma_wait3A_374] : memref<384x128xi32, #tpu.memory_space<vmem>> -> memref<1x128xi32, #tpu.memory_space<vmem>>
    %dma_wait3A_376 = tpu.memref_squeeze %dma_wait3A_375 : memref<1x128xi32, #tpu.memory_space<vmem>> -> memref<128xi32, #tpu.memory_space<vmem>>
    %dma_wait3A_377 = arith.constant 0 : i32
    %dma_wait3A_378 = arith.constant 0 : i32
    %dma_wait3A_379 = tpu.memref_slice %arg2[%dma_wait3A_377, %dma_wait3A_378] : memref<1572864x16xf32, #tpu.memory_space<hbm>> -> memref<1572864x16xf32, #tpu.memory_space<hbm>>
    tpu.wait_indirect_dma semaphore(%arg7 : memref<!tpu.dma_semaphore, #tpu.memory_space<semaphore_mem>>) src(%dma_wait3A_379 : memref<1572864x16xf32, #tpu.memory_space<hbm>>) dst(%dma_wait3A_373 : memref<128x16xf32, #tpu.memory_space<vmem>>)
    %dma_wait3A_380 = arith.constant 0 : i32
    %dma_wait3A_381 = arith.constant 0 : i32
    %dma_wait3A_382 = arith.constant 1408 : i32
    %dma_wait3A_383 = arith.constant 0 : i32
    %dma_wait3A_384 = tpu.memref_slice %arg6[%dma_wait3A_381, %dma_wait3A_382, %dma_wait3A_383] : memref<2x2048x16xf32, #tpu.memory_space<vmem>> -> memref<1x128x16xf32, #tpu.memory_space<vmem>>
    %dma_wait3A_385 = tpu.memref_squeeze %dma_wait3A_384 : memref<1x128x16xf32, #tpu.memory_space<vmem>> -> memref<128x16xf32, #tpu.memory_space<vmem>>
    %dma_wait3A_386 = arith.constant 0 : i32
    %dma_wait3A_387 = tpu.memref_slice %arg5[%dma_wait3A_380, %dma_wait3A_386] : memref<384x128xi32, #tpu.memory_space<vmem>> -> memref<1x128xi32, #tpu.memory_space<vmem>>
    %dma_wait3A_388 = tpu.memref_squeeze %dma_wait3A_387 : memref<1x128xi32, #tpu.memory_space<vmem>> -> memref<128xi32, #tpu.memory_space<vmem>>
    %dma_wait3A_389 = arith.constant 0 : i32
    %dma_wait3A_390 = arith.constant 0 : i32
    %dma_wait3A_391 = tpu.memref_slice %arg2[%dma_wait3A_389, %dma_wait3A_390] : memref<1572864x16xf32, #tpu.memory_space<hbm>> -> memref<1572864x16xf32, #tpu.memory_space<hbm>>
    tpu.wait_indirect_dma semaphore(%arg7 : memref<!tpu.dma_semaphore, #tpu.memory_space<semaphore_mem>>) src(%dma_wait3A_391 : memref<1572864x16xf32, #tpu.memory_space<hbm>>) dst(%dma_wait3A_385 : memref<128x16xf32, #tpu.memory_space<vmem>>)
    %dma_wait3A_392 = arith.constant 0 : i32
    %dma_wait3A_393 = arith.constant 0 : i32
    %dma_wait3A_394 = arith.constant 1536 : i32
    %dma_wait3A_395 = arith.constant 0 : i32
    %dma_wait3A_396 = tpu.memref_slice %arg6[%dma_wait3A_393, %dma_wait3A_394, %dma_wait3A_395] : memref<2x2048x16xf32, #tpu.memory_space<vmem>> -> memref<1x128x16xf32, #tpu.memory_space<vmem>>
    %dma_wait3A_397 = tpu.memref_squeeze %dma_wait3A_396 : memref<1x128x16xf32, #tpu.memory_space<vmem>> -> memref<128x16xf32, #tpu.memory_space<vmem>>
    %dma_wait3A_398 = arith.constant 0 : i32
    %dma_wait3A_399 = tpu.memref_slice %arg5[%dma_wait3A_392, %dma_wait3A_398] : memref<384x128xi32, #tpu.memory_space<vmem>> -> memref<1x128xi32, #tpu.memory_space<vmem>>
    %dma_wait3A_400 = tpu.memref_squeeze %dma_wait3A_399 : memref<1x128xi32, #tpu.memory_space<vmem>> -> memref<128xi32, #tpu.memory_space<vmem>>
    %dma_wait3A_401 = arith.constant 0 : i32
    %dma_wait3A_402 = arith.constant 0 : i32
    %dma_wait3A_403 = tpu.memref_slice %arg2[%dma_wait3A_401, %dma_wait3A_402] : memref<1572864x16xf32, #tpu.memory_space<hbm>> -> memref<1572864x16xf32, #tpu.memory_space<hbm>>
    tpu.wait_indirect_dma semaphore(%arg7 : memref<!tpu.dma_semaphore, #tpu.memory_space<semaphore_mem>>) src(%dma_wait3A_403 : memref<1572864x16xf32, #tpu.memory_space<hbm>>) dst(%dma_wait3A_397 : memref<128x16xf32, #tpu.memory_space<vmem>>)
    %dma_wait3A_404 = arith.constant 0 : i32
    %dma_wait3A_405 = arith.constant 0 : i32
    %dma_wait3A_406 = arith.constant 1664 : i32
    %dma_wait3A_407 = arith.constant 0 : i32
    %dma_wait3A_408 = tpu.memref_slice %arg6[%dma_wait3A_405, %dma_wait3A_406, %dma_wait3A_407] : memref<2x2048x16xf32, #tpu.memory_space<vmem>> -> memref<1x128x16xf32, #tpu.memory_space<vmem>>
    %dma_wait3A_409 = tpu.memref_squeeze %dma_wait3A_408 : memref<1x128x16xf32, #tpu.memory_space<vmem>> -> memref<128x16xf32, #tpu.memory_space<vmem>>
    %dma_wait3A_410 = arith.constant 0 : i32
    %dma_wait3A_411 = tpu.memref_slice %arg5[%dma_wait3A_404, %dma_wait3A_410] : memref<384x128xi32, #tpu.memory_space<vmem>> -> memref<1x128xi32, #tpu.memory_space<vmem>>
    %dma_wait3A_412 = tpu.memref_squeeze %dma_wait3A_411 : memref<1x128xi32, #tpu.memory_space<vmem>> -> memref<128xi32, #tpu.memory_space<vmem>>
    %dma_wait3A_413 = arith.constant 0 : i32
    %dma_wait3A_414 = arith.constant 0 : i32
    %dma_wait3A_415 = tpu.memref_slice %arg2[%dma_wait3A_413, %dma_wait3A_414] : memref<1572864x16xf32, #tpu.memory_space<hbm>> -> memref<1572864x16xf32, #tpu.memory_space<hbm>>
    tpu.wait_indirect_dma semaphore(%arg7 : memref<!tpu.dma_semaphore, #tpu.memory_space<semaphore_mem>>) src(%dma_wait3A_415 : memref<1572864x16xf32, #tpu.memory_space<hbm>>) dst(%dma_wait3A_409 : memref<128x16xf32, #tpu.memory_space<vmem>>)
    %dma_wait3A_416 = arith.constant 0 : i32
    %dma_wait3A_417 = arith.constant 0 : i32
    %dma_wait3A_418 = arith.constant 1792 : i32
    %dma_wait3A_419 = arith.constant 0 : i32
    %dma_wait3A_420 = tpu.memref_slice %arg6[%dma_wait3A_417, %dma_wait3A_418, %dma_wait3A_419] : memref<2x2048x16xf32, #tpu.memory_space<vmem>> -> memref<1x128x16xf32, #tpu.memory_space<vmem>>
    %dma_wait3A_421 = tpu.memref_squeeze %dma_wait3A_420 : memref<1x128x16xf32, #tpu.memory_space<vmem>> -> memref<128x16xf32, #tpu.memory_space<vmem>>
    %dma_wait3A_422 = arith.constant 0 : i32
    %dma_wait3A_423 = tpu.memref_slice %arg5[%dma_wait3A_416, %dma_wait3A_422] : memref<384x128xi32, #tpu.memory_space<vmem>> -> memref<1x128xi32, #tpu.memory_space<vmem>>
    %dma_wait3A_424 = tpu.memref_squeeze %dma_wait3A_423 : memref<1x128xi32, #tpu.memory_space<vmem>> -> memref<128xi32, #tpu.memory_space<vmem>>
    %dma_wait3A_425 = arith.constant 0 : i32
    %dma_wait3A_426 = arith.constant 0 : i32
    %dma_wait3A_427 = tpu.memref_slice %arg2[%dma_wait3A_425, %dma_wait3A_426] : memref<1572864x16xf32, #tpu.memory_space<hbm>> -> memref<1572864x16xf32, #tpu.memory_space<hbm>>
    tpu.wait_indirect_dma semaphore(%arg7 : memref<!tpu.dma_semaphore, #tpu.memory_space<semaphore_mem>>) src(%dma_wait3A_427 : memref<1572864x16xf32, #tpu.memory_space<hbm>>) dst(%dma_wait3A_421 : memref<128x16xf32, #tpu.memory_space<vmem>>)
    %dma_wait3A_428 = arith.constant 0 : i32
    %dma_wait3A_429 = arith.constant 0 : i32
    %dma_wait3A_430 = arith.constant 1920 : i32
    %dma_wait3A_431 = arith.constant 0 : i32
    %dma_wait3A_432 = tpu.memref_slice %arg6[%dma_wait3A_429, %dma_wait3A_430, %dma_wait3A_431] : memref<2x2048x16xf32, #tpu.memory_space<vmem>> -> memref<1x128x16xf32, #tpu.memory_space<vmem>>
    %dma_wait3A_433 = tpu.memref_squeeze %dma_wait3A_432 : memref<1x128x16xf32, #tpu.memory_space<vmem>> -> memref<128x16xf32, #tpu.memory_space<vmem>>
    %dma_wait3A_434 = arith.constant 0 : i32
    %dma_wait3A_435 = tpu.memref_slice %arg5[%dma_wait3A_428, %dma_wait3A_434] : memref<384x128xi32, #tpu.memory_space<vmem>> -> memref<1x128xi32, #tpu.memory_space<vmem>>
    %dma_wait3A_436 = tpu.memref_squeeze %dma_wait3A_435 : memref<1x128xi32, #tpu.memory_space<vmem>> -> memref<128xi32, #tpu.memory_space<vmem>>
    %dma_wait3A_437 = arith.constant 0 : i32
    %dma_wait3A_438 = arith.constant 0 : i32
    %dma_wait3A_439 = tpu.memref_slice %arg2[%dma_wait3A_437, %dma_wait3A_438] : memref<1572864x16xf32, #tpu.memory_space<hbm>> -> memref<1572864x16xf32, #tpu.memory_space<hbm>>
    tpu.wait_indirect_dma semaphore(%arg7 : memref<!tpu.dma_semaphore, #tpu.memory_space<semaphore_mem>>) src(%dma_wait3A_439 : memref<1572864x16xf32, #tpu.memory_space<hbm>>) dst(%dma_wait3A_433 : memref<128x16xf32, #tpu.memory_space<vmem>>)
    %dma_wait3A_440 = arith.constant 1 : i32
    %dma_wait3A_441 = arith.constant 0 : i32
    %dma_wait3A_442 = arith.constant 0 : i32
    %dma_wait3A_443 = tpu.memref_slice %arg6[%dma_wait3A_440, %dma_wait3A_441, %dma_wait3A_442] : memref<2x2048x16xf32, #tpu.memory_space<vmem>> -> memref<1x2048x16xf32, #tpu.memory_space<vmem>>
    %dma_wait3A_444 = tpu.memref_squeeze %dma_wait3A_443 : memref<1x2048x16xf32, #tpu.memory_space<vmem>> -> memref<2048x16xf32, #tpu.memory_space<vmem>>
    %dma_wait3A_445 = arith.constant 0 : i32
    %dma_wait3A_446 = tpu.memref_slice %arg4[%mul3A_2, %dma_wait3A_445] : memref<1572864x16xf32, #tpu.memory_space<hbm>> -> memref<2048x16xf32, #tpu.memory_space<hbm>>
    %dma_wait3A_447 = arith.constant 0 : i32
    %dma_wait3A_448 = tpu.memref_slice %arg4[%mul3A_2, %dma_wait3A_447] : memref<1572864x16xf32, #tpu.memory_space<hbm>> -> memref<2048x16xf32, #tpu.memory_space<hbm>>
    %dma_wait3A_449 = arith.constant 0 : i32
    %dma_wait3A_450 = arith.constant 0 : i32
    %dma_wait3A_451 = tpu.memref_slice %arg6[%dma_wait3A_440, %dma_wait3A_449, %dma_wait3A_450] : memref<2x2048x16xf32, #tpu.memory_space<vmem>> -> memref<1x2048x16xf32, #tpu.memory_space<vmem>>
    %dma_wait3A_452 = tpu.memref_squeeze %dma_wait3A_451 : memref<1x2048x16xf32, #tpu.memory_space<vmem>> -> memref<2048x16xf32, #tpu.memory_space<vmem>>
    tpu.wait_dma2 semaphore(%arg8 : memref<!tpu.dma_semaphore, #tpu.memory_space<semaphore_mem>>) src(%dma_wait3A_452 : memref<2048x16xf32, #tpu.memory_space<vmem>>) dst(%dma_wait3A_448 : memref<2048x16xf32, #tpu.memory_space<hbm>>)
    return
  }
}

</mosaic_0001>

<sc_bundles>
// kernel: kernel.3.cloned.1.call-start
scs
__scs_entry_jumppad:
0x0: {  	(pc) =	sbr.rel $0x88, $3  }
0x1: {  	(tag) =	ssettag $0x0;
	lr =	simm.s32 $0x1  }
0x2: {  	[smem:$0x3FA0] =	sst lr;
	_ =	strace $0xD0000000  }
0x3: {  	_ = 	snop  }
0x4: {  	_ = 	snop  }
0x5: {  	_ = 	snop  }
0x6: {  	_ = 	snop  }
0x7: {  	_ = 	snop  }
__scs_overlays_trampoline_lowered:
0x8: {  	[smem:$0x3FAF] =	sst s0  }
0x9: {  	[smem:$0x3FB0] =	sst s1  }
0xa: {  	[smem:$0x3FB1] =	sst s2  }
0xb: {  	[smem:$0x3FB2] =	sst s3  }
0xc: {  	[smem:$0x3FB3] =	sst s4  }
0xd: {  	[smem:$0x3FB4] =	sst s5  }
0xe: {  	[smem:$0x3FB5] =	sst s6  }
0xf: {  	[smem:$0x3FB6] =	sst s7  }
0x10: {  	[smem:$0x3FB7] =	sst s8  }
0x11: {  	[smem:$0x3FB8] =	sst s9;
	s0 =	simm.s32 @!p0 $0x0  }
0x12: {  	s1 =	sld [smem:$0x3F9E];
	s0 =	simm.s32 @p0 $0x1  }
0x13: {  	[smem:$0x3FB9] =	sst s0;
	s0 =	simm.s32 @!p1 $0x0  }
0x14: {  	s2 =	sld [smem:$0x3F9D];
	s0 =	simm.s32 @p1 $0x1  }
0x15: {  	[smem:$0x3FBA] =	sst s0;
	s0 =	simm.s32 @!p2 $0x0  }
0x16: {  	s3 =	sld [smem:$0x3FDB];
	s0 =	simm.s32 @p2 $0x1  }
0x17: {  	s4 =	simm.s32 $0x1BF5;
	[smem:$0x3FBC] =	sst s0  }
0x18: {  	s0 =	sld [smem:$0x3F9F];
	_ =	swait.ge [sflag:s4], $0x0  }
0x19: {  	s7 =	sld [smem:$0x3FA0]  }
0x1a: {  	s8 =	sadd.s32 $0xFFFFE003, lr  }
0x1b: {  	s9 =	sadd.s32 $0xFFFFFEF7, lr;
	s5 =	simm.s32 $0xFFFFFFFF;
	p2 =	slt.u32 s8, $0xFFFFF086  }
0x1c: {  	p1 =	slt.u32 s9, $0xF7A;
	s5 =	simm.s32 @!p2 $0x0  }
0x1d: {  	s5 =	simm.s32 @p1 $0x1;
	p0 =	seq.s32 s7, s2  }
0x1e: {  	s7 =	smul.u32 @!p0 $0xF7A, s2;
	p2 =	seq.s32 @!p0 s5, $0x0  }
0x1f: {  	s9 =	smul.u32 $0xF7A, s1;
	s8 =	simm.s32 @!p0 $0x1BF5;
	p2 =	por !p2, p0  }
0x20: {  	[sflag:s8] =	ssyncset.s32 @!p0 $0xFFFFF086;
	s6 =	sadd.s32 @!p0 s3, s7;
	s7 =	simm.s32 @!p0 $0x108  }
0x21: {  	s3 =	sadd.s32 s3, s9;
	s6 =	sadd.s32 @!p0 $0x88, s6;
	s7 =	simm.s32 @p2 $0x1082  }
0x22: {  	[simem:s7], [sflag:s8] =	dma.local @!p0 [hbm:s6], $0xF7A  }
0x23: {  	s9 =	sor.u32 $0xD0000000, s2;
	s6 =	simm.s32 $0x108;
	_ =	swait.ge @!p0 [sflag:s8], $0x0  }
0x24: {  	s3 =	sadd.s32 $0x88, s3;
	s6 =	simm.s32 @!p1 $0x1082;
	[sflag:s4] =	ssyncset.s32 $0xFFFFF086  }
0x25: {  	[simem:s6], [sflag:s4] =	dma.local [hbm:s3], $0xF7A  }
0x26: {  	[smem:$0x3FA0] =	sst s1;
	(tag) =	ssettag s2;
	_ =	strace s9  }
0x27: {  	s1 =	sld [smem:$0x3FB0]  }
0x28: {  	s2 =	sld [smem:$0x3FB1]  }
0x29: {  	s4 =	sld [smem:$0x3FB3]  }
0x2a: {  	p0 =	seq.s32 s5, $0x0;
	s5 =	sld [smem:$0x3FB4]  }
0x2b: {  	s6 =	sld [smem:$0x3FB5]  }
0x2c: {  	s7 =	sld [smem:$0x3FB6]  }
0x2d: {  	s3 =	simm.s32 $0x108;
	s8 =	sld [smem:$0x3FB7]  }
0x2e: {  	s3 =	simm.s32 @!p0 $0x1082;
	s9 =	sld [smem:$0x3FB8]  }
0x2f: {  	lr =	sadd.s32 s0, s3;
	s0 =	sld [smem:$0x3FAF]  }
0x30: {  	s3 =	sld [smem:$0x3FB2]  }
0x31: {  	[smem:$0x3FBB] =	sst s10  }
0x32: {  	s10 =	sld [smem:$0x3FB9];
	_ =	sdelay $0x3  }
0x33: {  	p0 =	seq.s32 s10, $0x1;
	s10 =	sld [smem:$0x3FBB];
	_ =	sdelay $0x3  }
0x34: {  	[smem:$0x3FBB] =	sst s10  }
0x35: {  	s10 =	sld [smem:$0x3FBA];
	_ =	sdelay $0x3  }
0x36: {  	p1 =	seq.s32 s10, $0x1;
	s10 =	sld [smem:$0x3FBB];
	_ =	sdelay $0x3  }
0x37: {  	[smem:$0x3FBB] =	sst s10  }
0x38: {  	s10 =	sld [smem:$0x3FBC]  }
0x39: {  	_ = 	snop;
	(pc) =	sbr.ind lr, $3  }
0x3a: {  	_ = 	snop  }
0x3b: {  	_ = 	snop  }
0x3c: {  	p2 =	seq.s32 s10, $0x1;
	s10 =	sld [smem:$0x3FBB]  }
0x3d: {  	_ =	shalt  }
0x3e: {  	_ =	shalt  }
0x3f: {  	_ =	shalt  }
0x40: {  	_ =	shalt  }
0x41: {  	_ =	shalt  }
0x42: {  	_ =	shalt  }
0x43: {  	_ =	shalt  }
0x44: {  	_ =	shalt  }
0x45: {  	_ =	shalt  }
0x46: {  	_ =	shalt  }
0x47: {  	_ =	shalt  }
0x48: {  	_ =	shalt  }
0x49: {  	_ =	shalt  }
0x4a: {  	_ =	shalt  }
0x4b: {  	_ =	shalt  }
0x4c: {  	_ =	shalt  }
0x4d: {  	_ =	shalt  }
0x4e: {  	_ =	shalt  }
0x4f: {  	_ =	shalt  }
0x50: {  	_ =	shalt  }
0x51: {  	_ =	shalt  }
0x52: {  	_ =	shalt  }
0x53: {  	_ =	shalt  }
0x54: {  	_ =	shalt  }
0x55: {  	_ =	shalt  }
0x56: {  	_ =	shalt  }
0x57: {  	_ =	shalt  }
0x58: {  	_ =	shalt  }
0x59: {  	_ =	shalt  }
0x5a: {  	_ =	shalt  }
0x5b: {  	_ =	shalt  }
0x5c: {  	_ =	shalt  }
0x5d: {  	_ =	shalt  }
0x5e: {  	_ =	shalt  }
0x5f: {  	_ =	shalt  }
0x60: {  	_ =	shalt  }
0x61: {  	_ =	shalt  }
0x62: {  	_ =	shalt  }
0x63: {  	_ =	shalt  }
0x64: {  	_ =	shalt  }
0x65: {  	_ =	shalt  }
0x66: {  	_ =	shalt  }
0x67: {  	_ =	shalt  }
0x68: {  	_ =	shalt  }
0x69: {  	_ =	shalt  }
0x6a: {  	_ =	shalt  }
0x6b: {  	_ =	shalt  }
0x6c: {  	_ =	shalt  }
0x6d: {  	_ =	shalt  }
0x6e: {  	_ =	shalt  }
0x6f: {  	_ =	shalt  }
0x70: {  	_ =	shalt  }
0x71: {  	_ =	shalt  }
0x72: {  	_ =	shalt  }
0x73: {  	_ =	shalt  }
0x74: {  	_ =	shalt  }
0x75: {  	_ =	shalt  }
0x76: {  	_ =	shalt  }
0x77: {  	_ =	shalt  }
0x78: {  	_ =	shalt  }
0x79: {  	_ =	shalt  }
0x7a: {  	_ =	shalt  }
0x7b: {  	_ =	shalt  }
0x7c: {  	_ =	shalt  }
0x7d: {  	_ =	shalt  }
0x7e: {  	_ =	shalt  }
0x7f: {  	_ =	shalt  }
0x80: {  	_ =	shalt  }
0x81: {  	_ =	shalt  }
0x82: {  	_ =	shalt  }
0x83: {  	_ =	shalt  }
0x84: {  	_ =	shalt  }
0x85: {  	_ =	shalt  }
0x86: {  	_ =	shalt  }
0x87: {  	_ =	shalt  }
.Lfunc_end0:
.L_simem_size_0:
called_computation.1_lowered:
.L_overlay_start_0:
0x88: {  	s2 =	sld [smem:$0x3FD9]  }
0x89: {  	s3 =	sld [smem:$0x3FFE];
	_ =	sdelay $0x1  }
0x8a: {  	s1 =	srdreg.scid  }
0x8b: {  	s0 =	sand.u32 $0x1, s1  }
0x8c: {  	s17 =	sshll.u32 s0, $0xA;
	s2 =	sadd.s32 s3, s2  }
0x8d: {  	s2 =	sadd.s32 s2, s17  }
0x8e: {  	[smem:$0x3FC7] =	sst s2  }
0x8f: {  	_ = 	snop  }
0x90: {  	s2 =	sld [smem:$0x3FD0];
	(tm) =	ssettm $0x1  }
0x91: {  	s18 =	sld [smem:$0x3FFB];
	_ =	sdelay $0x3  }
0x92: {  	_ =	strace s18  }
0x93: {  	s3 =	sld [smem:$0x3FFC];
	_ =	sdelay $0x3  }
0x94: {  	_ =	strace s3  }
0x95: {  	s3 =	sld [smem:$0x3FFD];
	_ =	sdelay $0x3  }
0x96: {  	_ =	strace s3  }
0x97: {  	_ =	strace $0x8FFFFFFF  }
0x98: {  	s19 =	sld [smem:$0x3FDB];
	_ =	sdelay $0x1  }
0x99: {  	s4 =	simm.s32 $_scs_section_size  }
0x9a: {  	s5 =	simm.s32 $_size__tile_overlayer_lowered;
	s6 =	simm.s32 $_tile_overlayer_lowered  }
0x9b: {  	s22 =	simm.s32 $0x1BFF;
	s21 =	sshll.u32 s6, $0x1;
	s3 =	sadd.s32 s4, s19  }
0x9c: {  	s7 =	simm.s32 $0x0;
	s20 =	sshll.u32 s5, $0x1;
	s5 =	sadd.s32 s21, s3  }
0x9d: {  	[timem:s7], [sflag:s22] =	dma.local [hbm:s5], s20  }
0x9e: {  	_ =	swait.ge [sflag:s22], s20  }
0x9f: {  	s4 =	ssub.s32 $0x0, s20;
	[sflag:s22] =	ssyncset.done $0x0  }
0xa0: {  	[sflag:s22] =	ssyncadd.s32 s4;
	_ =	sdelay $0x1  }
0xa1: {  	s23 =	simm.s32 $0x1B8B  }
0xa2: {  	_ =	swait.ge [sflag:s23], $0x1  }
0xa3: {  	[sflag:s23] =	ssyncset.done $0x0  }
0xa4: {  	s25 =	simm.s32 $0x1B8E;
	s24 =	sld [smem:$0x3FFE];
	[sflag:s23] =	ssyncadd.s32 $0xFFFFFFFF  }
0xa5: {  	s26 =	simm.s32 $execute0_lowered;
	[smem:$0x3FD2] =	sst s25  }
0xa6: {  	s5 =	sshll.u32 s26, $0x1;
	_ =	strace $0x80000049;
	[dreg:$0x1] =	wrdreg $0xFFFFFFFF  }
0xa7: {  	s28 =	simm.s32 $_size_execute0_lowered;
	s3 =	sadd.s32 s3, s5;
	[dreg:$0x0] =	wrdreg $0x0  }
0xa8: {  	s5 =	sshll.u32 s28, $0x1;
	[dreg:$0x2] =	wrdreg s3  }
0xa9: {  	[dreg:$0x3] =	wrdreg s5  }
0xaa: {  	[dreg:$0x4] =	wrdreg $0xC0  }
0xab: {  	_ =	task [dreg:s7], $0x5FFFF  }
0xac: {  	[dreg:$0x1] =	wrdreg $0xFFFFFFFF  }
0xad: {  	[dreg:$0x0] =	wrdreg $0x60  }
0xae: {  	[dreg:$0x2] =	wrdreg s2  }
0xaf: {  	[dreg:$0x3] =	wrdreg s24  }
0xb0: {  	[dreg:$0x4] =	wrdreg $0x9  }
0xb1: {  	_ =	task.clear_ibuf [dreg:s7], $0x5FFFF;
	_ =	strace $0x90000049  }
0xb2: {  	s29 =	simm.s32 $0x9;
	_ =	strace $0x8000004B  }
0xb3: {  	_ =	swait.ge [sflag:s29], $0x1  }
0xb4: {  	[sflag:s29] =	ssyncadd.s32 $0xFFFFFFFF  }
0xb5: {  	_ =	strace $0x9000004B  }
0xb6: {  	_ =	sfence  }
0xb7: {  	s30 =	sld [smem:$0x0];
	_ =	sdelay $0x2  }
0xb8: {  	s31 =	sshll.u32 s1, $0xD;
	s1 =	sshrl.u32 s1, $0x2  }
0xb9: {  	s3 =	sand.u32 $0x4000, s31;
	s1 =	sadd.s32 s1, s30  }
0xba: {  	s0 =	sor.u32 s3, s0;
	s1 =	sshll.u32 s1, $0x11  }
0xbb: {  	s0 =	sor.u32 s1, s0  }
0xbc: {  	s0 =	sadd.s32 $0x8F2B, s0  }
0xbd: {  	[sflag:s0] =	ssyncadd.remote.s32 $0x1  }
0xbe: {  	_ =	sfence.sel $0xFFFF  }
0xbf: {  	[dreg:$0x0] =	wrdreg $0xFFFFFFFF;
	(pc) =	sbr.abs _section_cstart, $3  }
0xc0: {  	[dreg:$0x1] =	wrdreg $0xFFFFFFFF  }
0xc1: {  	_ =	task.clear_ibuf [dreg:s7], $0x2FFFF;
	_ =	strace $0x9FFFFFFF  }
0xc2: {  	(tm) =	ssettm $0x7FFFFFFF  }
0xc3: {  	_ =	shalt  }
tec
execute0_lowered:
.L_overlay_start_1:
0x0: {  	(tag) =	ssettag $0x1  }
0x1: {  	s2 =	rddreg [dreg:$0x0]  }
0x2: {  	s0 =	rddreg [dreg:$0x1];
	s3 =	simm.s32 $0x0  }
0x3: {  	s14 =	simm.s32 $0x14800;
	[smem:$0x7FF] =	sst s3  }
0x4: {  	s15 =	simm.s32 $0x15000;
	_ =	strace $0x8000004A;
	[dreg:$0x3] =	wrdreg s14  }
0x5: {  	s16 =	simm.s32 $0x15800;
	[dreg:$0x4] =	wrdreg s15  }
0x6: {  	s17 =	simm.s32 $0x16000;
	[dreg:$0x5] =	wrdreg s16  }
0x7: {  	s1 =	srdreg.scid;
	s18 =	simm.s32 $0x16800;
	[dreg:$0x6] =	wrdreg s17  }
0x8: {  	s5 =	stileid.u32;
	s19 =	simm.s32 $0x17000;
	[dreg:$0x7] =	wrdreg s18  }
0x9: {  	s20 =	simm.s32 $0x17800;
	s21 =	simm.s32 $0x18000;
	[dreg:$0x8] =	wrdreg s19  }
0xa: {  	s22 =	simm.s32 $0x18800;
	s23 =	simm.s32 $0x19000;
	[dreg:$0x9] =	wrdreg s20  }
0xb: {  	s24 =	simm.s32 $0x19800;
	s25 =	simm.s32 $0x1A000;
	[dreg:$0xa] =	wrdreg s21  }
0xc: {  	s26 =	simm.s32 $0x1A800;
	s28 =	simm.s32 $0x1B000;
	[dreg:$0xb] =	wrdreg s22  }
0xd: {  	s29 =	simm.s32 $0x1;
	s31 =	simm.s32 $0x2;
	[dreg:$0xc] =	wrdreg s23  }
0xe: {  	s1 =	sand.u32 $0x1, s1;
	s4 =	smul.u32 $0x180000, s5;
	[dreg:$0xd] =	wrdreg s24  }
0xf: {  	s5 =	sshll.u32 s5, $0x1;
	s8 =	sadd.s32 $0x30000, s0;
	[dreg:$0xe] =	wrdreg s25  }
0x10: {  	s6 =	smul.u32 $0xC0000, s1;
	s7 =	ssub.s32 $0x2, s1;
	[dreg:$0xf] =	wrdreg s26  }
0x11: {  	s1 =	sor.u32 s1, s5;
	[dreg:$0x10] =	wrdreg s28;
	s26 =	simm.s32 $0x14000  }
0x12: {  	s15 =	simm.s32 $0xD000;
	s17 =	simm.s32 $0xD800;
	s19 =	simm.s32 $0xE000  }
0x13: {  	s21 =	simm.s32 $0xE800;
	s23 =	simm.s32 $0xF000;
	s25 =	simm.s32 $0xF800  }
0x14: {  	s30 =	sshrl.u32 s7, $0x1;
	s1 =	smul.u32 $0x1800, s1;
	s4 =	sadd.s32 s6, s4  }
0x15: {  	s5 =	ssub.s32 s7, s30;
	s30 =	simm.s32 $0x1B800;
	s9 =	sor.u32 $0x8000, s4  }
0x16: {  	s0 =	sadd.s32 s0, s1;
	s10 =	sshrl.u32 s4, $0x3;
	[dreg:$0x11] =	wrdreg s30  }
0x17: {  	s12 =	smax.u32 s5, $0x1;
	[dreg:$0x12] =	wrdreg s0;
	s11 =	sshrl.u32 s9, $0x3  }
0x18: {  	[dreg:$0x13] =	wrdreg s12;
	s0 =	sadd.s32 s10, s8;
	s9 =	simm.s32 $0x80  }
0x19: {  	s10 =	simm.s32 $0xC000;
	[dreg:$0x14] =	wrdreg s0;
	s13 =	sadd.s32 s11, s8  }
0x1a: {  	s0 =	simm.s32 $0x0;
	[dreg:$0x15] =	wrdreg s13;
	s13 =	simm.s32 $0xC800  }
.LBB2_1:
0x1b: {  	[dreg:$0x16] =	wrdreg s0  }
0x1c: {  	s1 =	rddreg [dreg:$0x12];
	s22 =	simm.s32 $0x3  }
0x1d: {  	[tilespmem:s3], [sflag:$0x3] =	stream.linear.gather [hbm4b:s1+s3], $0xC000, $0x38;
	[tilespmem:$0x1C000] =	vst v63  }
0x1e: {  	_ =	swait.ge [sflag:s22], $0xC000  }
0x1f: {  	[sflag:s22] =	ssyncset.done $0x0  }
0x20: {  	[sflag:s22] =	ssyncadd.s32 $0xFFFF4000  }
0x21: {  	[tilespmem:s10], [sflag:$0x1] =	stream.indirect.gather [hbm4b:s2+s9], $0x10, s3, s9, $0xb8;
	[tilespmem:$0x1C000] =	vst v63  }
0x22: {  	s7 =	simm.s32 $0xC800  }
0x23: {  	[tilespmem:s7], [sflag:$0x1] =	stream.indirect.gather [hbm4b:s2+s9], $0x10, s9, s9, $0xb8;
	[tilespmem:$0x1C000] =	vst v63  }
0x24: {  	s24 =	simm.s32 $0x100;
	s8 =	simm.s32 $0xD000  }
0x25: {  	[tilespmem:s8], [sflag:$0x1] =	stream.indirect.gather [hbm4b:s2+s9], $0x10, s24, s9, $0xb8;
	[tilespmem:$0x1C000] =	vst v63  }
0x26: {  	s0 =	simm.s32 $0x180;
	s11 =	simm.s32 $0xD800  }
0x27: {  	[tilespmem:s11], [sflag:$0x1] =	stream.indirect.gather [hbm4b:s2+s9], $0x10, s0, s9, $0xb8;
	[tilespmem:$0x1C000] =	vst v63  }
0x28: {  	s4 =	simm.s32 $0x200;
	s14 =	simm.s32 $0xE000  }
0x29: {  	[tilespmem:s14], [sflag:$0x1] =	stream.indirect.gather [hbm4b:s2+s9], $0x10, s4, s9, $0xb8;
	[tilespmem:$0x1C000] =	vst v63  }
0x2a: {  	s5 =	simm.s32 $0x280;
	s18 =	simm.s32 $0xE800  }
0x2b: {  	[tilespmem:s18], [sflag:$0x1] =	stream.indirect.gather [hbm4b:s2+s9], $0x10, s5, s9, $0xb8;
	[tilespmem:$0x1C000] =	vst v63  }
0x2c: {  	s6 =	simm.s32 $0x300;
	s22 =	simm.s32 $0xF000  }
0x2d: {  	[tilespmem:s22], [sflag:$0x1] =	stream.indirect.gather [hbm4b:s2+s9], $0x10, s6, s9, $0xb8;
	[tilespmem:$0x1C000] =	vst v63  }
0x2e: {  	s12 =	simm.s32 $0x380;
	s28 =	simm.s32 $0xF800  }
0x2f: {  	[tilespmem:s28], [sflag:$0x1] =	stream.indirect.gather [hbm4b:s2+s9], $0x10, s12, s9, $0xb8;
	[tilespmem:$0x1C000] =	vst v63  }
0x30: {  	s16 =	simm.s32 $0x400;
	s30 =	simm.s32 $0x10000  }
0x31: {  	[tilespmem:s30], [sflag:$0x1] =	stream.indirect.gather [hbm4b:s2+s9], $0x10, s16, s9, $0xb8;
	[tilespmem:$0x1C000] =	vst v63  }
0x32: {  	s20 =	simm.s32 $0x480;
	s24 =	simm.s32 $0x10800  }
0x33: {  	[tilespmem:s24], [sflag:$0x1] =	stream.indirect.gather [hbm4b:s2+s9], $0x10, s20, s9, $0xb8;
	[tilespmem:$0x1C000] =	vst v63  }
0x34: {  	s0 =	simm.s32 $0x500;
	s12 =	simm.s32 $0x11000  }
0x35: {  	[tilespmem:s12], [sflag:$0x1] =	stream.indirect.gather [hbm4b:s2+s9], $0x10, s0, s9, $0xb8;
	[tilespmem:$0x1C000] =	vst v63  }
0x36: {  	s4 =	simm.s32 $0x580;
	s16 =	simm.s32 $0x11800  }
0x37: {  	[tilespmem:s16], [sflag:$0x1] =	stream.indirect.gather [hbm4b:s2+s9], $0x10, s4, s9, $0xb8;
	[tilespmem:$0x1C000] =	vst v63  }
0x38: {  	s5 =	simm.s32 $0x600;
	s20 =	simm.s32 $0x12000  }
0x39: {  	[tilespmem:s20], [sflag:$0x1] =	stream.indirect.gather [hbm4b:s2+s9], $0x10, s5, s9, $0xb8;
	[tilespmem:$0x1C000] =	vst v63  }
0x3a: {  	s6 =	simm.s32 $0x680;
	s24 =	simm.s32 $0x12800  }
0x3b: {  	[tilespmem:s24], [sflag:$0x1] =	stream.indirect.gather [hbm4b:s2+s9], $0x10, s6, s9, $0xb8;
	[tilespmem:$0x1C000] =	vst v63  }
0x3c: {  	p0 =	por $0x1, $0x1;
	s1 =	simm.s32 $0x700;
	s4 =	simm.s32 $0x13000  }
0x3d: {  	[tilespmem:s4], [sflag:$0x1] =	stream.indirect.gather [hbm4b:s2+s9], $0x10, s1, s9, $0xb8;
	[tilespmem:$0x1C000] =	vst v63  }
0x3e: {  	s5 =	simm.s32 $0x780;
	s6 =	simm.s32 $0x13800;
	s4 =	simm.s32 @!p0 $0x2  }
0x3f: {  	[tilespmem:s6], [sflag:$0x1] =	stream.indirect.gather [hbm4b:s2+s9], $0x10, s5, s9, $0xb8;
	[tilespmem:$0x1C000] =	vst v63  }
0x40: {  	_ =	swait.ge @!p0 [sflag:s4], $0x8000  }
0x41: {  	[sflag:s4] =	ssyncset.done @!p0 $0x0  }
0x42: {  	s0 =	simm.s32 $0x800;
	[sflag:s4] =	ssyncadd.s32 @!p0 $0xFFFF8000  }
0x43: {  	[tilespmem:s26], [sflag:$0x1] =	stream.indirect.gather [hbm4b:s2+s9], $0x10, s0, s9, $0xb8;
	[tilespmem:$0x1C000] =	vst v63  }
0x44: {  	s1 =	simm.s32 $0x880;
	s5 =	rddreg [dreg:$0x3]  }
0x45: {  	[tilespmem:s5], [sflag:$0x1] =	stream.indirect.gather [hbm4b:s2+s9], $0x10, s1, s9, $0xb8;
	[tilespmem:$0x1C000] =	vst v63  }
0x46: {  	s6 =	rddreg [dreg:$0x4];
	s5 =	simm.s32 $0x900  }
0x47: {  	[tilespmem:s6], [sflag:$0x1] =	stream.indirect.gather [hbm4b:s2+s9], $0x10, s5, s9, $0xb8;
	[tilespmem:$0x1C000] =	vst v63  }
0x48: {  	s0 =	rddreg [dreg:$0x5];
	s1 =	simm.s32 $0x980  }
0x49: {  	[tilespmem:s0], [sflag:$0x1] =	stream.indirect.gather [hbm4b:s2+s9], $0x10, s1, s9, $0xb8;
	[tilespmem:$0x1C000] =	vst v63  }
0x4a: {  	s6 =	rddreg [dreg:$0x6];
	s0 =	simm.s32 $0xA00  }
0x4b: {  	[tilespmem:s6], [sflag:$0x1] =	stream.indirect.gather [hbm4b:s2+s9], $0x10, s0, s9, $0xb8;
	[tilespmem:$0x1C000] =	vst v63  }
0x4c: {  	s1 =	rddreg [dreg:$0x7];
	s6 =	simm.s32 $0xA80  }
0x4d: {  	[tilespmem:s1], [sflag:$0x1] =	stream.indirect.gather [hbm4b:s2+s9], $0x10, s6, s9, $0xb8;
	[tilespmem:$0x1C000] =	vst v63  }
0x4e: {  	s0 =	rddreg [dreg:$0x8];
	s1 =	simm.s32 $0xB00  }
0x4f: {  	[tilespmem:s0], [sflag:$0x1] =	stream.indirect.gather [hbm4b:s2+s9], $0x10, s1, s9, $0xb8;
	[tilespmem:$0x1C000] =	vst v63  }
0x50: {  	s5 =	rddreg [dreg:$0x9];
	s0 =	simm.s32 $0xB80  }
0x51: {  	[tilespmem:s5], [sflag:$0x1] =	stream.indirect.gather [hbm4b:s2+s9], $0x10, s0, s9, $0xb8;
	[tilespmem:$0x1C000] =	vst v63  }
0x52: {  	s1 =	rddreg [dreg:$0xa];
	s5 =	simm.s32 $0xC00  }
0x53: {  	[tilespmem:s1], [sflag:$0x1] =	stream.indirect.gather [hbm4b:s2+s9], $0x10, s5, s9, $0xb8;
	[tilespmem:$0x1C000] =	vst v63  }
0x54: {  	s0 =	rddreg [dreg:$0xb];
	s1 =	simm.s32 $0xC80  }
0x55: {  	[tilespmem:s0], [sflag:$0x1] =	stream.indirect.gather [hbm4b:s2+s9], $0x10, s1, s9, $0xb8;
	[tilespmem:$0x1C000] =	vst v63  }
0x56: {  	s6 =	rddreg [dreg:$0xc];
	s0 =	simm.s32 $0xD00  }
0x57: {  	[tilespmem:s6], [sflag:$0x1] =	stream.indirect.gather [hbm4b:s2+s9], $0x10, s0, s9, $0xb8;
	[tilespmem:$0x1C000] =	vst v63  }
0x58: {  	s1 =	rddreg [dreg:$0xd];
	s6 =	simm.s32 $0xD80  }
0x59: {  	[tilespmem:s1], [sflag:$0x1] =	stream.indirect.gather [hbm4b:s2+s9], $0x10, s6, s9, $0xb8;
	[tilespmem:$0x1C000] =	vst v63  }
0x5a: {  	s0 =	rddreg [dreg:$0xe];
	s1 =	simm.s32 $0xE00  }
0x5b: {  	[tilespmem:s0], [sflag:$0x1] =	stream.indirect.gather [hbm4b:s2+s9], $0x10, s1, s9, $0xb8;
	[tilespmem:$0x1C000] =	vst v63  }
0x5c: {  	s5 =	rddreg [dreg:$0xf];
	s0 =	simm.s32 $0xE80  }
0x5d: {  	[tilespmem:s5], [sflag:$0x1] =	stream.indirect.gather [hbm4b:s2+s9], $0x10, s0, s9, $0xb8;
	[tilespmem:$0x1C000] =	vst v63  }
0x5e: {  	s1 =	rddreg [dreg:$0x10];
	s5 =	simm.s32 $0xF00  }
0x5f: {  	[tilespmem:s1], [sflag:$0x1] =	stream.indirect.gather [hbm4b:s2+s9], $0x10, s5, s9, $0xb8;
	[tilespmem:$0x1C000] =	vst v63  }
0x60: {  	s0 =	rddreg [dreg:$0x11];
	s1 =	simm.s32 $0xF80  }
0x61: {  	[tilespmem:s0], [sflag:$0x1] =	stream.indirect.gather [hbm4b:s2+s9], $0x10, s1, s9, $0xb8;
	[tilespmem:$0x1C000] =	vst v63  }
0x62: {  	_ =	swait.ge [sflag:s29], $0x800  }
0x63: {  	[sflag:s29] =	ssyncset.done $0x0  }
0x64: {  	[sflag:s29] =	ssyncadd.s32 $0xFFFFF800  }
0x65: {  	_ =	swait.ge [sflag:s29], $0x800  }
0x66: {  	[sflag:s29] =	ssyncset.done $0x0  }
0x67: {  	[sflag:s29] =	ssyncadd.s32 $0xFFFFF800  }
0x68: {  	_ =	swait.ge [sflag:s29], $0x800  }
0x69: {  	[sflag:s29] =	ssyncset.done $0x0  }
0x6a: {  	[sflag:s29] =	ssyncadd.s32 $0xFFFFF800  }
0x6b: {  	_ =	swait.ge [sflag:s29], $0x800  }
0x6c: {  	[sflag:s29] =	ssyncset.done $0x0  }
0x6d: {  	[sflag:s29] =	ssyncadd.s32 $0xFFFFF800  }
0x6e: {  	_ =	swait.ge [sflag:s29], $0x800  }
0x6f: {  	[sflag:s29] =	ssyncset.done $0x0  }
0x70: {  	[sflag:s29] =	ssyncadd.s32 $0xFFFFF800  }
0x71: {  	_ =	swait.ge [sflag:s29], $0x800  }
0x72: {  	[sflag:s29] =	ssyncset.done $0x0  }
0x73: {  	[sflag:s29] =	ssyncadd.s32 $0xFFFFF800  }
0x74: {  	_ =	swait.ge [sflag:s29], $0x800  }
0x75: {  	[sflag:s29] =	ssyncset.done $0x0  }
0x76: {  	[sflag:s29] =	ssyncadd.s32 $0xFFFFF800  }
0x77: {  	_ =	swait.ge [sflag:s29], $0x800  }
0x78: {  	[sflag:s29] =	ssyncset.done $0x0  }
0x79: {  	[sflag:s29] =	ssyncadd.s32 $0xFFFFF800  }
0x7a: {  	_ =	swait.ge [sflag:s29], $0x800  }
0x7b: {  	[sflag:s29] =	ssyncset.done $0x0  }
0x7c: {  	[sflag:s29] =	ssyncadd.s32 $0xFFFFF800  }
0x7d: {  	_ =	swait.ge [sflag:s29], $0x800  }
0x7e: {  	[sflag:s29] =	ssyncset.done $0x0  }
0x7f: {  	[sflag:s29] =	ssyncadd.s32 $0xFFFFF800  }
0x80: {  	_ =	swait.ge [sflag:s29], $0x800  }
0x81: {  	[sflag:s29] =	ssyncset.done $0x0  }
0x82: {  	[sflag:s29] =	ssyncadd.s32 $0xFFFFF800  }
0x83: {  	_ =	swait.ge [sflag:s29], $0x800  }
0x84: {  	[sflag:s29] =	ssyncset.done $0x0  }
0x85: {  	[sflag:s29] =	ssyncadd.s32 $0xFFFFF800  }
0x86: {  	_ =	swait.ge [sflag:s29], $0x800  }
0x87: {  	[sflag:s29] =	ssyncset.done $0x0  }
0x88: {  	[sflag:s29] =	ssyncadd.s32 $0xFFFFF800  }
0x89: {  	_ =	swait.ge [sflag:s29], $0x800  }
0x8a: {  	[sflag:s29] =	ssyncset.done $0x0  }
0x8b: {  	[sflag:s29] =	ssyncadd.s32 $0xFFFFF800  }
0x8c: {  	_ =	swait.ge [sflag:s29], $0x800  }
0x8d: {  	[sflag:s29] =	ssyncset.done $0x0  }
0x8e: {  	[sflag:s29] =	ssyncadd.s32 $0xFFFFF800  }
0x8f: {  	_ =	swait.ge [sflag:s29], $0x800  }
0x90: {  	[sflag:s29] =	ssyncset.done $0x0  }
0x91: {  	s1 =	rddreg [dreg:$0x14];
	[sflag:s29] =	ssyncadd.s32 $0xFFFFF800  }
0x92: {  	[hbm4b:s1+s3] =	stream.linear.scatter [tilespmem:s10], [sflag:$0x2], $0x8000, $0x38;
	[tilespmem:$0x1C000] =	vst v63  }
0x93: {  	s6 =	smin.u32 s3, $0x15;
	_ =	swait.ge [sflag:s31], $0x8000  }
0x94: {  	s4 =	sshll.u32 s6, $0xB;
	[sflag:s31] =	ssyncset.done $0x0  }
0x95: {  	s0 =	sadd.s32 $0x1000, s4;
	[sflag:s31] =	ssyncadd.s32 $0xFFFF8000  }
0x96: {  	[tilespmem:s10], [sflag:$0x1] =	stream.indirect.gather [hbm4b:s2+s9], $0x10, s0, s9, $0xb8;
	[tilespmem:$0x1C000] =	vst v63  }
0x97: {  	s6 =	sadd.s32 $0x1080, s4  }
0x98: {  	[tilespmem:s7], [sflag:$0x1] =	stream.indirect.gather [hbm4b:s2+s9], $0x10, s6, s9, $0xb8;
	[tilespmem:$0x1C000] =	vst v63  }
0x99: {  	s7 =	sadd.s32 $0x1100, s4  }
0x9a: {  	[tilespmem:s8], [sflag:$0x1] =	stream.indirect.gather [hbm4b:s2+s9], $0x10, s7, s9, $0xb8;
	[tilespmem:$0x1C000] =	vst v63  }
0x9b: {  	s0 =	sadd.s32 $0x1180, s4  }
0x9c: {  	[tilespmem:s11], [sflag:$0x1] =	stream.indirect.gather [hbm4b:s2+s9], $0x10, s0, s9, $0xb8;
	[tilespmem:$0x1C000] =	vst v63  }
0x9d: {  	s6 =	sadd.s32 $0x1200, s4  }
0x9e: {  	[tilespmem:s14], [sflag:$0x1] =	stream.indirect.gather [hbm4b:s2+s9], $0x10, s6, s9, $0xb8;
	[tilespmem:$0x1C000] =	vst v63  }
0x9f: {  	s7 =	sadd.s32 $0x1280, s4  }
0xa0: {  	[tilespmem:s18], [sflag:$0x1] =	stream.indirect.gather [hbm4b:s2+s9], $0x10, s7, s9, $0xb8;
	[tilespmem:$0x1C000] =	vst v63  }
0xa1: {  	s8 =	sadd.s32 $0x1300, s4  }
0xa2: {  	[tilespmem:s22], [sflag:$0x1] =	stream.indirect.gather [hbm4b:s2+s9], $0x10, s8, s9, $0xb8;
	[tilespmem:$0x1C000] =	vst v63  }
0xa3: {  	s11 =	sadd.s32 $0x1380, s4  }
0xa4: {  	[tilespmem:s28], [sflag:$0x1] =	stream.indirect.gather [hbm4b:s2+s9], $0x10, s11, s9, $0xb8;
	[tilespmem:$0x1C000] =	vst v63  }
0xa5: {  	s14 =	sadd.s32 $0x1400, s4  }
0xa6: {  	[tilespmem:s30], [sflag:$0x1] =	stream.indirect.gather [hbm4b:s2+s9], $0x10, s14, s9, $0xb8;
	[tilespmem:$0x1C000] =	vst v63  }
0xa7: {  	s18 =	sadd.s32 $0x1480, s4;
	s22 =	simm.s32 $0x10800  }
0xa8: {  	[tilespmem:s22], [sflag:$0x1] =	stream.indirect.gather [hbm4b:s2+s9], $0x10, s18, s9, $0xb8;
	[tilespmem:$0x1C000] =	vst v63  }
0xa9: {  	s6 =	sadd.s32 $0x1500, s4  }
0xaa: {  	[tilespmem:s12], [sflag:$0x1] =	stream.indirect.gather [hbm4b:s2+s9], $0x10, s6, s9, $0xb8;
	[tilespmem:$0x1C000] =	vst v63  }
0xab: {  	s7 =	sadd.s32 $0x1580, s4  }
0xac: {  	[tilespmem:s16], [sflag:$0x1] =	stream.indirect.gather [hbm4b:s2+s9], $0x10, s7, s9, $0xb8;
	[tilespmem:$0x1C000] =	vst v63  }
0xad: {  	s8 =	sadd.s32 $0x1600, s4  }
0xae: {  	[tilespmem:s20], [sflag:$0x1] =	stream.indirect.gather [hbm4b:s2+s9], $0x10, s8, s9, $0xb8;
	[tilespmem:$0x1C000] =	vst v63  }
0xaf: {  	s11 =	sadd.s32 $0x1680, s4  }
0xb0: {  	[tilespmem:s24], [sflag:$0x1] =	stream.indirect.gather [hbm4b:s2+s9], $0x10, s11, s9, $0xb8;
	[tilespmem:$0x1C000] =	vst v63  }
0xb1: {  	s14 =	sadd.s32 $0x1700, s4;
	s18 =	simm.s32 $0x13000  }
0xb2: {  	[tilespmem:s18], [sflag:$0x1] =	stream.indirect.gather [hbm4b:s2+s9], $0x10, s14, s9, $0xb8;
	[tilespmem:$0x1C000] =	vst v63  }
0xb3: {  	s4 =	sadd.s32 $0x1780, s4;
	s22 =	simm.s32 $0x13800  }
0xb4: {  	[tilespmem:s22], [sflag:$0x1] =	stream.indirect.gather [hbm4b:s2+s9], $0x10, s4, s9, $0xb8;
	[tilespmem:$0x1C000] =	vst v63  }
0xb5: {  	_ =	swait.ge [sflag:s29], $0x800  }
0xb6: {  	[sflag:s29] =	ssyncset.done $0x0  }
0xb7: {  	[sflag:s29] =	ssyncadd.s32 $0xFFFFF800  }
0xb8: {  	_ =	swait.ge [sflag:s29], $0x800  }
0xb9: {  	[sflag:s29] =	ssyncset.done $0x0  }
0xba: {  	[sflag:s29] =	ssyncadd.s32 $0xFFFFF800  }
0xbb: {  	_ =	swait.ge [sflag:s29], $0x800  }
0xbc: {  	[sflag:s29] =	ssyncset.done $0x0  }
0xbd: {  	[sflag:s29] =	ssyncadd.s32 $0xFFFFF800  }
0xbe: {  	_ =	swait.ge [sflag:s29], $0x800  }
0xbf: {  	[sflag:s29] =	ssyncset.done $0x0  }
0xc0: {  	[sflag:s29] =	ssyncadd.s32 $0xFFFFF800  }
0xc1: {  	_ =	swait.ge [sflag:s29], $0x800  }
0xc2: {  	[sflag:s29] =	ssyncset.done $0x0  }
0xc3: {  	[sflag:s29] =	ssyncadd.s32 $0xFFFFF800  }
0xc4: {  	_ =	swait.ge [sflag:s29], $0x800  }
0xc5: {  	[sflag:s29] =	ssyncset.done $0x0  }
0xc6: {  	[sflag:s29] =	ssyncadd.s32 $0xFFFFF800  }
0xc7: {  	_ =	swait.ge [sflag:s29], $0x800  }
0xc8: {  	[sflag:s29] =	ssyncset.done $0x0  }
0xc9: {  	[sflag:s29] =	ssyncadd.s32 $0xFFFFF800  }
0xca: {  	_ =	swait.ge [sflag:s29], $0x800  }
0xcb: {  	[sflag:s29] =	ssyncset.done $0x0  }
0xcc: {  	[sflag:s29] =	ssyncadd.s32 $0xFFFFF800  }
0xcd: {  	_ =	swait.ge [sflag:s29], $0x800  }
0xce: {  	[sflag:s29] =	ssyncset.done $0x0  }
0xcf: {  	[sflag:s29] =	ssyncadd.s32 $0xFFFFF800  }
0xd0: {  	_ =	swait.ge [sflag:s29], $0x800  }
0xd1: {  	[sflag:s29] =	ssyncset.done $0x0  }
0xd2: {  	[sflag:s29] =	ssyncadd.s32 $0xFFFFF800  }
0xd3: {  	_ =	swait.ge [sflag:s29], $0x800  }
0xd4: {  	[sflag:s29] =	ssyncset.done $0x0  }
0xd5: {  	[sflag:s29] =	ssyncadd.s32 $0xFFFFF800  }
0xd6: {  	_ =	swait.ge [sflag:s29], $0x800  }
0xd7: {  	[sflag:s29] =	ssyncset.done $0x0  }
0xd8: {  	[sflag:s29] =	ssyncadd.s32 $0xFFFFF800  }
0xd9: {  	_ =	swait.ge [sflag:s29], $0x800  }
0xda: {  	[sflag:s29] =	ssyncset.done $0x0  }
0xdb: {  	[sflag:s29] =	ssyncadd.s32 $0xFFFFF800  }
0xdc: {  	_ =	swait.ge [sflag:s29], $0x800  }
0xdd: {  	[sflag:s29] =	ssyncset.done $0x0  }
0xde: {  	p1 =	por $0x0, $0x0;
	[sflag:s29] =	ssyncadd.s32 $0xFFFFF800  }
0xdf: {  	s5 =	simm.s32 $0x8000;
	s0 =	simm.s32 $0x11000;
	_ =	swait.ge [sflag:s29], $0x800  }
0xe0: {  	s28 =	simm.s32 $0x10000;
	s30 =	simm.s32 $0x10800;
	[sflag:s29] =	ssyncset.done $0x0  }
0xe1: {  	s12 =	simm.s32 $0x11800;
	s16 =	simm.s32 $0x12000;
	[sflag:s29] =	ssyncadd.s32 $0xFFFFF800  }
0xe2: {  	s20 =	simm.s32 $0x12800;
	s24 =	simm.s32 $0x13000;
	_ =	swait.ge [sflag:s29], $0x800  }
0xe3: {  	s18 =	simm.s32 $0x2;
	s4 =	simm.s32 $0x4000;
	s7 =	rddreg [dreg:$0x15]  }
0xe4: {  	s22 =	sadd.s32 $0x2000, s1;
	[sflag:s29] =	ssyncset.done $0x0;
	s14 =	sadd.s32 $0x2000, s7  }
.LBB2_2:
0xe5: {  	s8 =	simm.s32 @!p1 $0x2;
	[sflag:s29] =	ssyncadd.s32 $0xFFFFF800  }
0xe6: {  	[hbm4b:s7+s3] =	stream.linear.scatter [tilespmem:s26], [sflag:$0x2], $0x8000, $0x38;
	[tilespmem:$0x1C000] =	vst v63  }
0xe7: {  	_ =	swait.ge @!p1 [sflag:s8], $0x8000  }
0xe8: {  	s6 =	sshra.s32 s4, $0x2;
	[sflag:s8] =	ssyncset.done @!p1 $0x0  }
0xe9: {  	s1 =	smov.u32 s5;
	s11 =	sadd.s32 $0x800, s6;
	[sflag:s8] =	ssyncadd.s32 @!p1 $0xFFFF8000  }
0xea: {  	[tilespmem:s26], [sflag:$0x1] =	stream.indirect.gather [hbm4b:s2+s9], $0x10, s11, s9, $0xb8;
	[tilespmem:$0x1C000] =	vst v63  }
0xeb: {  	s4 =	smov.u32 s1;
	s1 =	sadd.s32 $0x880, s6;
	s8 =	rddreg [dreg:$0x3]  }
0xec: {  	[tilespmem:s8], [sflag:$0x1] =	stream.indirect.gather [hbm4b:s2+s9], $0x10, s1, s9, $0xb8;
	[tilespmem:$0x1C000] =	vst v63  }
0xed: {  	s11 =	rddreg [dreg:$0x4];
	s1 =	sadd.s32 $0x900, s6  }
0xee: {  	[tilespmem:s11], [sflag:$0x1] =	stream.indirect.gather [hbm4b:s2+s9], $0x10, s1, s9, $0xb8;
	[tilespmem:$0x1C000] =	vst v63  }
0xef: {  	s8 =	rddreg [dreg:$0x5];
	s1 =	sadd.s32 $0x980, s6  }
0xf0: {  	[tilespmem:s8], [sflag:$0x1] =	stream.indirect.gather [hbm4b:s2+s9], $0x10, s1, s9, $0xb8;
	[tilespmem:$0x1C000] =	vst v63  }
0xf1: {  	s11 =	rddreg [dreg:$0x6];
	s1 =	sadd.s32 $0xA00, s6  }
0xf2: {  	[tilespmem:s11], [sflag:$0x1] =	stream.indirect.gather [hbm4b:s2+s9], $0x10, s1, s9, $0xb8;
	[tilespmem:$0x1C000] =	vst v63  }
0xf3: {  	s8 =	rddreg [dreg:$0x7];
	s1 =	sadd.s32 $0xA80, s6  }
0xf4: {  	[tilespmem:s8], [sflag:$0x1] =	stream.indirect.gather [hbm4b:s2+s9], $0x10, s1, s9, $0xb8;
	[tilespmem:$0x1C000] =	vst v63  }
0xf5: {  	s11 =	rddreg [dreg:$0x8];
	s1 =	sadd.s32 $0xB00, s6  }
0xf6: {  	[tilespmem:s11], [sflag:$0x1] =	stream.indirect.gather [hbm4b:s2+s9], $0x10, s1, s9, $0xb8;
	[tilespmem:$0x1C000] =	vst v63  }
0xf7: {  	s8 =	rddreg [dreg:$0x9];
	s1 =	sadd.s32 $0xB80, s6  }
0xf8: {  	[tilespmem:s8], [sflag:$0x1] =	stream.indirect.gather [hbm4b:s2+s9], $0x10, s1, s9, $0xb8;
	[tilespmem:$0x1C000] =	vst v63  }
0xf9: {  	s11 =	rddreg [dreg:$0xa];
	s1 =	sadd.s32 $0xC00, s6  }
0xfa: {  	[tilespmem:s11], [sflag:$0x1] =	stream.indirect.gather [hbm4b:s2+s9], $0x10, s1, s9, $0xb8;
	[tilespmem:$0x1C000] =	vst v63  }
0xfb: {  	s8 =	rddreg [dreg:$0xb];
	s1 =	sadd.s32 $0xC80, s6  }
0xfc: {  	[tilespmem:s8], [sflag:$0x1] =	stream.indirect.gather [hbm4b:s2+s9], $0x10, s1, s9, $0xb8;
	[tilespmem:$0x1C000] =	vst v63  }
0xfd: {  	s11 =	rddreg [dreg:$0xc];
	s1 =	sadd.s32 $0xD00, s6  }
0xfe: {  	[tilespmem:s11], [sflag:$0x1] =	stream.indirect.gather [hbm4b:s2+s9], $0x10, s1, s9, $0xb8;
	[tilespmem:$0x1C000] =	vst v63  }
0xff: {  	s8 =	rddreg [dreg:$0xd];
	s1 =	sadd.s32 $0xD80, s6  }
0x100: {  	[tilespmem:s8], [sflag:$0x1] =	stream.indirect.gather [hbm4b:s2+s9], $0x10, s1, s9, $0xb8;
	[tilespmem:$0x1C000] =	vst v63  }
0x101: {  	s11 =	rddreg [dreg:$0xe];
	s1 =	sadd.s32 $0xE00, s6  }
0x102: {  	[tilespmem:s11], [sflag:$0x1] =	stream.indirect.gather [hbm4b:s2+s9], $0x10, s1, s9, $0xb8;
	[tilespmem:$0x1C000] =	vst v63  }
0x103: {  	s8 =	rddreg [dreg:$0xf];
	s1 =	sadd.s32 $0xE80, s6  }
0x104: {  	[tilespmem:s8], [sflag:$0x1] =	stream.indirect.gather [hbm4b:s2+s9], $0x10, s1, s9, $0xb8;
	[tilespmem:$0x1C000] =	vst v63  }
0x105: {  	s11 =	rddreg [dreg:$0x10];
	s1 =	sadd.s32 $0xF00, s6  }
0x106: {  	[tilespmem:s11], [sflag:$0x1] =	stream.indirect.gather [hbm4b:s2+s9], $0x10, s1, s9, $0xb8;
	[tilespmem:$0x1C000] =	vst v63  }
0x107: {  	s8 =	rddreg [dreg:$0x11];
	s11 =	sadd.s32 $0xF80, s6  }
0x108: {  	[tilespmem:s8], [sflag:$0x1] =	stream.indirect.gather [hbm4b:s2+s9], $0x10, s11, s9, $0xb8;
	[tilespmem:$0x1C000] =	vst v63  }
0x109: {  	_ =	swait.ge [sflag:s29], $0x800  }
0x10a: {  	[sflag:s29] =	ssyncset.done $0x0  }
0x10b: {  	[sflag:s29] =	ssyncadd.s32 $0xFFFFF800  }
0x10c: {  	_ =	swait.ge [sflag:s29], $0x800  }
0x10d: {  	[sflag:s29] =	ssyncset.done $0x0  }
0x10e: {  	[sflag:s29] =	ssyncadd.s32 $0xFFFFF800  }
0x10f: {  	_ =	swait.ge [sflag:s29], $0x800  }
0x110: {  	[sflag:s29] =	ssyncset.done $0x0  }
0x111: {  	[sflag:s29] =	ssyncadd.s32 $0xFFFFF800  }
0x112: {  	_ =	swait.ge [sflag:s29], $0x800  }
0x113: {  	[sflag:s29] =	ssyncset.done $0x0  }
0x114: {  	[sflag:s29] =	ssyncadd.s32 $0xFFFFF800  }
0x115: {  	_ =	swait.ge [sflag:s29], $0x800  }
0x116: {  	[sflag:s29] =	ssyncset.done $0x0  }
0x117: {  	[sflag:s29] =	ssyncadd.s32 $0xFFFFF800  }
0x118: {  	_ =	swait.ge [sflag:s29], $0x800  }
0x119: {  	[sflag:s29] =	ssyncset.done $0x0  }
0x11a: {  	[sflag:s29] =	ssyncadd.s32 $0xFFFFF800  }
0x11b: {  	_ =	swait.ge [sflag:s29], $0x800  }
0x11c: {  	[sflag:s29] =	ssyncset.done $0x0  }
0x11d: {  	[sflag:s29] =	ssyncadd.s32 $0xFFFFF800  }
0x11e: {  	_ =	swait.ge [sflag:s29], $0x800  }
0x11f: {  	[sflag:s29] =	ssyncset.done $0x0  }
0x120: {  	[sflag:s29] =	ssyncadd.s32 $0xFFFFF800  }
0x121: {  	_ =	swait.ge [sflag:s29], $0x800  }
0x122: {  	[sflag:s29] =	ssyncset.done $0x0  }
0x123: {  	[sflag:s29] =	ssyncadd.s32 $0xFFFFF800  }
0x124: {  	_ =	swait.ge [sflag:s29], $0x800  }
0x125: {  	[sflag:s29] =	ssyncset.done $0x0  }
0x126: {  	[sflag:s29] =	ssyncadd.s32 $0xFFFFF800  }
0x127: {  	_ =	swait.ge [sflag:s29], $0x800  }
0x128: {  	[sflag:s29] =	ssyncset.done $0x0  }
0x129: {  	[sflag:s29] =	ssyncadd.s32 $0xFFFFF800  }
0x12a: {  	_ =	swait.ge [sflag:s29], $0x800  }
0x12b: {  	[sflag:s29] =	ssyncset.done $0x0  }
0x12c: {  	[sflag:s29] =	ssyncadd.s32 $0xFFFFF800  }
0x12d: {  	_ =	swait.ge [sflag:s29], $0x800  }
0x12e: {  	[sflag:s29] =	ssyncset.done $0x0  }
0x12f: {  	[sflag:s29] =	ssyncadd.s32 $0xFFFFF800  }
0x130: {  	_ =	swait.ge [sflag:s29], $0x800  }
0x131: {  	[sflag:s29] =	ssyncset.done $0x0  }
0x132: {  	[sflag:s29] =	ssyncadd.s32 $0xFFFFF800  }
0x133: {  	_ =	swait.ge [sflag:s29], $0x800  }
0x134: {  	[sflag:s29] =	ssyncset.done $0x0  }
0x135: {  	[sflag:s29] =	ssyncadd.s32 $0xFFFFF800  }
0x136: {  	_ =	swait.ge [sflag:s29], $0x800  }
0x137: {  	[sflag:s29] =	ssyncset.done $0x0  }
0x138: {  	[sflag:s29] =	ssyncadd.s32 $0xFFFFF800  }
0x139: {  	[hbm4b:s22+s3] =	stream.linear.scatter [tilespmem:s10], [sflag:$0x2], $0x8000, $0x38;
	[tilespmem:$0x1C000] =	vst v63  }
0x13a: {  	s6 =	smin.u32 s18, $0x15;
	_ =	swait.ge [sflag:s31], $0x8000  }
0x13b: {  	s6 =	sshll.u32 s6, $0xB;
	[sflag:s31] =	ssyncset.done $0x0  }
0x13c: {  	s1 =	sadd.s32 $0x1000, s6;
	[sflag:s31] =	ssyncadd.s32 $0xFFFF8000  }
0x13d: {  	[tilespmem:s10], [sflag:$0x1] =	stream.indirect.gather [hbm4b:s2+s9], $0x10, s1, s9, $0xb8;
	[tilespmem:$0x1C000] =	vst v63  }
0x13e: {  	s8 =	sadd.s32 $0x1080, s6  }
0x13f: {  	[tilespmem:s13], [sflag:$0x1] =	stream.indirect.gather [hbm4b:s2+s9], $0x10, s8, s9, $0xb8;
	[tilespmem:$0x1C000] =	vst v63  }
0x140: {  	s11 =	sadd.s32 $0x1100, s6  }
0x141: {  	[tilespmem:s15], [sflag:$0x1] =	stream.indirect.gather [hbm4b:s2+s9], $0x10, s11, s9, $0xb8;
	[tilespmem:$0x1C000] =	vst v63  }
0x142: {  	s8 =	sadd.s32 $0x1180, s6  }
0x143: {  	[tilespmem:s17], [sflag:$0x1] =	stream.indirect.gather [hbm4b:s2+s9], $0x10, s8, s9, $0xb8;
	[tilespmem:$0x1C000] =	vst v63  }
0x144: {  	s11 =	sadd.s32 $0x1200, s6  }
0x145: {  	[tilespmem:s19], [sflag:$0x1] =	stream.indirect.gather [hbm4b:s2+s9], $0x10, s11, s9, $0xb8;
	[tilespmem:$0x1C000] =	vst v63  }
0x146: {  	s8 =	sadd.s32 $0x1280, s6  }
0x147: {  	[tilespmem:s21], [sflag:$0x1] =	stream.indirect.gather [hbm4b:s2+s9], $0x10, s8, s9, $0xb8;
	[tilespmem:$0x1C000] =	vst v63  }
0x148: {  	s11 =	sadd.s32 $0x1300, s6  }
0x149: {  	[tilespmem:s23], [sflag:$0x1] =	stream.indirect.gather [hbm4b:s2+s9], $0x10, s11, s9, $0xb8;
	[tilespmem:$0x1C000] =	vst v63  }
0x14a: {  	s8 =	sadd.s32 $0x1380, s6  }
0x14b: {  	[tilespmem:s25], [sflag:$0x1] =	stream.indirect.gather [hbm4b:s2+s9], $0x10, s8, s9, $0xb8;
	[tilespmem:$0x1C000] =	vst v63  }
0x14c: {  	s11 =	sadd.s32 $0x1400, s6  }
0x14d: {  	[tilespmem:s28], [sflag:$0x1] =	stream.indirect.gather [hbm4b:s2+s9], $0x10, s11, s9, $0xb8;
	[tilespmem:$0x1C000] =	vst v63  }
0x14e: {  	s8 =	sadd.s32 $0x1480, s6  }
0x14f: {  	[tilespmem:s30], [sflag:$0x1] =	stream.indirect.gather [hbm4b:s2+s9], $0x10, s8, s9, $0xb8;
	[tilespmem:$0x1C000] =	vst v63  }
0x150: {  	s11 =	sadd.s32 $0x1500, s6  }
0x151: {  	[tilespmem:s0], [sflag:$0x1] =	stream.indirect.gather [hbm4b:s2+s9], $0x10, s11, s9, $0xb8;
	[tilespmem:$0x1C000] =	vst v63  }
0x152: {  	s8 =	sadd.s32 $0x1580, s6  }
0x153: {  	[tilespmem:s12], [sflag:$0x1] =	stream.indirect.gather [hbm4b:s2+s9], $0x10, s8, s9, $0xb8;
	[tilespmem:$0x1C000] =	vst v63  }
0x154: {  	s11 =	sadd.s32 $0x1600, s6  }
0x155: {  	[tilespmem:s16], [sflag:$0x1] =	stream.indirect.gather [hbm4b:s2+s9], $0x10, s11, s9, $0xb8;
	[tilespmem:$0x1C000] =	vst v63  }
0x156: {  	s8 =	sadd.s32 $0x1680, s6  }
0x157: {  	[tilespmem:s20], [sflag:$0x1] =	stream.indirect.gather [hbm4b:s2+s9], $0x10, s8, s9, $0xb8;
	[tilespmem:$0x1C000] =	vst v63  }
0x158: {  	s11 =	sadd.s32 $0x1700, s6  }
0x159: {  	[tilespmem:s24], [sflag:$0x1] =	stream.indirect.gather [hbm4b:s2+s9], $0x10, s11, s9, $0xb8;
	[tilespmem:$0x1C000] =	vst v63  }
0x15a: {  	s8 =	sadd.s32 $0x1780, s6;
	s11 =	simm.s32 $0x13800  }
0x15b: {  	[tilespmem:s11], [sflag:$0x1] =	stream.indirect.gather [hbm4b:s2+s9], $0x10, s8, s9, $0xb8;
	[tilespmem:$0x1C000] =	vst v63  }
0x15c: {  	_ =	swait.ge [sflag:s29], $0x800  }
0x15d: {  	[sflag:s29] =	ssyncset.done $0x0  }
0x15e: {  	[sflag:s29] =	ssyncadd.s32 $0xFFFFF800  }
0x15f: {  	_ =	swait.ge [sflag:s29], $0x800  }
0x160: {  	[sflag:s29] =	ssyncset.done $0x0  }
0x161: {  	[sflag:s29] =	ssyncadd.s32 $0xFFFFF800  }
0x162: {  	_ =	swait.ge [sflag:s29], $0x800  }
0x163: {  	[sflag:s29] =	ssyncset.done $0x0  }
0x164: {  	[sflag:s29] =	ssyncadd.s32 $0xFFFFF800  }
0x165: {  	_ =	swait.ge [sflag:s29], $0x800  }
0x166: {  	[sflag:s29] =	ssyncset.done $0x0  }
0x167: {  	[sflag:s29] =	ssyncadd.s32 $0xFFFFF800  }
0x168: {  	_ =	swait.ge [sflag:s29], $0x800  }
0x169: {  	[sflag:s29] =	ssyncset.done $0x0  }
0x16a: {  	[sflag:s29] =	ssyncadd.s32 $0xFFFFF800  }
0x16b: {  	_ =	swait.ge [sflag:s29], $0x800  }
0x16c: {  	[sflag:s29] =	ssyncset.done $0x0  }
0x16d: {  	[sflag:s29] =	ssyncadd.s32 $0xFFFFF800  }
0x16e: {  	_ =	swait.ge [sflag:s29], $0x800  }
0x16f: {  	[sflag:s29] =	ssyncset.done $0x0  }
0x170: {  	[sflag:s29] =	ssyncadd.s32 $0xFFFFF800  }
0x171: {  	_ =	swait.ge [sflag:s29], $0x800  }
0x172: {  	[sflag:s29] =	ssyncset.done $0x0  }
0x173: {  	[sflag:s29] =	ssyncadd.s32 $0xFFFFF800  }
0x174: {  	_ =	swait.ge [sflag:s29], $0x800  }
0x175: {  	[sflag:s29] =	ssyncset.done $0x0  }
0x176: {  	[sflag:s29] =	ssyncadd.s32 $0xFFFFF800  }
0x177: {  	_ =	swait.ge [sflag:s29], $0x800  }
0x178: {  	[sflag:s29] =	ssyncset.done $0x0  }
0x179: {  	[sflag:s29] =	ssyncadd.s32 $0xFFFFF800  }
0x17a: {  	_ =	swait.ge [sflag:s29], $0x800  }
0x17b: {  	[sflag:s29] =	ssyncset.done $0x0  }
0x17c: {  	[sflag:s29] =	ssyncadd.s32 $0xFFFFF800  }
0x17d: {  	_ =	swait.ge [sflag:s29], $0x800  }
0x17e: {  	[sflag:s29] =	ssyncset.done $0x0  }
0x17f: {  	[sflag:s29] =	ssyncadd.s32 $0xFFFFF800  }
0x180: {  	_ =	swait.ge [sflag:s29], $0x800  }
0x181: {  	[sflag:s29] =	ssyncset.done $0x0  }
0x182: {  	[sflag:s29] =	ssyncadd.s32 $0xFFFFF800  }
0x183: {  	_ =	swait.ge [sflag:s29], $0x800  }
0x184: {  	s5 =	sadd.s32 $0x4000, s5;
	[sflag:s29] =	ssyncset.done $0x0  }
0x185: {  	p0 =	sne.s32 s5, $0x30000;
	[sflag:s29] =	ssyncadd.s32 $0xFFFFF800  }
.Ltmp0:
0x186: {  	_ =	swait.ge [sflag:s29], $0x800;
	(pc) =	sbr.rel @p0 .LBB2_2-.Ltmp0, $4  }
0x187: {  	[sflag:s29] =	ssyncset.done $0x0  }
0x188: {  	s7 =	smov.u32 s14;
	[sflag:s29] =	ssyncadd.s32 $0xFFFFF800  }
0x189: {  	s14 =	sadd.s32 $0x2000, s14;
	p1 =	seq.s32 s4, $0x0;
	_ =	swait.ge [sflag:s29], $0x800  }
0x18a: {  	s18 =	sadd.s32 $0x2, s18;
	s22 =	sadd.s32 $0x2000, s22;
	[sflag:s29] =	ssyncset.done $0x0  }
0x18b: {  	s1 =	simm.s32 @!p1 $0x2;
	[sflag:s29] =	ssyncadd.s32 $0xFFFFF800  }
0x18c: {  	[hbm4b:s7+s3] =	stream.linear.scatter [tilespmem:s26], [sflag:$0x2], $0x8000, $0x38;
	[tilespmem:$0x1C000] =	vst v63  }
0x18d: {  	_ =	swait.ge @!p1 [sflag:s1], $0x8000  }
0x18e: {  	s4 =	sshra.s32 s4, $0x2;
	[sflag:s1] =	ssyncset.done @!p1 $0x0  }
0x18f: {  	s8 =	sadd.s32 $0x800, s4;
	[sflag:s1] =	ssyncadd.s32 @!p1 $0xFFFF8000  }
0x190: {  	[tilespmem:s26], [sflag:$0x1] =	stream.indirect.gather [hbm4b:s2+s9], $0x10, s8, s9, $0xb8;
	[tilespmem:$0x1C000] =	vst v63  }
0x191: {  	s11 =	sadd.s32 $0x880, s4;
	s5 =	rddreg [dreg:$0x3]  }
0x192: {  	[tilespmem:s5], [sflag:$0x1] =	stream.indirect.gather [hbm4b:s2+s9], $0x10, s11, s9, $0xb8;
	[tilespmem:$0x1C000] =	vst v63  }
0x193: {  	s6 =	rddreg [dreg:$0x4];
	s5 =	sadd.s32 $0x900, s4  }
0x194: {  	[tilespmem:s6], [sflag:$0x1] =	stream.indirect.gather [hbm4b:s2+s9], $0x10, s5, s9, $0xb8;
	[tilespmem:$0x1C000] =	vst v63  }
0x195: {  	s7 =	rddreg [dreg:$0x5];
	s8 =	sadd.s32 $0x980, s4  }
0x196: {  	[tilespmem:s7], [sflag:$0x1] =	stream.indirect.gather [hbm4b:s2+s9], $0x10, s8, s9, $0xb8;
	[tilespmem:$0x1C000] =	vst v63  }
0x197: {  	s11 =	rddreg [dreg:$0x6];
	s5 =	sadd.s32 $0xA00, s4  }
0x198: {  	[tilespmem:s11], [sflag:$0x1] =	stream.indirect.gather [hbm4b:s2+s9], $0x10, s5, s9, $0xb8;
	[tilespmem:$0x1C000] =	vst v63  }
0x199: {  	s7 =	rddreg [dreg:$0x7];
	s8 =	sadd.s32 $0xA80, s4  }
0x19a: {  	[tilespmem:s7], [sflag:$0x1] =	stream.indirect.gather [hbm4b:s2+s9], $0x10, s8, s9, $0xb8;
	[tilespmem:$0x1C000] =	vst v63  }
0x19b: {  	s11 =	rddreg [dreg:$0x8];
	s5 =	sadd.s32 $0xB00, s4  }
0x19c: {  	[tilespmem:s11], [sflag:$0x1] =	stream.indirect.gather [hbm4b:s2+s9], $0x10, s5, s9, $0xb8;
	[tilespmem:$0x1C000] =	vst v63  }
0x19d: {  	s7 =	rddreg [dreg:$0x9];
	s8 =	sadd.s32 $0xB80, s4  }
0x19e: {  	[tilespmem:s7], [sflag:$0x1] =	stream.indirect.gather [hbm4b:s2+s9], $0x10, s8, s9, $0xb8;
	[tilespmem:$0x1C000] =	vst v63  }
0x19f: {  	s11 =	rddreg [dreg:$0xa];
	s5 =	sadd.s32 $0xC00, s4  }
0x1a0: {  	[tilespmem:s11], [sflag:$0x1] =	stream.indirect.gather [hbm4b:s2+s9], $0x10, s5, s9, $0xb8;
	[tilespmem:$0x1C000] =	vst v63  }
0x1a1: {  	s7 =	rddreg [dreg:$0xb];
	s8 =	sadd.s32 $0xC80, s4  }
0x1a2: {  	[tilespmem:s7], [sflag:$0x1] =	stream.indirect.gather [hbm4b:s2+s9], $0x10, s8, s9, $0xb8;
	[tilespmem:$0x1C000] =	vst v63  }
0x1a3: {  	s11 =	rddreg [dreg:$0xc];
	s5 =	sadd.s32 $0xD00, s4  }
0x1a4: {  	[tilespmem:s11], [sflag:$0x1] =	stream.indirect.gather [hbm4b:s2+s9], $0x10, s5, s9, $0xb8;
	[tilespmem:$0x1C000] =	vst v63  }
0x1a5: {  	s7 =	rddreg [dreg:$0xd];
	s8 =	sadd.s32 $0xD80, s4  }
0x1a6: {  	[tilespmem:s7], [sflag:$0x1] =	stream.indirect.gather [hbm4b:s2+s9], $0x10, s8, s9, $0xb8;
	[tilespmem:$0x1C000] =	vst v63  }
0x1a7: {  	s11 =	rddreg [dreg:$0xe];
	s5 =	sadd.s32 $0xE00, s4  }
0x1a8: {  	[tilespmem:s11], [sflag:$0x1] =	stream.indirect.gather [hbm4b:s2+s9], $0x10, s5, s9, $0xb8;
	[tilespmem:$0x1C000] =	vst v63  }
0x1a9: {  	s7 =	rddreg [dreg:$0xf];
	s8 =	sadd.s32 $0xE80, s4  }
0x1aa: {  	[tilespmem:s7], [sflag:$0x1] =	stream.indirect.gather [hbm4b:s2+s9], $0x10, s8, s9, $0xb8;
	[tilespmem:$0x1C000] =	vst v63  }
0x1ab: {  	s11 =	rddreg [dreg:$0x10];
	s7 =	sadd.s32 $0xF00, s4  }
0x1ac: {  	[tilespmem:s11], [sflag:$0x1] =	stream.indirect.gather [hbm4b:s2+s9], $0x10, s7, s9, $0xb8;
	[tilespmem:$0x1C000] =	vst v63  }
0x1ad: {  	s8 =	rddreg [dreg:$0x11];
	s11 =	sadd.s32 $0xF80, s4  }
0x1ae: {  	[tilespmem:s8], [sflag:$0x1] =	stream.indirect.gather [hbm4b:s2+s9], $0x10, s11, s9, $0xb8;
	[tilespmem:$0x1C000] =	vst v63  }
0x1af: {  	_ =	swait.ge [sflag:s29], $0x800  }
0x1b0: {  	[sflag:s29] =	ssyncset.done $0x0  }
0x1b1: {  	[sflag:s29] =	ssyncadd.s32 $0xFFFFF800  }
0x1b2: {  	_ =	swait.ge [sflag:s29], $0x800  }
0x1b3: {  	[sflag:s29] =	ssyncset.done $0x0  }
0x1b4: {  	[sflag:s29] =	ssyncadd.s32 $0xFFFFF800  }
0x1b5: {  	_ =	swait.ge [sflag:s29], $0x800  }
0x1b6: {  	[sflag:s29] =	ssyncset.done $0x0  }
0x1b7: {  	[sflag:s29] =	ssyncadd.s32 $0xFFFFF800  }
0x1b8: {  	_ =	swait.ge [sflag:s29], $0x800  }
0x1b9: {  	[sflag:s29] =	ssyncset.done $0x0  }
0x1ba: {  	[sflag:s29] =	ssyncadd.s32 $0xFFFFF800  }
0x1bb: {  	_ =	swait.ge [sflag:s29], $0x800  }
0x1bc: {  	[sflag:s29] =	ssyncset.done $0x0  }
0x1bd: {  	[sflag:s29] =	ssyncadd.s32 $0xFFFFF800  }
0x1be: {  	_ =	swait.ge [sflag:s29], $0x800  }
0x1bf: {  	[sflag:s29] =	ssyncset.done $0x0  }
0x1c0: {  	[sflag:s29] =	ssyncadd.s32 $0xFFFFF800  }
0x1c1: {  	_ =	swait.ge [sflag:s29], $0x800  }
0x1c2: {  	[sflag:s29] =	ssyncset.done $0x0  }
0x1c3: {  	[sflag:s29] =	ssyncadd.s32 $0xFFFFF800  }
0x1c4: {  	_ =	swait.ge [sflag:s29], $0x800  }
0x1c5: {  	[sflag:s29] =	ssyncset.done $0x0  }
0x1c6: {  	[sflag:s29] =	ssyncadd.s32 $0xFFFFF800  }
0x1c7: {  	_ =	swait.ge [sflag:s29], $0x800  }
0x1c8: {  	[sflag:s29] =	ssyncset.done $0x0  }
0x1c9: {  	[sflag:s29] =	ssyncadd.s32 $0xFFFFF800  }
0x1ca: {  	_ =	swait.ge [sflag:s29], $0x800  }
0x1cb: {  	[sflag:s29] =	ssyncset.done $0x0  }
0x1cc: {  	[sflag:s29] =	ssyncadd.s32 $0xFFFFF800  }
0x1cd: {  	_ =	swait.ge [sflag:s29], $0x800  }
0x1ce: {  	[sflag:s29] =	ssyncset.done $0x0  }
0x1cf: {  	[sflag:s29] =	ssyncadd.s32 $0xFFFFF800  }
0x1d0: {  	_ =	swait.ge [sflag:s29], $0x800  }
0x1d1: {  	[sflag:s29] =	ssyncset.done $0x0  }
0x1d2: {  	[sflag:s29] =	ssyncadd.s32 $0xFFFFF800  }
0x1d3: {  	_ =	swait.ge [sflag:s29], $0x800  }
0x1d4: {  	[sflag:s29] =	ssyncset.done $0x0  }
0x1d5: {  	[sflag:s29] =	ssyncadd.s32 $0xFFFFF800  }
0x1d6: {  	_ =	swait.ge [sflag:s29], $0x800  }
0x1d7: {  	[sflag:s29] =	ssyncset.done $0x0  }
0x1d8: {  	[sflag:s29] =	ssyncadd.s32 $0xFFFFF800  }
0x1d9: {  	_ =	swait.ge [sflag:s29], $0x800  }
0x1da: {  	[sflag:s29] =	ssyncset.done $0x0  }
0x1db: {  	[sflag:s29] =	ssyncadd.s32 $0xFFFFF800  }
0x1dc: {  	_ =	swait.ge [sflag:s29], $0x800  }
0x1dd: {  	[sflag:s29] =	ssyncset.done $0x0  }
0x1de: {  	[sflag:s29] =	ssyncadd.s32 $0xFFFFF800  }
0x1df: {  	[hbm4b:s22+s3] =	stream.linear.scatter [tilespmem:s10], [sflag:$0x2], $0x8000, $0x38;
	[tilespmem:$0x1C000] =	vst v63  }
0x1e0: {  	s4 =	smin.u32 s18, $0x15;
	_ =	swait.ge [sflag:s31], $0x8000  }
0x1e1: {  	s1 =	sshll.u32 s4, $0xB;
	[sflag:s31] =	ssyncset.done $0x0  }
0x1e2: {  	s5 =	sadd.s32 $0x1000, s1;
	[sflag:s31] =	ssyncadd.s32 $0xFFFF8000  }
0x1e3: {  	[tilespmem:s10], [sflag:$0x1] =	stream.indirect.gather [hbm4b:s2+s9], $0x10, s5, s9, $0xb8;
	[tilespmem:$0x1C000] =	vst v63  }
0x1e4: {  	s6 =	sadd.s32 $0x1080, s1  }
0x1e5: {  	[tilespmem:s13], [sflag:$0x1] =	stream.indirect.gather [hbm4b:s2+s9], $0x10, s6, s9, $0xb8;
	[tilespmem:$0x1C000] =	vst v63  }
0x1e6: {  	s7 =	sadd.s32 $0x1100, s1  }
0x1e7: {  	[tilespmem:s15], [sflag:$0x1] =	stream.indirect.gather [hbm4b:s2+s9], $0x10, s7, s9, $0xb8;
	[tilespmem:$0x1C000] =	vst v63  }
0x1e8: {  	s8 =	sadd.s32 $0x1180, s1  }
0x1e9: {  	[tilespmem:s17], [sflag:$0x1] =	stream.indirect.gather [hbm4b:s2+s9], $0x10, s8, s9, $0xb8;
	[tilespmem:$0x1C000] =	vst v63  }
0x1ea: {  	s11 =	sadd.s32 $0x1200, s1  }
0x1eb: {  	[tilespmem:s19], [sflag:$0x1] =	stream.indirect.gather [hbm4b:s2+s9], $0x10, s11, s9, $0xb8;
	[tilespmem:$0x1C000] =	vst v63  }
0x1ec: {  	s18 =	sadd.s32 $0x1280, s1  }
0x1ed: {  	[tilespmem:s21], [sflag:$0x1] =	stream.indirect.gather [hbm4b:s2+s9], $0x10, s18, s9, $0xb8;
	[tilespmem:$0x1C000] =	vst v63  }
0x1ee: {  	s22 =	sadd.s32 $0x1300, s1  }
0x1ef: {  	[tilespmem:s23], [sflag:$0x1] =	stream.indirect.gather [hbm4b:s2+s9], $0x10, s22, s9, $0xb8;
	[tilespmem:$0x1C000] =	vst v63  }
0x1f0: {  	s5 =	sadd.s32 $0x1380, s1  }
0x1f1: {  	[tilespmem:s25], [sflag:$0x1] =	stream.indirect.gather [hbm4b:s2+s9], $0x10, s5, s9, $0xb8;
	[tilespmem:$0x1C000] =	vst v63  }
0x1f2: {  	s6 =	sadd.s32 $0x1400, s1  }
0x1f3: {  	[tilespmem:s28], [sflag:$0x1] =	stream.indirect.gather [hbm4b:s2+s9], $0x10, s6, s9, $0xb8;
	[tilespmem:$0x1C000] =	vst v63  }
0x1f4: {  	s7 =	sadd.s32 $0x1480, s1  }
0x1f5: {  	[tilespmem:s30], [sflag:$0x1] =	stream.indirect.gather [hbm4b:s2+s9], $0x10, s7, s9, $0xb8;
	[tilespmem:$0x1C000] =	vst v63  }
0x1f6: {  	s8 =	sadd.s32 $0x1500, s1  }
0x1f7: {  	[tilespmem:s0], [sflag:$0x1] =	stream.indirect.gather [hbm4b:s2+s9], $0x10, s8, s9, $0xb8;
	[tilespmem:$0x1C000] =	vst v63  }
0x1f8: {  	s11 =	sadd.s32 $0x1580, s1  }
0x1f9: {  	[tilespmem:s12], [sflag:$0x1] =	stream.indirect.gather [hbm4b:s2+s9], $0x10, s11, s9, $0xb8;
	[tilespmem:$0x1C000] =	vst v63  }
0x1fa: {  	s12 =	sadd.s32 $0x1600, s1  }
0x1fb: {  	[tilespmem:s16], [sflag:$0x1] =	stream.indirect.gather [hbm4b:s2+s9], $0x10, s12, s9, $0xb8;
	[tilespmem:$0x1C000] =	vst v63  }
0x1fc: {  	s18 =	sadd.s32 $0x1680, s1  }
0x1fd: {  	[tilespmem:s20], [sflag:$0x1] =	stream.indirect.gather [hbm4b:s2+s9], $0x10, s18, s9, $0xb8;
	[tilespmem:$0x1C000] =	vst v63  }
0x1fe: {  	s22 =	sadd.s32 $0x1700, s1  }
0x1ff: {  	[tilespmem:s24], [sflag:$0x1] =	stream.indirect.gather [hbm4b:s2+s9], $0x10, s22, s9, $0xb8;
	[tilespmem:$0x1C000] =	vst v63  }
0x200: {  	s1 =	sadd.s32 $0x1780, s1;
	s24 =	simm.s32 $0x13800  }
0x201: {  	[tilespmem:s24], [sflag:$0x1] =	stream.indirect.gather [hbm4b:s2+s9], $0x10, s1, s9, $0xb8;
	[tilespmem:$0x1C000] =	vst v63  }
0x202: {  	_ =	swait.ge [sflag:s29], $0x800  }
0x203: {  	[sflag:s29] =	ssyncset.done $0x0  }
0x204: {  	[sflag:s29] =	ssyncadd.s32 $0xFFFFF800  }
0x205: {  	_ =	swait.ge [sflag:s29], $0x800  }
0x206: {  	[sflag:s29] =	ssyncset.done $0x0  }
0x207: {  	[sflag:s29] =	ssyncadd.s32 $0xFFFFF800  }
0x208: {  	_ =	swait.ge [sflag:s29], $0x800  }
0x209: {  	[sflag:s29] =	ssyncset.done $0x0  }
0x20a: {  	[sflag:s29] =	ssyncadd.s32 $0xFFFFF800  }
0x20b: {  	_ =	swait.ge [sflag:s29], $0x800  }
0x20c: {  	[sflag:s29] =	ssyncset.done $0x0  }
0x20d: {  	[sflag:s29] =	ssyncadd.s32 $0xFFFFF800  }
0x20e: {  	_ =	swait.ge [sflag:s29], $0x800  }
0x20f: {  	[sflag:s29] =	ssyncset.done $0x0  }
0x210: {  	[sflag:s29] =	ssyncadd.s32 $0xFFFFF800  }
0x211: {  	_ =	swait.ge [sflag:s29], $0x800  }
0x212: {  	[sflag:s29] =	ssyncset.done $0x0  }
0x213: {  	[sflag:s29] =	ssyncadd.s32 $0xFFFFF800  }
0x214: {  	_ =	swait.ge [sflag:s29], $0x800  }
0x215: {  	[sflag:s29] =	ssyncset.done $0x0  }
0x216: {  	[sflag:s29] =	ssyncadd.s32 $0xFFFFF800  }
0x217: {  	_ =	swait.ge [sflag:s29], $0x800  }
0x218: {  	[sflag:s29] =	ssyncset.done $0x0  }
0x219: {  	[sflag:s29] =	ssyncadd.s32 $0xFFFFF800  }
0x21a: {  	_ =	swait.ge [sflag:s29], $0x800  }
0x21b: {  	[sflag:s29] =	ssyncset.done $0x0  }
0x21c: {  	[sflag:s29] =	ssyncadd.s32 $0xFFFFF800  }
0x21d: {  	_ =	swait.ge [sflag:s29], $0x800  }
0x21e: {  	[sflag:s29] =	ssyncset.done $0x0  }
0x21f: {  	[sflag:s29] =	ssyncadd.s32 $0xFFFFF800  }
0x220: {  	_ =	swait.ge [sflag:s29], $0x800  }
0x221: {  	[sflag:s29] =	ssyncset.done $0x0  }
0x222: {  	[sflag:s29] =	ssyncadd.s32 $0xFFFFF800  }
0x223: {  	_ =	swait.ge [sflag:s29], $0x800  }
0x224: {  	[sflag:s29] =	ssyncset.done $0x0  }
0x225: {  	[sflag:s29] =	ssyncadd.s32 $0xFFFFF800  }
0x226: {  	_ =	swait.ge [sflag:s29], $0x800  }
0x227: {  	[sflag:s29] =	ssyncset.done $0x0  }
0x228: {  	[sflag:s29] =	ssyncadd.s32 $0xFFFFF800  }
0x229: {  	_ =	swait.ge [sflag:s29], $0x800  }
0x22a: {  	[sflag:s29] =	ssyncset.done $0x0  }
0x22b: {  	[sflag:s29] =	ssyncadd.s32 $0xFFFFF800  }
0x22c: {  	_ =	swait.ge [sflag:s29], $0x800  }
0x22d: {  	[sflag:s29] =	ssyncset.done $0x0  }
0x22e: {  	[sflag:s29] =	ssyncadd.s32 $0xFFFFF800  }
0x22f: {  	_ =	swait.ge [sflag:s29], $0x800  }
0x230: {  	[sflag:s29] =	ssyncset.done $0x0  }
0x231: {  	[sflag:s29] =	ssyncadd.s32 $0xFFFFF800  }
0x232: {  	[hbm4b:s14+s3] =	stream.linear.scatter [tilespmem:s26], [sflag:$0x2], $0x8000, $0x38;
	[tilespmem:$0x1C000] =	vst v63  }
0x233: {  	_ =	swait.ge [sflag:s29], $0x800  }
0x234: {  	[sflag:s29] =	ssyncset.done $0x0  }
0x235: {  	[sflag:s29] =	ssyncadd.s32 $0xFFFFF800  }
0x236: {  	_ =	swait.ge [sflag:s29], $0x800  }
0x237: {  	[sflag:s29] =	ssyncset.done $0x0  }
0x238: {  	[sflag:s29] =	ssyncadd.s32 $0xFFFFF800  }
0x239: {  	_ =	swait.ge [sflag:s29], $0x800  }
0x23a: {  	[sflag:s29] =	ssyncset.done $0x0  }
0x23b: {  	[sflag:s29] =	ssyncadd.s32 $0xFFFFF800  }
0x23c: {  	_ =	swait.ge [sflag:s29], $0x800  }
0x23d: {  	[sflag:s29] =	ssyncset.done $0x0  }
0x23e: {  	[sflag:s29] =	ssyncadd.s32 $0xFFFFF800  }
0x23f: {  	_ =	swait.ge [sflag:s29], $0x800  }
0x240: {  	[sflag:s29] =	ssyncset.done $0x0  }
0x241: {  	[sflag:s29] =	ssyncadd.s32 $0xFFFFF800  }
0x242: {  	_ =	swait.ge [sflag:s29], $0x800  }
0x243: {  	[sflag:s29] =	ssyncset.done $0x0  }
0x244: {  	[sflag:s29] =	ssyncadd.s32 $0xFFFFF800  }
0x245: {  	_ =	swait.ge [sflag:s29], $0x800  }
0x246: {  	[sflag:s29] =	ssyncset.done $0x0  }
0x247: {  	[sflag:s29] =	ssyncadd.s32 $0xFFFFF800  }
0x248: {  	_ =	swait.ge [sflag:s29], $0x800  }
0x249: {  	[sflag:s29] =	ssyncset.done $0x0  }
0x24a: {  	[sflag:s29] =	ssyncadd.s32 $0xFFFFF800  }
0x24b: {  	_ =	swait.ge [sflag:s29], $0x800  }
0x24c: {  	[sflag:s29] =	ssyncset.done $0x0  }
0x24d: {  	[sflag:s29] =	ssyncadd.s32 $0xFFFFF800  }
0x24e: {  	_ =	swait.ge [sflag:s29], $0x800  }
0x24f: {  	[sflag:s29] =	ssyncset.done $0x0  }
0x250: {  	[sflag:s29] =	ssyncadd.s32 $0xFFFFF800  }
0x251: {  	_ =	swait.ge [sflag:s29], $0x800  }
0x252: {  	[sflag:s29] =	ssyncset.done $0x0  }
0x253: {  	[sflag:s29] =	ssyncadd.s32 $0xFFFFF800  }
0x254: {  	_ =	swait.ge [sflag:s29], $0x800  }
0x255: {  	[sflag:s29] =	ssyncset.done $0x0  }
0x256: {  	[sflag:s29] =	ssyncadd.s32 $0xFFFFF800  }
0x257: {  	_ =	swait.ge [sflag:s29], $0x800  }
0x258: {  	[sflag:s29] =	ssyncset.done $0x0  }
0x259: {  	[sflag:s29] =	ssyncadd.s32 $0xFFFFF800  }
0x25a: {  	_ =	swait.ge [sflag:s29], $0x800  }
0x25b: {  	[sflag:s29] =	ssyncset.done $0x0  }
0x25c: {  	[sflag:s29] =	ssyncadd.s32 $0xFFFFF800  }
0x25d: {  	_ =	swait.ge [sflag:s29], $0x800  }
0x25e: {  	[sflag:s29] =	ssyncset.done $0x0  }
0x25f: {  	[sflag:s29] =	ssyncadd.s32 $0xFFFFF800  }
0x260: {  	_ =	swait.ge [sflag:s29], $0x800  }
0x261: {  	[sflag:s29] =	ssyncset.done $0x0  }
0x262: {  	[sflag:s29] =	ssyncadd.s32 $0xFFFFF800  }
0x263: {  	_ =	swait.ge [sflag:s31], $0x8000  }
0x264: {  	s28 =	rddreg [dreg:$0x16]  }
0x265: {  	s30 =	rddreg [dreg:$0x13];
	s0 =	sadd.s32 $0x1, s28  }
0x266: {  	p0 =	sne.s32 s0, s30  }
.Ltmp1:
0x267: {  	_ = 	snop;
	(pc) =	sbr.rel @p0 .LBB2_1-.Ltmp1, $3  }
0x268: {  	_ =	sdelay $0x1  }
0x269: {  	[sflag:s31] =	ssyncset.done $0x0  }
0x26a: {  	[sflag:s31] =	ssyncadd.s32 $0xFFFF8000  }
0x26b: {  	_ =	sfence.sel $0x180000  }
0x26c: {  	[bflag:$0x0] =	sbarrier.arrive $0xFFFF  }
0x26d: {  	_ =	strace $0x9000004A  }
0x26e: {  	s0 =	stileid.u32;
	[bflag:$0x2] =	sbarrier.arrive $0xFFFF  }
0x26f: {  	p0 =	sne.s32 s0, $0x0;
	s0 =	rddreg [dreg:$0x2]  }
0x270: {  	s0 =	sadd.s32 @!p0 $0x100000, s0  }
0x271: {  	[sflag:s0] =	ssyncadd.tile.s32 @!p0 $0x1;
	_ =	shalt  }
.Lfunc_end2:
_tile_overlayer_lowered:
.L_overlay_start_2:
0x272: {  	(tag) =	ssettag $0x2  }
0x273: {  	s0 =	rddreg [dreg:$0x0];
	s2 =	stileid.u32  }
0x274: {  	s1 =	rddreg [dreg:$0x1];
	p0 =	sne.s32 s2, $0x0  }
0x275: {  	s3 =	rddreg [dreg:$0x2];
	[bflag:$0x3] =	sbarrier.arrive $0xFFFF;
	s2 =	simm.s32 @!p0 $0x1C03  }
0x276: {  	[timem:s3], [sflag:s2] =	dma.local @!p0 [hbm:s0], s1  }
0x277: {  	s0 =	simm.s32 @!p0 $0x3  }
0x278: {  	_ =	swait.ge @!p0 [sflag:s0], s1  }
0x279: {  	s1 =	ssub.s32 @!p0 $0x0, s1;
	[sflag:s0] =	ssyncset.done @!p0 $0x0  }
0x27a: {  	[sflag:s0] =	ssyncadd.s32 @!p0 s1  }
0x27b: {  	[bflag:$0x3] =	sbarrier.arrive $0xFFFF  }
0x27c: {  	_ =	shalt  }

// kernel: sparse-core-data-format-call.cloned.1.call-start
scs
called_computation_lowered:
.L_overlay_start_0:
0x0: {  	s2 =	sld [smem:$0x3FD9]  }
0x1: {  	s3 =	sld [smem:$0x3FFE];
	_ =	sdelay $0x1  }
0x2: {  	s1 =	srdreg.scid  }
0x3: {  	s0 =	sand.u32 $0x1, s1  }
0x4: {  	s19 =	sshll.u32 s0, $0xA;
	s2 =	sadd.s32 s3, s2  }
0x5: {  	s2 =	sadd.s32 s2, s19  }
0x6: {  	[smem:$0x3FC7] =	sst s2  }
0x7: {  	_ = 	snop  }
0x8: {  	s2 =	sld [smem:$0x3FC9]  }
0x9: {  	s20 =	sld [smem:$0x3FD0];
	(tm) =	ssettm $0x1  }
0xa: {  	s4 =	sld [smem:$0x3FFB];
	_ =	sdelay $0x3  }
0xb: {  	_ =	strace s4  }
0xc: {  	s4 =	sld [smem:$0x3FFC];
	_ =	sdelay $0x3  }
0xd: {  	_ =	strace s4  }
0xe: {  	s4 =	sld [smem:$0x3FFD];
	_ =	sdelay $0x3  }
0xf: {  	_ =	strace s4  }
0x10: {  	_ =	strace $0x8FFFFFFF  }
0x11: {  	s21 =	sld [smem:$0x3FDB];
	_ =	sdelay $0x1  }
0x12: {  	s5 =	simm.s32 $_scs_section_size  }
0x13: {  	s6 =	simm.s32 $_size__tile_overlayer_lowered;
	s7 =	simm.s32 $_tile_overlayer_lowered  }
0x14: {  	s24 =	simm.s32 $0x1BFF;
	s23 =	sshll.u32 s7, $0x1;
	s4 =	sadd.s32 s5, s21  }
0x15: {  	s8 =	simm.s32 $0x0;
	s22 =	sshll.u32 s6, $0x1;
	s6 =	sadd.s32 s23, s4  }
0x16: {  	[timem:s8], [sflag:s24] =	dma.local [hbm:s6], s22  }
0x17: {  	_ =	swait.ge [sflag:s24], s22  }
0x18: {  	s5 =	ssub.s32 $0x0, s22;
	[sflag:s24] =	ssyncset.done $0x0  }
0x19: {  	[sflag:s24] =	ssyncadd.s32 s5;
	_ =	sdelay $0x1  }
0x1a: {  	s25 =	simm.s32 $0x1B8B  }
0x1b: {  	_ =	swait.ge [sflag:s25], $0x1  }
0x1c: {  	[sflag:s25] =	ssyncset.done $0x0  }
0x1d: {  	s26 =	simm.s32 $0x1B8E;
	[sflag:s25] =	ssyncadd.s32 $0xFFFFFFFF  }
0x1e: {  	s27 =	simm.s32 $execute0_lowered;
	[smem:$0x3FD2] =	sst s26  }
0x1f: {  	s5 =	sshll.u32 s27, $0x1;
	_ =	strace $0x80000046;
	[dreg:$0x1] =	wrdreg $0xFFFFFFFF  }
0x20: {  	s28 =	simm.s32 $_size_execute0_lowered;
	s4 =	sadd.s32 s4, s5;
	[dreg:$0x0] =	wrdreg $0x0  }
0x21: {  	s5 =	sshll.u32 s28, $0x1;
	[dreg:$0x2] =	wrdreg s4  }
0x22: {  	[dreg:$0x3] =	wrdreg s5  }
0x23: {  	[dreg:$0x4] =	wrdreg $0xC0  }
0x24: {  	_ =	task [dreg:s8], $0x5FFFF  }
0x25: {  	[dreg:$0x1] =	wrdreg $0xFFFFFFFF  }
0x26: {  	[dreg:$0x0] =	wrdreg $0x60  }
0x27: {  	[dreg:$0x2] =	wrdreg s2  }
0x28: {  	[dreg:$0x3] =	wrdreg s20  }
0x29: {  	[dreg:$0x4] =	wrdreg $0x9  }
0x2a: {  	_ =	task.clear_ibuf [dreg:s8], $0x5FFFF;
	_ =	strace $0x90000046  }
0x2b: {  	s29 =	simm.s32 $0x9;
	_ =	strace $0x80000048  }
0x2c: {  	_ =	swait.ge [sflag:s29], $0x1  }
0x2d: {  	[sflag:s29] =	ssyncadd.s32 $0xFFFFFFFF  }
0x2e: {  	_ =	strace $0x90000048  }
0x2f: {  	_ =	sfence  }
0x30: {  	s30 =	sld [smem:$0x0];
	_ =	sdelay $0x2  }
0x31: {  	s31 =	sshll.u32 s1, $0xD;
	s1 =	sshrl.u32 s1, $0x2  }
0x32: {  	s3 =	sand.u32 $0x4000, s31;
	s1 =	sadd.s32 s1, s30  }
0x33: {  	s0 =	sor.u32 s3, s0;
	s1 =	sshll.u32 s1, $0x11  }
0x34: {  	s0 =	sor.u32 s1, s0  }
0x35: {  	s0 =	sadd.s32 $0x8F2B, s0  }
0x36: {  	[sflag:s0] =	ssyncadd.remote.s32 $0x1  }
0x37: {  	_ =	sfence.sel $0xFFFF  }
0x38: {  	[dreg:$0x0] =	wrdreg $0xFFFFFFFF;
	(pc) =	sbr.abs _section_cstart, $3  }
0x39: {  	[dreg:$0x1] =	wrdreg $0xFFFFFFFF  }
0x3a: {  	_ =	task.clear_ibuf [dreg:s8], $0x2FFFF;
	_ =	strace $0x9FFFFFFF  }
0x3b: {  	(tm) =	ssettm $0x7FFFFFFF  }
tec
execute0_lowered:
.L_overlay_start_1:
0x0: {  	(tag) =	ssettag $0x1  }
0x1: {  	s0 =	srdreg.scid  }
0x2: {  	s1 =	sshll.u32 s0, $0x4  }
0x3: {  	s2 =	rddreg [dreg:$0x0];
	s0 =	stileid.u32;
	s1 =	sand.u32 $0x10, s1  }
0x4: {  	s4 =	rddreg [dreg:$0x1];
	s1 =	sor.u32 s0, s1  }
0x5: {  	s7 =	simm.s32 $0x1;
	s8 =	simm.s32 $0x2;
	s3 =	sshll.u32 s1, $0x2  }
0x6: {  	s9 =	simm.s32 $0x0;
	s12 =	simm.s32 $0x0;
	s6 =	ssub.s32 $0x1800, s3  }
.Ltmp0:
0x7: {  	s11 =	simm.s32 $0x0;
	s5 =	sand.u32 $0x7C, s6;
	(pc) =	sbr.rel .LBB1_1-.Ltmp0, $4  }
0x8: {  	s1 =	rddreg [dreg:$0x2];
	_ =	strace $0x80000047;
	p0 =	sne.s32 s5, $0x0  }
0x9: {  	s6 =	sshrl.u32 s6, $0x7;
	s5 =	simm.s32 $0x1;
	s7 =	simm.s32 @!p0 $0x0  }
0xa: {  	s10 =	smov.u32 s3;
	[sflag:s5] =	ssyncpa.u1 $0x0;
	s6 =	sadd.s32 s7, s6  }
0xb: {  	[sflag:s8] =	ssyncpa.u1 $0x0;
	s8 =	simm.s32 $0x0;
	s7 =	sadd.s32 $0x1, s6  }
.LBB1_9:
0xc: {  	s14 =	sadd.s32 $0x80, s10  }
0xd: {  	p1 =	sgt.s32 s14, $0x17FF  }
0xe: {  	s14 =	smov.u32 @p1 s3;
	p1 =	sne.s32 s11, s7  }
.Ltmp1:
0xf: {  	p0 =	slt.u32 s11, $0x2;
	(pc) =	sbr.rel @!p1 .LBB1_10-.Ltmp1, $4  }
0x10: {  	s13 =	simm.s32 @!p0 $0x2  }
0x11: {  	s15 =	sadd.s32 $0x1, s11;
	_ =	swait.ge @!p0 [sflag:s13], $0x4000  }
0x12: {  	s12 =	smov.u32 s10;
	s9 =	sadd.s32 $0x4000, s9;
	[sflag:s13] =	ssyncset.done @!p0 $0x0  }
0x13: {  	s11 =	smov.u32 s15;
	s10 =	smov.u32 s14;
	[sflag:s13] =	ssyncadd.s32 @!p0 $0xFFFFC000  }
.LBB1_1:
0x14: {  	p0 =	sge.u32 s11, s6  }
0x15: {  	s13 =	sxor.u32 @!p0 $0xFFFFFFFF, s11  }
0x16: {  	s31 =	sadd.s32 $0xFFFFFFFF, s11;
	s14 =	sshll.u32 @!p0 s10, $0x9;
	s13 =	sshll.u32 @!p0 s13, $0xE  }
0x17: {  	s15 =	simm.s32 @!p0 $0x0;
	s14 =	sadd.s32 @!p0 s2, s14;
	s13 =	sand.u32 @!p0 $0x4000, s13  }
0x18: {  	[tilespmem:s13], [sflag:$0x1] =	stream.linear.gather @!p0 [hbm4b:s14+s15], $0x4000, $0x38;
	[tilespmem:$0x10000] =	vst v63  }
0x19: {  	p0 =	sge.u32 s31, s6  }
.Ltmp2:
0x1a: {  	_ = 	snop;
	(pc) =	sbr.rel @p0 .LBB1_9-.Ltmp2, $1  }
0x1b: {  	_ =	sdelay $0x3  }
0x1c: {  	s14 =	sand.u32 $0x4000, s9  }
0x1d: {  	_ =	swait.ge [sflag:s5], $0x4000;
	s15 =	sshll.u32 s11, $0xE;
	s16 =	simm.s32 $0x0  }
0x1e: {  	s13 =	sor.u32 $0x40, s14;
	[sflag:s5] =	ssyncset.done $0x0;
	s15 =	sand.u32 $0x4000, s15  }
0x1f: {  	s14 =	sor.u32 $0x8040, s14;
	[sflag:s5] =	ssyncadd.s32 $0xFFFFC000;
	s15 =	sor.u32 $0x8000, s15  }
.LBB1_3:
0x20: {  	s17 =	smov.u32 s14;
	s18 =	smov.u32 s13;
	s19 =	simm.s32 $0x0  }
.LBB1_4:
0x21: {  	v0 =	vmov s17;
	v2 =	vld [tilespmem:s18+$0x30]  }
0x22: {  	v4 =	vld [tilespmem:s18+$0xFFFFFFD0]  }
0x23: {  	v6 =	vld [tilespmem:s18+$0xFFFFFFE0]  }
0x24: {  	v7 =	vld [tilespmem:s18+$0xFFFFFFF0]  }
0x25: {  	s20 =	simm.s32 $0x0;
	v1 =	vld [tilespmem:s18+$0x0]  }
0x26: {  	v3 =	vld [tilespmem:s18+$0x10];
	[tilespmem:v0+s20+$0x30 ss:$0x1] =	vst.idx.msk $0xffff, v2  }
0x27: {  	v5 =	vld [tilespmem:s18+$0x20];
	[tilespmem:v0+s20+$0xFFFFFFD0 ss:$0x1] =	vst.idx.msk $0xffff, v4  }
0x28: {  	s21 =	sadd.s32 $0x80, s18;
	v2 =	vld [tilespmem:s18+$0xFFFFFFC0];
	[tilespmem:v0+s20+$0xFFFFFFE0 ss:$0x1] =	vst.idx.msk $0xffff, v6  }
0x29: {  	s22 =	simm.s32 $0x800;
	s23 =	simm.s32 $0x1000;
	v4 =	vld [tilespmem:s21+$0x30];
	[tilespmem:v0+s20+$0xFFFFFFF0 ss:$0x1] =	vst.idx.msk $0xffff, v7  }
.LBB1_5:
0x2a: {  	p0 =	sne.s32 s23, $0x3800;
	v6 =	vld [tilespmem:s21+$0xFFFFFFD0];
	[tilespmem:v0+s20+$0x0 ss:$0x1] =	vst.idx.msk $0xffff, v1  }
0x2b: {  	v7 =	vld [tilespmem:s21+$0xFFFFFFE0];
	[tilespmem:v0+s20+$0x10 ss:$0x1] =	vst.idx.msk $0xffff, v3  }
0x2c: {  	v8 =	vld [tilespmem:s21+$0xFFFFFFF0];
	[tilespmem:v0+s20+$0x20 ss:$0x1] =	vst.idx.msk $0xffff, v5  }
.Ltmp3:
0x2d: {  	v1 =	vld [tilespmem:s21+$0x0];
	[tilespmem:v0+s20+$0xFFFFFFC0 ss:$0x1] =	vst.idx.msk $0xffff, v2;
	s20 =	sshra.s32 s22, $0x2;
	s22 =	smov.u32 s23;
	(pc) =	sbr.rel @p0 .LBB1_5-.Ltmp3, $4  }
0x2e: {  	v3 =	vld [tilespmem:s21+$0x10];
	[tilespmem:v0+s20+$0x30 ss:$0x1] =	vst.idx.msk $0xffff, v4  }
0x2f: {  	[tilespmem:v0+s20+$0xFFFFFFD0 ss:$0x1] =	vst.idx.msk $0xffff, v6;
	v5 =	vld [tilespmem:s21+$0x20]  }
0x30: {  	v2 =	vld [tilespmem:s21+$0xFFFFFFC0];
	[tilespmem:v0+s20+$0xFFFFFFE0 ss:$0x1] =	vst.idx.msk $0xffff, v7;
	s21 =	sadd.s32 $0x80, s21  }
0x31: {  	s23 =	sadd.s32 $0x800, s23;
	v4 =	vld [tilespmem:s21+$0x30];
	[tilespmem:v0+s20+$0xFFFFFFF0 ss:$0x1] =	vst.idx.msk $0xffff, v8  }
0x32: {  	_ =	sdelay $0x3  }
0x33: {  	v6 =	vld [tilespmem:s21+$0xFFFFFFD0];
	[tilespmem:v0+s20+$0x0 ss:$0x1] =	vst.idx.msk $0xffff, v1  }
0x34: {  	v58 =	vld [tilespmem:s21+$0xFFFFFFE0];
	[tilespmem:v0+s20+$0x10 ss:$0x1] =	vst.idx.msk $0xffff, v3  }
0x35: {  	v59 =	vld [tilespmem:s21+$0xFFFFFFF0];
	[tilespmem:v0+s20+$0x20 ss:$0x1] =	vst.idx.msk $0xffff, v5  }
0x36: {  	s22 =	sshra.s32 s22, $0x2;
	v60 =	vld [tilespmem:s21+$0x0];
	[tilespmem:v0+s20+$0xFFFFFFC0 ss:$0x1] =	vst.idx.msk $0xffff, v2  }
0x37: {  	v61 =	vld [tilespmem:s21+$0x10];
	[tilespmem:v0+s22+$0x30 ss:$0x1] =	vst.idx.msk $0xffff, v4  }
0x38: {  	v62 =	vld [tilespmem:s21+$0x20];
	s19 =	sadd.s32 $0x1, s19;
	[tilespmem:v0+s22+$0xFFFFFFD0 ss:$0x1] =	vst.idx.msk $0xffff, v6  }
0x39: {  	v63 =	vld [tilespmem:s21+$0xFFFFFFC0];
	p0 =	sne.s32 s19, $0x4;
	[tilespmem:v0+s22+$0xFFFFFFE0 ss:$0x1] =	vst.idx.msk $0xffff, v58  }
.Ltmp4:
0x3a: {  	[tilespmem:v0+s22+$0xFFFFFFF0 ss:$0x1] =	vst.idx.msk $0xffff, v59;
	(pc) =	sbr.rel @p0 .LBB1_4-.Ltmp4, $4  }
0x3b: {  	[tilespmem:v0+s22+$0x0 ss:$0x1] =	vst.idx.msk $0xffff, v60  }
0x3c: {  	[tilespmem:v0+s22+$0x10 ss:$0x1] =	vst.idx.msk $0xffff, v61  }
0x3d: {  	[tilespmem:v0+s22+$0x20 ss:$0x1] =	vst.idx.msk $0xffff, v62  }
0x3e: {  	s18 =	sadd.s32 $0x400, s18;
	s17 =	sadd.s32 $0x80, s17;
	[tilespmem:v0+s22+$0xFFFFFFC0 ss:$0x1] =	vst.idx.msk $0xffff, v63  }
0x3f: {  	s16 =	sadd.s32 $0x1, s16  }
0x40: {  	p0 =	sne.s32 s16, $0x4  }
.Ltmp5:
0x41: {  	_ = 	snop;
	(pc) =	sbr.rel @p0 .LBB1_3-.Ltmp5, $2  }
0x42: {  	_ =	sdelay $0x2  }
0x43: {  	s13 =	sadd.s32 $0x1000, s13;
	s14 =	sadd.s32 $0x1000, s14  }
.Ltmp6:
0x44: {  	(pc) =	sbr.rel .LBB1_9-.Ltmp6, $4  }
0x45: {  	_ = 	snop  }
0x46: {  	s12 =	sshll.u32 s12, $0x9  }
0x47: {  	s12 =	sadd.s32 s4, s12  }
0x48: {  	[hbm4b:s12+s8] =	stream.linear.scatter [tilespmem:s15], [sflag:$0x2], $0x4000, $0x38;
	[tilespmem:$0x10000] =	vst v63  }
.LBB1_10:
0x49: {  	_ =	sfence.sel $0x180000  }
0x4a: {  	s2 =	simm.s32 $0x1;
	[bflag:$0x0] =	sbarrier.arrive $0xFFFF  }
0x4b: {  	s31 =	simm.s32 $0x2;
	[sflag:s2] =	ssyncpa.u1 $0x1  }
0x4c: {  	[sflag:s31] =	ssyncpa.u1 $0x1  }
0x4d: {  	p0 =	sne.s32 s0, $0x0;
	_ =	strace $0x90000047  }
0x4e: {  	s0 =	sadd.s32 @!p0 $0x100000, s1;
	[bflag:$0x2] =	sbarrier.arrive $0xFFFF  }
0x4f: {  	[sflag:s0] =	ssyncadd.tile.s32 @!p0 $0x1;
	_ =	shalt  }
.Lfunc_end1:
_tile_overlayer_lowered:
.L_overlay_start_2:
0x50: {  	(tag) =	ssettag $0x2  }
0x51: {  	s0 =	rddreg [dreg:$0x0];
	s2 =	stileid.u32  }
0x52: {  	s1 =	rddreg [dreg:$0x1];
	p0 =	sne.s32 s2, $0x0  }
0x53: {  	s3 =	rddreg [dreg:$0x2];
	[bflag:$0x3] =	sbarrier.arrive $0xFFFF;
	s2 =	simm.s32 @!p0 $0x1C01  }
0x54: {  	[timem:s3], [sflag:s2] =	dma.local @!p0 [hbm:s0], s1  }
0x55: {  	s0 =	simm.s32 @!p0 $0x1  }
0x56: {  	_ =	swait.ge @!p0 [sflag:s0], s1  }
0x57: {  	s1 =	ssub.s32 @!p0 $0x0, s1;
	[sflag:s0] =	ssyncset.done @!p0 $0x0  }
0x58: {  	[sflag:s0] =	ssyncadd.s32 @!p0 s1  }
0x59: {  	[bflag:$0x3] =	sbarrier.arrive $0xFFFF  }
0x5a: {  	_ =	shalt  }

</sc_bundles>
